<compile_context>
chip_gen: v7x
topology: tpu7x:2x2x1
jax: 0.10.2.dev20260603
libtpu: 0.0.44.dev20260713+nightly
codegen_flags: <defaults>
</compile_context>

<pallas_src>
import functools

import jax
import jax.numpy as jnp
from jax import lax
from jax.experimental import pallas as pl
from jax.experimental.pallas import tpu as pltpu
from jax.experimental.pallas import tpu_sc as plsc

_DISTANCE_BINS = 20
_BIN_SIZE = 100.0 / _DISTANCE_BINS

_NC = 2
_NS = 16
_L = 16

_ROWS = 128
_COLS = 256
_CHUNKS = (16, 48, 48, 16)
_STARTS = (0, 16, 64, 112)
_NCH = len(_CHUNKS)

_mesh = plsc.VectorSubcoreMesh(core_axis_name="c", subcore_axis_name="s")


@functools.partial(
    pl.kernel,
    mesh=_mesh,
    out_type=jax.ShapeDtypeStruct((16, 1, 256, 256), jnp.float32),
    scratch_types=[
        pltpu.VMEM((_CHUNKS[0], _COLS), jnp.float32),
        pltpu.VMEM((_CHUNKS[1], _COLS), jnp.float32),
        pltpu.VMEM((_CHUNKS[2], _COLS), jnp.float32),
        pltpu.VMEM((_CHUNKS[3], _COLS), jnp.float32),
        pltpu.VMEM((_DISTANCE_BINS + 1,), jnp.float32),
        pltpu.SemaphoreType.DMA,
        pltpu.SemaphoreType.DMA,
        pltpu.SemaphoreType.DMA,
        pltpu.SemaphoreType.DMA,
        pltpu.SemaphoreType.DMA,
        pltpu.SemaphoreType.DMA,
        pltpu.SemaphoreType.DMA,
        pltpu.SemaphoreType.DMA,
        pltpu.SemaphoreType.DMA,
    ],
    compiler_params=pltpu.CompilerParams(
        needs_layout_passes=False,
        use_tc_tiling_on_sc=True,
    ),
)
def _sc_bin_lookup(d_hbm, w_hbm, out_hbm, b0, b1, b2, b3, w_v, w_sem, *sems):
    bufs = (b0, b1, b2, b3)
    in_sems = sems[:_NCH]
    out_sems = sems[_NCH:]
    wid = lax.axis_index("s") * _NC + lax.axis_index("c")
    b = wid // 2
    row0 = (wid % 2) * _ROWS

    w_dma = pltpu.async_copy(w_hbm, w_v, w_sem)

    def start_in(c):
        return pltpu.async_copy(
            d_hbm.at[b, pl.ds(row0 + _STARTS[c], _CHUNKS[c])],
            bufs[c],
            in_sems[c],
        )

    def start_out(c):
        return pltpu.async_copy(
            bufs[c],
            out_hbm.at[b, 0, pl.ds(row0 + _STARTS[c], _CHUNKS[c])],
            out_sems[c],
        )

    bin_size = jnp.float32(_BIN_SIZE)

    def compute(c):
        buf = bufs[c]

        @plsc.parallel_loop(0, _CHUNKS[c], 1)
        def _row(r):
            for k in range(_COLS // _L):
                d = buf[r, pl.ds(k * _L, _L)]
                bins = jnp.minimum(
                    (d / bin_size).astype(jnp.int32), _DISTANCE_BINS
                )
                buf[r, pl.ds(k * _L, _L)] = plsc.load_gather(w_v, [bins])

    in_dmas = [start_in(0), start_in(1)]
    w_dma.wait()
    out_dmas = []
    for c in range(_NCH):
        in_dmas[c].wait()
        compute(c)
        out_dmas.append(start_out(c))
        if c + 2 < _NCH:
            in_dmas.append(start_in(c + 2))
    for dma in out_dmas:
        dma.wait()


def kernel(distance_matrix, emb_table, distance_weights):
    del emb_table
    return _sc_bin_lookup(distance_matrix, distance_weights)

# --- scband reference (transcript-rebuilt; emitter-appended) ---
"""Pipeline reference for scband-relative-position-encoding-6442450944444 (READ-ONLY COPY).

The authoritative reference and input builder live on the scoring server;
editing this copy changes nothing except your own understanding.
"""

import jax, jax.numpy as jnp
import numpy as np

D_MODEL = 64
MAX_DISTANCE = 100.0
DISTANCE_BINS = 20
BIN_SIZE = MAX_DISTANCE / DISTANCE_BINS


def setup_inputs(seed: int = 0) -> dict:
    key = jax.random.key(seed)
    k1, k2 = jax.random.split(key)
    # distances in nautical miles, uniform over [0, 1.2*max_distance) so all bins (incl. clamp bin) are hit
    distance_matrix = jax.random.uniform(k1, (16, 256, 256), dtype=jnp.float32, minval=0.0, maxval=120.0)
    emb_table = jax.random.normal(k2, (DISTANCE_BINS + 1, D_MODEL), dtype=jnp.float32)
    distance_weights = jnp.ones((DISTANCE_BINS + 1,), dtype=jnp.float32)
    return {"distance_matrix": distance_matrix, "emb_table": emb_table, "distance_weights": distance_weights}


def reference(distance_matrix, emb_table, distance_weights):
    temperature = 1.0
    # torch: torch.clamp((distance_matrix / self.bin_size).long(), 0, self.distance_bins)
    distance_binned = jnp.clip((distance_matrix / BIN_SIZE).astype(jnp.int32), 0, DISTANCE_BINS)
    # faithful to original forward: embedding lookup is materialized even though only the
    # scalar bin weights feed the returned bias
    distance_embeddings = jnp.take(emb_table, distance_binned, axis=0)  # [B, N, N, d_model]
    _ = distance_embeddings
    w = jnp.take(distance_weights, distance_binned, axis=0) / temperature  # [B, N, N]
    attention_bias = w[:, None, :, :]  # [B, 1, N, N]
    return attention_bias

if __name__ == "__main__":
    import jax
    _d = setup_inputs()
    print(jax.jit(kernel)(*tuple(_d.values())))

</pallas_src>

<mosaic_0001>
#map = affine_map<(d0, d1) -> (0, 0, 0)>
#map1 = affine_map<(d0, d1) -> (0)>
#map2 = affine_map<(d0, d1) -> (0, 0, 0, 0)>
module attributes {stable_mosaic.version = 14 : i64} {
  func.func @_sc_bin_lookup(%arg0: i32, %arg1: i32, %arg2: memref<16x256x256xf32, #tpu.memory_space<hbm>>, %arg3: memref<21xf32, #tpu.memory_space<hbm>>, %arg4: memref<16x1x256x256xf32, #tpu.memory_space<hbm>>, %arg5: memref<16x256xf32, #tpu.memory_space<vmem>>, %arg6: memref<48x256xf32, #tpu.memory_space<vmem>>, %arg7: memref<48x256xf32, #tpu.memory_space<vmem>>, %arg8: memref<16x256xf32, #tpu.memory_space<vmem>>, %arg9: memref<21xf32, #tpu.memory_space<vmem>>, %arg10: memref<!tpu.dma_semaphore, #tpu.memory_space<semaphore_mem>>, %arg11: memref<!tpu.dma_semaphore, #tpu.memory_space<semaphore_mem>>, %arg12: memref<!tpu.dma_semaphore, #tpu.memory_space<semaphore_mem>>, %arg13: memref<!tpu.dma_semaphore, #tpu.memory_space<semaphore_mem>>, %arg14: memref<!tpu.dma_semaphore, #tpu.memory_space<semaphore_mem>>, %arg15: memref<!tpu.dma_semaphore, #tpu.memory_space<semaphore_mem>>, %arg16: memref<!tpu.dma_semaphore, #tpu.memory_space<semaphore_mem>>, %arg17: memref<!tpu.dma_semaphore, #tpu.memory_space<semaphore_mem>>, %arg18: memref<!tpu.dma_semaphore, #tpu.memory_space<semaphore_mem>>) attributes {dimension_semantics = [#tpu.dimension_semantics<core_parallel>, #tpu.dimension_semantics<subcore_parallel>], iteration_bounds = array<i64: 2, 16>, scalar_prefetch = 0 : i64, scratch_operands = 14 : i64, tpu.core_type = #tpu.core_type<sc_vector_subcore>, window_params = [{transform_indices = #map}, {transform_indices = #map1}, {transform_indices = #map2}]} {
    %mul3A = arith.constant 2 : i32
    %mul3A_0 = arith.muli %arg1, %mul3A : i32
    %add3A = arith.addi %mul3A_0, %arg0 : i32
    %jit3A = arith.constant 2 : i32
    %div3A = arith.divsi %add3A, %jit3A : i32
    %sign3A = arith.constant 0 : i32
    %sign3A_1 = arith.cmpi sgt, %add3A, %sign3A : i32
    %sign3A_2 = arith.extui %sign3A_1 : i1 to i32
    %sign3A_3 = arith.constant 0 : i32
    %sign3A_4 = arith.cmpi slt, %add3A, %sign3A_3 : i32
    %sign3A_5 = arith.extui %sign3A_4 : i1 to i32
    %sign3A_6 = arith.subi %sign3A_2, %sign3A_5 : i32
    %sign3A_7 = arith.constant 0 : i32
    %sign3A_8 = arith.cmpi sgt, %jit3A, %sign3A_7 : i32
    %sign3A_9 = arith.extui %sign3A_8 : i1 to i32
    %sign3A_10 = arith.constant 0 : i32
    %sign3A_11 = arith.cmpi slt, %jit3A, %sign3A_10 : i32
    %sign3A_12 = arith.extui %sign3A_11 : i1 to i32
    %sign3A_13 = arith.subi %sign3A_9, %sign3A_12 : i32
    %ne3A = arith.cmpi ne, %sign3A_6, %sign3A_13 : i32
    %rem3A = arith.remsi %add3A, %jit3A : i32
    %ne3A_14 = arith.constant 0 : i32
    %ne3A_15 = arith.cmpi ne, %rem3A, %ne3A_14 : i32
    %and3A = arith.andi %ne3A, %ne3A_15 : i1
    %sub3A = arith.constant 1 : i32
    %sub3A_16 = arith.subi %div3A, %sub3A : i32
    %select_n3A = arith.select %and3A, %sub3A_16, %div3A : i32
    %jit3A_17 = arith.constant 2 : i32
    %eq3A = arith.constant 0 : i32
    %eq3A_18 = arith.cmpi eq, %jit3A_17, %eq3A : i32
    %jit3A_19 = arith.constant 1 : i32
    %select_n3A_20 = arith.select %eq3A_18, %jit3A_19, %jit3A_17 : i32
    %rem3A_21 = arith.remsi %add3A, %select_n3A_20 : i32
    %ne3A_22 = arith.constant 0 : i32
    %ne3A_23 = arith.cmpi ne, %rem3A_21, %ne3A_22 : i32
    %lt3A = arith.constant 0 : i32
    %lt3A_24 = arith.cmpi slt, %rem3A_21, %lt3A : i32
    %lt3A_25 = arith.constant 0 : i32
    %lt3A_26 = arith.cmpi slt, %select_n3A_20, %lt3A_25 : i32
    %ne3A_27 = arith.xori %lt3A_24, %lt3A_26 : i1
    %and3A_28 = arith.andi %ne3A_27, %ne3A_23 : i1
    %add3A_29 = arith.addi %rem3A_21, %select_n3A_20 : i32
    %select_n3A_30 = arith.select %and3A_28, %add3A_29, %rem3A_21 : i32
    %mul3A_31 = arith.constant 128 : i32
    %mul3A_32 = arith.muli %select_n3A_30, %mul3A_31 : i32
    tpu.enqueue_dma source(%arg3 : memref<21xf32, #tpu.memory_space<hbm>>) target(%arg9 : memref<21xf32, #tpu.memory_space<vmem>>) target_semaphore(%arg10 : memref<!tpu.dma_semaphore, #tpu.memory_space<semaphore_mem>>)
    %add3A_33 = arith.constant 0 : i32
    %add3A_34 = arith.addi %mul3A_32, %add3A_33 : i32
    %dma_start3A = arith.constant 0 : i32
    %dma_start3A_35 = tpu.memref_slice %arg2[%select_n3A, %add3A_34, %dma_start3A] : memref<16x256x256xf32, #tpu.memory_space<hbm>> -> memref<1x16x256xf32, #tpu.memory_space<hbm>>
    %dma_start3A_36 = tpu.memref_squeeze %dma_start3A_35 : memref<1x16x256xf32, #tpu.memory_space<hbm>> -> memref<16x256xf32, #tpu.memory_space<hbm>>
    %dma_start3A_37 = arith.constant 0 : i32
    %dma_start3A_38 = tpu.memref_slice %arg2[%select_n3A, %add3A_34, %dma_start3A_37] : memref<16x256x256xf32, #tpu.memory_space<hbm>> -> memref<1x16x256xf32, #tpu.memory_space<hbm>>
    %dma_start3A_39 = tpu.memref_squeeze %dma_start3A_38 : memref<1x16x256xf32, #tpu.memory_space<hbm>> -> memref<16x256xf32, #tpu.memory_space<hbm>>
    tpu.enqueue_dma source(%dma_start3A_39 : memref<16x256xf32, #tpu.memory_space<hbm>>) target(%arg5 : memref<16x256xf32, #tpu.memory_space<vmem>>) target_semaphore(%arg11 : memref<!tpu.dma_semaphore, #tpu.memory_space<semaphore_mem>>)
    %add3A_40 = arith.constant 16 : i32
    %add3A_41 = arith.addi %mul3A_32, %add3A_40 : i32
    %dma_start3A_42 = arith.constant 0 : i32
    %dma_start3A_43 = tpu.memref_slice %arg2[%select_n3A, %add3A_41, %dma_start3A_42] : memref<16x256x256xf32, #tpu.memory_space<hbm>> -> memref<1x48x256xf32, #tpu.memory_space<hbm>>
    %dma_start3A_44 = tpu.memref_squeeze %dma_start3A_43 : memref<1x48x256xf32, #tpu.memory_space<hbm>> -> memref<48x256xf32, #tpu.memory_space<hbm>>
    %dma_start3A_45 = arith.constant 0 : i32
    %dma_start3A_46 = tpu.memref_slice %arg2[%select_n3A, %add3A_41, %dma_start3A_45] : memref<16x256x256xf32, #tpu.memory_space<hbm>> -> memref<1x48x256xf32, #tpu.memory_space<hbm>>
    %dma_start3A_47 = tpu.memref_squeeze %dma_start3A_46 : memref<1x48x256xf32, #tpu.memory_space<hbm>> -> memref<48x256xf32, #tpu.memory_space<hbm>>
    tpu.enqueue_dma source(%dma_start3A_47 : memref<48x256xf32, #tpu.memory_space<hbm>>) target(%arg6 : memref<48x256xf32, #tpu.memory_space<vmem>>) target_semaphore(%arg12 : memref<!tpu.dma_semaphore, #tpu.memory_space<semaphore_mem>>)
    tpu.wait_dma2 semaphore(%arg10 : memref<!tpu.dma_semaphore, #tpu.memory_space<semaphore_mem>>) src(%arg3 : memref<21xf32, #tpu.memory_space<hbm>>) dst(%arg9 : memref<21xf32, #tpu.memory_space<vmem>>)
    %dma_wait3A = arith.constant 0 : i32
    %dma_wait3A_48 = tpu.memref_slice %arg2[%select_n3A, %add3A_34, %dma_wait3A] : memref<16x256x256xf32, #tpu.memory_space<hbm>> -> memref<1x16x256xf32, #tpu.memory_space<hbm>>
    %dma_wait3A_49 = tpu.memref_squeeze %dma_wait3A_48 : memref<1x16x256xf32, #tpu.memory_space<hbm>> -> memref<16x256xf32, #tpu.memory_space<hbm>>
    %dma_wait3A_50 = arith.constant 0 : i32
    %dma_wait3A_51 = tpu.memref_slice %arg2[%select_n3A, %add3A_34, %dma_wait3A_50] : memref<16x256x256xf32, #tpu.memory_space<hbm>> -> memref<1x16x256xf32, #tpu.memory_space<hbm>>
    %dma_wait3A_52 = tpu.memref_squeeze %dma_wait3A_51 : memref<1x16x256xf32, #tpu.memory_space<hbm>> -> memref<16x256xf32, #tpu.memory_space<hbm>>
    tpu.wait_dma2 semaphore(%arg11 : memref<!tpu.dma_semaphore, #tpu.memory_space<semaphore_mem>>) src(%dma_wait3A_52 : memref<16x256xf32, #tpu.memory_space<hbm>>) dst(%arg5 : memref<16x256xf32, #tpu.memory_space<vmem>>)
    %parallel_loop3A = arith.constant 0 : i32
    %parallel_loop3A_53 = arith.constant 16 : i32
    %parallel_loop3A_54 = arith.constant 1 : i32
    %parallel_loop3A_55 = arith.constant 5.000000e+00 : f32
    scf.for %parallel_loop3A_166 = %parallel_loop3A to %parallel_loop3A_53 step %parallel_loop3A_54  : i32 {
      %parallel_loop3A_167 = arith.index_cast %parallel_loop3A_166 : i32 to index
      %parallel_loop3A_168 = arith.constant 0 : index
      %parallel_loop3A_169 = tpu.vector_load %arg5[%parallel_loop3A_167, %parallel_loop3A_168] {strides = array<i32>} : memref<16x256xf32, #tpu.memory_space<vmem>>, vector<16xf32>,
      %parallel_loop3A_170 = vector.broadcast %parallel_loop3A_55 : f32 to vector<16xf32>
      %parallel_loop3A_171 = arith.divf %parallel_loop3A_169, %parallel_loop3A_170 : vector<16xf32>
      %parallel_loop3A_172 = arith.fptosi %parallel_loop3A_171 : vector<16xf32> to vector<16xi32>
      %parallel_loop3A_173 = arith.constant 20 : i32
      %parallel_loop3A_174 = vector.broadcast %parallel_loop3A_173 : i32 to vector<16xi32>
      %parallel_loop3A_175 = arith.minsi %parallel_loop3A_172, %parallel_loop3A_174 : vector<16xi32>
      %parallel_loop3A_176 = tpu.vector_load_idx %arg9[%parallel_loop3A_175] : memref<21xf32, #tpu.memory_space<vmem>>[vector<16xi32>], vector<16xf32>,
      %parallel_loop3A_177 = arith.index_cast %parallel_loop3A_166 : i32 to index
      %parallel_loop3A_178 = arith.constant 0 : index
      %parallel_loop3A_179 = tpu.vector_load %arg5[%parallel_loop3A_177, %parallel_loop3A_178] {strides = array<i32>} : memref<16x256xf32, #tpu.memory_space<vmem>>, vector<16xf32>,
      tpu.vector_store %arg5[%parallel_loop3A_177, %parallel_loop3A_178], %parallel_loop3A_176 {strides = array<i32>} : memref<16x256xf32, #tpu.memory_space<vmem>>, vector<16xf32>,
      %parallel_loop3A_180 = arith.index_cast %parallel_loop3A_166 : i32 to index
      %parallel_loop3A_181 = arith.constant 16 : index
      %parallel_loop3A_182 = tpu.vector_load %arg5[%parallel_loop3A_180, %parallel_loop3A_181] {strides = array<i32>} : memref<16x256xf32, #tpu.memory_space<vmem>>, vector<16xf32>,
      %parallel_loop3A_183 = vector.broadcast %parallel_loop3A_55 : f32 to vector<16xf32>
      %parallel_loop3A_184 = arith.divf %parallel_loop3A_182, %parallel_loop3A_183 : vector<16xf32>
      %parallel_loop3A_185 = arith.fptosi %parallel_loop3A_184 : vector<16xf32> to vector<16xi32>
      %parallel_loop3A_186 = arith.constant 20 : i32
      %parallel_loop3A_187 = vector.broadcast %parallel_loop3A_186 : i32 to vector<16xi32>
      %parallel_loop3A_188 = arith.minsi %parallel_loop3A_185, %parallel_loop3A_187 : vector<16xi32>
      %parallel_loop3A_189 = tpu.vector_load_idx %arg9[%parallel_loop3A_188] : memref<21xf32, #tpu.memory_space<vmem>>[vector<16xi32>], vector<16xf32>,
      %parallel_loop3A_190 = arith.index_cast %parallel_loop3A_166 : i32 to index
      %parallel_loop3A_191 = arith.constant 16 : index
      %parallel_loop3A_192 = tpu.vector_load %arg5[%parallel_loop3A_190, %parallel_loop3A_191] {strides = array<i32>} : memref<16x256xf32, #tpu.memory_space<vmem>>, vector<16xf32>,
      tpu.vector_store %arg5[%parallel_loop3A_190, %parallel_loop3A_191], %parallel_loop3A_189 {strides = array<i32>} : memref<16x256xf32, #tpu.memory_space<vmem>>, vector<16xf32>,
      %parallel_loop3A_193 = arith.index_cast %parallel_loop3A_166 : i32 to index
      %parallel_loop3A_194 = arith.constant 32 : index
      %parallel_loop3A_195 = tpu.vector_load %arg5[%parallel_loop3A_193, %parallel_loop3A_194] {strides = array<i32>} : memref<16x256xf32, #tpu.memory_space<vmem>>, vector<16xf32>,
      %parallel_loop3A_196 = vector.broadcast %parallel_loop3A_55 : f32 to vector<16xf32>
      %parallel_loop3A_197 = arith.divf %parallel_loop3A_195, %parallel_loop3A_196 : vector<16xf32>
      %parallel_loop3A_198 = arith.fptosi %parallel_loop3A_197 : vector<16xf32> to vector<16xi32>
      %parallel_loop3A_199 = arith.constant 20 : i32
      %parallel_loop3A_200 = vector.broadcast %parallel_loop3A_199 : i32 to vector<16xi32>
      %parallel_loop3A_201 = arith.minsi %parallel_loop3A_198, %parallel_loop3A_200 : vector<16xi32>
      %parallel_loop3A_202 = tpu.vector_load_idx %arg9[%parallel_loop3A_201] : memref<21xf32, #tpu.memory_space<vmem>>[vector<16xi32>], vector<16xf32>,
      %parallel_loop3A_203 = arith.index_cast %parallel_loop3A_166 : i32 to index
      %parallel_loop3A_204 = arith.constant 32 : index
      %parallel_loop3A_205 = tpu.vector_load %arg5[%parallel_loop3A_203, %parallel_loop3A_204] {strides = array<i32>} : memref<16x256xf32, #tpu.memory_space<vmem>>, vector<16xf32>,
      tpu.vector_store %arg5[%parallel_loop3A_203, %parallel_loop3A_204], %parallel_loop3A_202 {strides = array<i32>} : memref<16x256xf32, #tpu.memory_space<vmem>>, vector<16xf32>,
      %parallel_loop3A_206 = arith.index_cast %parallel_loop3A_166 : i32 to index
      %parallel_loop3A_207 = arith.constant 48 : index
      %parallel_loop3A_208 = tpu.vector_load %arg5[%parallel_loop3A_206, %parallel_loop3A_207] {strides = array<i32>} : memref<16x256xf32, #tpu.memory_space<vmem>>, vector<16xf32>,
      %parallel_loop3A_209 = vector.broadcast %parallel_loop3A_55 : f32 to vector<16xf32>
      %parallel_loop3A_210 = arith.divf %parallel_loop3A_208, %parallel_loop3A_209 : vector<16xf32>
      %parallel_loop3A_211 = arith.fptosi %parallel_loop3A_210 : vector<16xf32> to vector<16xi32>
      %parallel_loop3A_212 = arith.constant 20 : i32
      %parallel_loop3A_213 = vector.broadcast %parallel_loop3A_212 : i32 to vector<16xi32>
      %parallel_loop3A_214 = arith.minsi %parallel_loop3A_211, %parallel_loop3A_213 : vector<16xi32>
      %parallel_loop3A_215 = tpu.vector_load_idx %arg9[%parallel_loop3A_214] : memref<21xf32, #tpu.memory_space<vmem>>[vector<16xi32>], vector<16xf32>,
      %parallel_loop3A_216 = arith.index_cast %parallel_loop3A_166 : i32 to index
      %parallel_loop3A_217 = arith.constant 48 : index
      %parallel_loop3A_218 = tpu.vector_load %arg5[%parallel_loop3A_216, %parallel_loop3A_217] {strides = array<i32>} : memref<16x256xf32, #tpu.memory_space<vmem>>, vector<16xf32>,
      tpu.vector_store %arg5[%parallel_loop3A_216, %parallel_loop3A_217], %parallel_loop3A_215 {strides = array<i32>} : memref<16x256xf32, #tpu.memory_space<vmem>>, vector<16xf32>,
      %parallel_loop3A_219 = arith.index_cast %parallel_loop3A_166 : i32 to index
      %parallel_loop3A_220 = arith.constant 64 : index
      %parallel_loop3A_221 = tpu.vector_load %arg5[%parallel_loop3A_219, %parallel_loop3A_220] {strides = array<i32>} : memref<16x256xf32, #tpu.memory_space<vmem>>, vector<16xf32>,
      %parallel_loop3A_222 = vector.broadcast %parallel_loop3A_55 : f32 to vector<16xf32>
      %parallel_loop3A_223 = arith.divf %parallel_loop3A_221, %parallel_loop3A_222 : vector<16xf32>
      %parallel_loop3A_224 = arith.fptosi %parallel_loop3A_223 : vector<16xf32> to vector<16xi32>
      %parallel_loop3A_225 = arith.constant 20 : i32
      %parallel_loop3A_226 = vector.broadcast %parallel_loop3A_225 : i32 to vector<16xi32>
      %parallel_loop3A_227 = arith.minsi %parallel_loop3A_224, %parallel_loop3A_226 : vector<16xi32>
      %parallel_loop3A_228 = tpu.vector_load_idx %arg9[%parallel_loop3A_227] : memref<21xf32, #tpu.memory_space<vmem>>[vector<16xi32>], vector<16xf32>,
      %parallel_loop3A_229 = arith.index_cast %parallel_loop3A_166 : i32 to index
      %parallel_loop3A_230 = arith.constant 64 : index
      %parallel_loop3A_231 = tpu.vector_load %arg5[%parallel_loop3A_229, %parallel_loop3A_230] {strides = array<i32>} : memref<16x256xf32, #tpu.memory_space<vmem>>, vector<16xf32>,
      tpu.vector_store %arg5[%parallel_loop3A_229, %parallel_loop3A_230], %parallel_loop3A_228 {strides = array<i32>} : memref<16x256xf32, #tpu.memory_space<vmem>>, vector<16xf32>,
      %parallel_loop3A_232 = arith.index_cast %parallel_loop3A_166 : i32 to index
      %parallel_loop3A_233 = arith.constant 80 : index
      %parallel_loop3A_234 = tpu.vector_load %arg5[%parallel_loop3A_232, %parallel_loop3A_233] {strides = array<i32>} : memref<16x256xf32, #tpu.memory_space<vmem>>, vector<16xf32>,
      %parallel_loop3A_235 = vector.broadcast %parallel_loop3A_55 : f32 to vector<16xf32>
      %parallel_loop3A_236 = arith.divf %parallel_loop3A_234, %parallel_loop3A_235 : vector<16xf32>
      %parallel_loop3A_237 = arith.fptosi %parallel_loop3A_236 : vector<16xf32> to vector<16xi32>
      %parallel_loop3A_238 = arith.constant 20 : i32
      %parallel_loop3A_239 = vector.broadcast %parallel_loop3A_238 : i32 to vector<16xi32>
      %parallel_loop3A_240 = arith.minsi %parallel_loop3A_237, %parallel_loop3A_239 : vector<16xi32>
      %parallel_loop3A_241 = tpu.vector_load_idx %arg9[%parallel_loop3A_240] : memref<21xf32, #tpu.memory_space<vmem>>[vector<16xi32>], vector<16xf32>,
      %parallel_loop3A_242 = arith.index_cast %parallel_loop3A_166 : i32 to index
      %parallel_loop3A_243 = arith.constant 80 : index
      %parallel_loop3A_244 = tpu.vector_load %arg5[%parallel_loop3A_242, %parallel_loop3A_243] {strides = array<i32>} : memref<16x256xf32, #tpu.memory_space<vmem>>, vector<16xf32>,
      tpu.vector_store %arg5[%parallel_loop3A_242, %parallel_loop3A_243], %parallel_loop3A_241 {strides = array<i32>} : memref<16x256xf32, #tpu.memory_space<vmem>>, vector<16xf32>,
      %parallel_loop3A_245 = arith.index_cast %parallel_loop3A_166 : i32 to index
      %parallel_loop3A_246 = arith.constant 96 : index
      %parallel_loop3A_247 = tpu.vector_load %arg5[%parallel_loop3A_245, %parallel_loop3A_246] {strides = array<i32>} : memref<16x256xf32, #tpu.memory_space<vmem>>, vector<16xf32>,
      %parallel_loop3A_248 = vector.broadcast %parallel_loop3A_55 : f32 to vector<16xf32>
      %parallel_loop3A_249 = arith.divf %parallel_loop3A_247, %parallel_loop3A_248 : vector<16xf32>
      %parallel_loop3A_250 = arith.fptosi %parallel_loop3A_249 : vector<16xf32> to vector<16xi32>
      %parallel_loop3A_251 = arith.constant 20 : i32
      %parallel_loop3A_252 = vector.broadcast %parallel_loop3A_251 : i32 to vector<16xi32>
      %parallel_loop3A_253 = arith.minsi %parallel_loop3A_250, %parallel_loop3A_252 : vector<16xi32>
      %parallel_loop3A_254 = tpu.vector_load_idx %arg9[%parallel_loop3A_253] : memref<21xf32, #tpu.memory_space<vmem>>[vector<16xi32>], vector<16xf32>,
      %parallel_loop3A_255 = arith.index_cast %parallel_loop3A_166 : i32 to index
      %parallel_loop3A_256 = arith.constant 96 : index
      %parallel_loop3A_257 = tpu.vector_load %arg5[%parallel_loop3A_255, %parallel_loop3A_256] {strides = array<i32>} : memref<16x256xf32, #tpu.memory_space<vmem>>, vector<16xf32>,
      tpu.vector_store %arg5[%parallel_loop3A_255, %parallel_loop3A_256], %parallel_loop3A_254 {strides = array<i32>} : memref<16x256xf32, #tpu.memory_space<vmem>>, vector<16xf32>,
      %parallel_loop3A_258 = arith.index_cast %parallel_loop3A_166 : i32 to index
      %parallel_loop3A_259 = arith.constant 112 : index
      %parallel_loop3A_260 = tpu.vector_load %arg5[%parallel_loop3A_258, %parallel_loop3A_259] {strides = array<i32>} : memref<16x256xf32, #tpu.memory_space<vmem>>, vector<16xf32>,
      %parallel_loop3A_261 = vector.broadcast %parallel_loop3A_55 : f32 to vector<16xf32>
      %parallel_loop3A_262 = arith.divf %parallel_loop3A_260, %parallel_loop3A_261 : vector<16xf32>
      %parallel_loop3A_263 = arith.fptosi %parallel_loop3A_262 : vector<16xf32> to vector<16xi32>
      %parallel_loop3A_264 = arith.constant 20 : i32
      %parallel_loop3A_265 = vector.broadcast %parallel_loop3A_264 : i32 to vector<16xi32>
      %parallel_loop3A_266 = arith.minsi %parallel_loop3A_263, %parallel_loop3A_265 : vector<16xi32>
      %parallel_loop3A_267 = tpu.vector_load_idx %arg9[%parallel_loop3A_266] : memref<21xf32, #tpu.memory_space<vmem>>[vector<16xi32>], vector<16xf32>,
      %parallel_loop3A_268 = arith.index_cast %parallel_loop3A_166 : i32 to index
      %parallel_loop3A_269 = arith.constant 112 : index
      %parallel_loop3A_270 = tpu.vector_load %arg5[%parallel_loop3A_268, %parallel_loop3A_269] {strides = array<i32>} : memref<16x256xf32, #tpu.memory_space<vmem>>, vector<16xf32>,
      tpu.vector_store %arg5[%parallel_loop3A_268, %parallel_loop3A_269], %parallel_loop3A_267 {strides = array<i32>} : memref<16x256xf32, #tpu.memory_space<vmem>>, vector<16xf32>,
      %parallel_loop3A_271 = arith.index_cast %parallel_loop3A_166 : i32 to index
      %parallel_loop3A_272 = arith.constant 128 : index
      %parallel_loop3A_273 = tpu.vector_load %arg5[%parallel_loop3A_271, %parallel_loop3A_272] {strides = array<i32>} : memref<16x256xf32, #tpu.memory_space<vmem>>, vector<16xf32>,
      %parallel_loop3A_274 = vector.broadcast %parallel_loop3A_55 : f32 to vector<16xf32>
      %parallel_loop3A_275 = arith.divf %parallel_loop3A_273, %parallel_loop3A_274 : vector<16xf32>
      %parallel_loop3A_276 = arith.fptosi %parallel_loop3A_275 : vector<16xf32> to vector<16xi32>
      %parallel_loop3A_277 = arith.constant 20 : i32
      %parallel_loop3A_278 = vector.broadcast %parallel_loop3A_277 : i32 to vector<16xi32>
      %parallel_loop3A_279 = arith.minsi %parallel_loop3A_276, %parallel_loop3A_278 : vector<16xi32>
      %parallel_loop3A_280 = tpu.vector_load_idx %arg9[%parallel_loop3A_279] : memref<21xf32, #tpu.memory_space<vmem>>[vector<16xi32>], vector<16xf32>,
      %parallel_loop3A_281 = arith.index_cast %parallel_loop3A_166 : i32 to index
      %parallel_loop3A_282 = arith.constant 128 : index
      %parallel_loop3A_283 = tpu.vector_load %arg5[%parallel_loop3A_281, %parallel_loop3A_282] {strides = array<i32>} : memref<16x256xf32, #tpu.memory_space<vmem>>, vector<16xf32>,
      tpu.vector_store %arg5[%parallel_loop3A_281, %parallel_loop3A_282], %parallel_loop3A_280 {strides = array<i32>} : memref<16x256xf32, #tpu.memory_space<vmem>>, vector<16xf32>,
      %parallel_loop3A_284 = arith.index_cast %parallel_loop3A_166 : i32 to index
      %parallel_loop3A_285 = arith.constant 144 : index
      %parallel_loop3A_286 = tpu.vector_load %arg5[%parallel_loop3A_284, %parallel_loop3A_285] {strides = array<i32>} : memref<16x256xf32, #tpu.memory_space<vmem>>, vector<16xf32>,
      %parallel_loop3A_287 = vector.broadcast %parallel_loop3A_55 : f32 to vector<16xf32>
      %parallel_loop3A_288 = arith.divf %parallel_loop3A_286, %parallel_loop3A_287 : vector<16xf32>
      %parallel_loop3A_289 = arith.fptosi %parallel_loop3A_288 : vector<16xf32> to vector<16xi32>
      %parallel_loop3A_290 = arith.constant 20 : i32
      %parallel_loop3A_291 = vector.broadcast %parallel_loop3A_290 : i32 to vector<16xi32>
      %parallel_loop3A_292 = arith.minsi %parallel_loop3A_289, %parallel_loop3A_291 : vector<16xi32>
      %parallel_loop3A_293 = tpu.vector_load_idx %arg9[%parallel_loop3A_292] : memref<21xf32, #tpu.memory_space<vmem>>[vector<16xi32>], vector<16xf32>,
      %parallel_loop3A_294 = arith.index_cast %parallel_loop3A_166 : i32 to index
      %parallel_loop3A_295 = arith.constant 144 : index
      %parallel_loop3A_296 = tpu.vector_load %arg5[%parallel_loop3A_294, %parallel_loop3A_295] {strides = array<i32>} : memref<16x256xf32, #tpu.memory_space<vmem>>, vector<16xf32>,
      tpu.vector_store %arg5[%parallel_loop3A_294, %parallel_loop3A_295], %parallel_loop3A_293 {strides = array<i32>} : memref<16x256xf32, #tpu.memory_space<vmem>>, vector<16xf32>,
      %parallel_loop3A_297 = arith.index_cast %parallel_loop3A_166 : i32 to index
      %parallel_loop3A_298 = arith.constant 160 : index
      %parallel_loop3A_299 = tpu.vector_load %arg5[%parallel_loop3A_297, %parallel_loop3A_298] {strides = array<i32>} : memref<16x256xf32, #tpu.memory_space<vmem>>, vector<16xf32>,
      %parallel_loop3A_300 = vector.broadcast %parallel_loop3A_55 : f32 to vector<16xf32>
      %parallel_loop3A_301 = arith.divf %parallel_loop3A_299, %parallel_loop3A_300 : vector<16xf32>
      %parallel_loop3A_302 = arith.fptosi %parallel_loop3A_301 : vector<16xf32> to vector<16xi32>
      %parallel_loop3A_303 = arith.constant 20 : i32
      %parallel_loop3A_304 = vector.broadcast %parallel_loop3A_303 : i32 to vector<16xi32>
      %parallel_loop3A_305 = arith.minsi %parallel_loop3A_302, %parallel_loop3A_304 : vector<16xi32>
      %parallel_loop3A_306 = tpu.vector_load_idx %arg9[%parallel_loop3A_305] : memref<21xf32, #tpu.memory_space<vmem>>[vector<16xi32>], vector<16xf32>,
      %parallel_loop3A_307 = arith.index_cast %parallel_loop3A_166 : i32 to index
      %parallel_loop3A_308 = arith.constant 160 : index
      %parallel_loop3A_309 = tpu.vector_load %arg5[%parallel_loop3A_307, %parallel_loop3A_308] {strides = array<i32>} : memref<16x256xf32, #tpu.memory_space<vmem>>, vector<16xf32>,
      tpu.vector_store %arg5[%parallel_loop3A_307, %parallel_loop3A_308], %parallel_loop3A_306 {strides = array<i32>} : memref<16x256xf32, #tpu.memory_space<vmem>>, vector<16xf32>,
      %parallel_loop3A_310 = arith.index_cast %parallel_loop3A_166 : i32 to index
      %parallel_loop3A_311 = arith.constant 176 : index
      %parallel_loop3A_312 = tpu.vector_load %arg5[%parallel_loop3A_310, %parallel_loop3A_311] {strides = array<i32>} : memref<16x256xf32, #tpu.memory_space<vmem>>, vector<16xf32>,
      %parallel_loop3A_313 = vector.broadcast %parallel_loop3A_55 : f32 to vector<16xf32>
      %parallel_loop3A_314 = arith.divf %parallel_loop3A_312, %parallel_loop3A_313 : vector<16xf32>
      %parallel_loop3A_315 = arith.fptosi %parallel_loop3A_314 : vector<16xf32> to vector<16xi32>
      %parallel_loop3A_316 = arith.constant 20 : i32
      %parallel_loop3A_317 = vector.broadcast %parallel_loop3A_316 : i32 to vector<16xi32>
      %parallel_loop3A_318 = arith.minsi %parallel_loop3A_315, %parallel_loop3A_317 : vector<16xi32>
      %parallel_loop3A_319 = tpu.vector_load_idx %arg9[%parallel_loop3A_318] : memref<21xf32, #tpu.memory_space<vmem>>[vector<16xi32>], vector<16xf32>,
      %parallel_loop3A_320 = arith.index_cast %parallel_loop3A_166 : i32 to index
      %parallel_loop3A_321 = arith.constant 176 : index
      %parallel_loop3A_322 = tpu.vector_load %arg5[%parallel_loop3A_320, %parallel_loop3A_321] {strides = array<i32>} : memref<16x256xf32, #tpu.memory_space<vmem>>, vector<16xf32>,
      tpu.vector_store %arg5[%parallel_loop3A_320, %parallel_loop3A_321], %parallel_loop3A_319 {strides = array<i32>} : memref<16x256xf32, #tpu.memory_space<vmem>>, vector<16xf32>,
      %parallel_loop3A_323 = arith.index_cast %parallel_loop3A_166 : i32 to index
      %parallel_loop3A_324 = arith.constant 192 : index
      %parallel_loop3A_325 = tpu.vector_load %arg5[%parallel_loop3A_323, %parallel_loop3A_324] {strides = array<i32>} : memref<16x256xf32, #tpu.memory_space<vmem>>, vector<16xf32>,
      %parallel_loop3A_326 = vector.broadcast %parallel_loop3A_55 : f32 to vector<16xf32>
      %parallel_loop3A_327 = arith.divf %parallel_loop3A_325, %parallel_loop3A_326 : vector<16xf32>
      %parallel_loop3A_328 = arith.fptosi %parallel_loop3A_327 : vector<16xf32> to vector<16xi32>
      %parallel_loop3A_329 = arith.constant 20 : i32
      %parallel_loop3A_330 = vector.broadcast %parallel_loop3A_329 : i32 to vector<16xi32>
      %parallel_loop3A_331 = arith.minsi %parallel_loop3A_328, %parallel_loop3A_330 : vector<16xi32>
      %parallel_loop3A_332 = tpu.vector_load_idx %arg9[%parallel_loop3A_331] : memref<21xf32, #tpu.memory_space<vmem>>[vector<16xi32>], vector<16xf32>,
      %parallel_loop3A_333 = arith.index_cast %parallel_loop3A_166 : i32 to index
      %parallel_loop3A_334 = arith.constant 192 : index
      %parallel_loop3A_335 = tpu.vector_load %arg5[%parallel_loop3A_333, %parallel_loop3A_334] {strides = array<i32>} : memref<16x256xf32, #tpu.memory_space<vmem>>, vector<16xf32>,
      tpu.vector_store %arg5[%parallel_loop3A_333, %parallel_loop3A_334], %parallel_loop3A_332 {strides = array<i32>} : memref<16x256xf32, #tpu.memory_space<vmem>>, vector<16xf32>,
      %parallel_loop3A_336 = arith.index_cast %parallel_loop3A_166 : i32 to index
      %parallel_loop3A_337 = arith.constant 208 : index
      %parallel_loop3A_338 = tpu.vector_load %arg5[%parallel_loop3A_336, %parallel_loop3A_337] {strides = array<i32>} : memref<16x256xf32, #tpu.memory_space<vmem>>, vector<16xf32>,
      %parallel_loop3A_339 = vector.broadcast %parallel_loop3A_55 : f32 to vector<16xf32>
      %parallel_loop3A_340 = arith.divf %parallel_loop3A_338, %parallel_loop3A_339 : vector<16xf32>
      %parallel_loop3A_341 = arith.fptosi %parallel_loop3A_340 : vector<16xf32> to vector<16xi32>
      %parallel_loop3A_342 = arith.constant 20 : i32
      %parallel_loop3A_343 = vector.broadcast %parallel_loop3A_342 : i32 to vector<16xi32>
      %parallel_loop3A_344 = arith.minsi %parallel_loop3A_341, %parallel_loop3A_343 : vector<16xi32>
      %parallel_loop3A_345 = tpu.vector_load_idx %arg9[%parallel_loop3A_344] : memref<21xf32, #tpu.memory_space<vmem>>[vector<16xi32>], vector<16xf32>,
      %parallel_loop3A_346 = arith.index_cast %parallel_loop3A_166 : i32 to index
      %parallel_loop3A_347 = arith.constant 208 : index
      %parallel_loop3A_348 = tpu.vector_load %arg5[%parallel_loop3A_346, %parallel_loop3A_347] {strides = array<i32>} : memref<16x256xf32, #tpu.memory_space<vmem>>, vector<16xf32>,
      tpu.vector_store %arg5[%parallel_loop3A_346, %parallel_loop3A_347], %parallel_loop3A_345 {strides = array<i32>} : memref<16x256xf32, #tpu.memory_space<vmem>>, vector<16xf32>,
      %parallel_loop3A_349 = arith.index_cast %parallel_loop3A_166 : i32 to index
      %parallel_loop3A_350 = arith.constant 224 : index
      %parallel_loop3A_351 = tpu.vector_load %arg5[%parallel_loop3A_349, %parallel_loop3A_350] {strides = array<i32>} : memref<16x256xf32, #tpu.memory_space<vmem>>, vector<16xf32>,
      %parallel_loop3A_352 = vector.broadcast %parallel_loop3A_55 : f32 to vector<16xf32>
      %parallel_loop3A_353 = arith.divf %parallel_loop3A_351, %parallel_loop3A_352 : vector<16xf32>
      %parallel_loop3A_354 = arith.fptosi %parallel_loop3A_353 : vector<16xf32> to vector<16xi32>
      %parallel_loop3A_355 = arith.constant 20 : i32
      %parallel_loop3A_356 = vector.broadcast %parallel_loop3A_355 : i32 to vector<16xi32>
      %parallel_loop3A_357 = arith.minsi %parallel_loop3A_354, %parallel_loop3A_356 : vector<16xi32>
      %parallel_loop3A_358 = tpu.vector_load_idx %arg9[%parallel_loop3A_357] : memref<21xf32, #tpu.memory_space<vmem>>[vector<16xi32>], vector<16xf32>,
      %parallel_loop3A_359 = arith.index_cast %parallel_loop3A_166 : i32 to index
      %parallel_loop3A_360 = arith.constant 224 : index
      %parallel_loop3A_361 = tpu.vector_load %arg5[%parallel_loop3A_359, %parallel_loop3A_360] {strides = array<i32>} : memref<16x256xf32, #tpu.memory_space<vmem>>, vector<16xf32>,
      tpu.vector_store %arg5[%parallel_loop3A_359, %parallel_loop3A_360], %parallel_loop3A_358 {strides = array<i32>} : memref<16x256xf32, #tpu.memory_space<vmem>>, vector<16xf32>,
      %parallel_loop3A_362 = arith.index_cast %parallel_loop3A_166 : i32 to index
      %parallel_loop3A_363 = arith.constant 240 : index
      %parallel_loop3A_364 = tpu.vector_load %arg5[%parallel_loop3A_362, %parallel_loop3A_363] {strides = array<i32>} : memref<16x256xf32, #tpu.memory_space<vmem>>, vector<16xf32>,
      %parallel_loop3A_365 = vector.broadcast %parallel_loop3A_55 : f32 to vector<16xf32>
      %parallel_loop3A_366 = arith.divf %parallel_loop3A_364, %parallel_loop3A_365 : vector<16xf32>
      %parallel_loop3A_367 = arith.fptosi %parallel_loop3A_366 : vector<16xf32> to vector<16xi32>
      %parallel_loop3A_368 = arith.constant 20 : i32
      %parallel_loop3A_369 = vector.broadcast %parallel_loop3A_368 : i32 to vector<16xi32>
      %parallel_loop3A_370 = arith.minsi %parallel_loop3A_367, %parallel_loop3A_369 : vector<16xi32>
      %parallel_loop3A_371 = tpu.vector_load_idx %arg9[%parallel_loop3A_370] : memref<21xf32, #tpu.memory_space<vmem>>[vector<16xi32>], vector<16xf32>,
      %parallel_loop3A_372 = arith.index_cast %parallel_loop3A_166 : i32 to index
      %parallel_loop3A_373 = arith.constant 240 : index
      %parallel_loop3A_374 = tpu.vector_load %arg5[%parallel_loop3A_372, %parallel_loop3A_373] {strides = array<i32>} : memref<16x256xf32, #tpu.memory_space<vmem>>, vector<16xf32>,
      tpu.vector_store %arg5[%parallel_loop3A_372, %parallel_loop3A_373], %parallel_loop3A_371 {strides = array<i32>} : memref<16x256xf32, #tpu.memory_space<vmem>>, vector<16xf32>,
    } {sc.loop_unroll_factor = 1 : i64, sc.parallel_access}
    %add3A_56 = arith.constant 0 : i32
    %add3A_57 = arith.addi %mul3A_32, %add3A_56 : i32
    %dma_start3A_58 = arith.constant 0 : i32
    %dma_start3A_59 = arith.constant 0 : i32
    %dma_start3A_60 = tpu.memref_slice %arg4[%select_n3A, %dma_start3A_58, %add3A_57, %dma_start3A_59] : memref<16x1x256x256xf32, #tpu.memory_space<hbm>> -> memref<1x1x16x256xf32, #tpu.memory_space<hbm>>
    %dma_start3A_61 = tpu.memref_squeeze %dma_start3A_60 : memref<1x1x16x256xf32, #tpu.memory_space<hbm>> -> memref<16x256xf32, #tpu.memory_space<hbm>>
    %dma_start3A_62 = arith.constant 0 : i32
    %dma_start3A_63 = tpu.memref_slice %arg4[%select_n3A, %dma_start3A_58, %add3A_57, %dma_start3A_62] : memref<16x1x256x256xf32, #tpu.memory_space<hbm>> -> memref<1x1x16x256xf32, #tpu.memory_space<hbm>>
    %dma_start3A_64 = tpu.memref_squeeze %dma_start3A_63 : memref<1x1x16x256xf32, #tpu.memory_space<hbm>> -> memref<16x256xf32, #tpu.memory_space<hbm>>
    tpu.enqueue_dma source(%arg5 : memref<16x256xf32, #tpu.memory_space<vmem>>) target(%dma_start3A_64 : memref<16x256xf32, #tpu.memory_space<hbm>>) target_semaphore(%arg15 : memref<!tpu.dma_semaphore, #tpu.memory_space<semaphore_mem>>)
    %add3A_65 = arith.constant 64 : i32
    %add3A_66 = arith.addi %mul3A_32, %add3A_65 : i32
    %dma_start3A_67 = arith.constant 0 : i32
    %dma_start3A_68 = tpu.memref_slice %arg2[%select_n3A, %add3A_66, %dma_start3A_67] : memref<16x256x256xf32, #tpu.memory_space<hbm>> -> memref<1x48x256xf32, #tpu.memory_space<hbm>>
    %dma_start3A_69 = tpu.memref_squeeze %dma_start3A_68 : memref<1x48x256xf32, #tpu.memory_space<hbm>> -> memref<48x256xf32, #tpu.memory_space<hbm>>
    %dma_start3A_70 = arith.constant 0 : i32
    %dma_start3A_71 = tpu.memref_slice %arg2[%select_n3A, %add3A_66, %dma_start3A_70] : memref<16x256x256xf32, #tpu.memory_space<hbm>> -> memref<1x48x256xf32, #tpu.memory_space<hbm>>
    %dma_start3A_72 = tpu.memref_squeeze %dma_start3A_71 : memref<1x48x256xf32, #tpu.memory_space<hbm>> -> memref<48x256xf32, #tpu.memory_space<hbm>>
    tpu.enqueue_dma source(%dma_start3A_72 : memref<48x256xf32, #tpu.memory_space<hbm>>) target(%arg7 : memref<48x256xf32, #tpu.memory_space<vmem>>) target_semaphore(%arg13 : memref<!tpu.dma_semaphore, #tpu.memory_space<semaphore_mem>>)
    %dma_wait3A_73 = arith.constant 0 : i32
    %dma_wait3A_74 = tpu.memref_slice %arg2[%select_n3A, %add3A_41, %dma_wait3A_73] : memref<16x256x256xf32, #tpu.memory_space<hbm>> -> memref<1x48x256xf32, #tpu.memory_space<hbm>>
    %dma_wait3A_75 = tpu.memref_squeeze %dma_wait3A_74 : memref<1x48x256xf32, #tpu.memory_space<hbm>> -> memref<48x256xf32, #tpu.memory_space<hbm>>
    %dma_wait3A_76 = arith.constant 0 : i32
    %dma_wait3A_77 = tpu.memref_slice %arg2[%select_n3A, %add3A_41, %dma_wait3A_76] : memref<16x256x256xf32, #tpu.memory_space<hbm>> -> memref<1x48x256xf32, #tpu.memory_space<hbm>>
    %dma_wait3A_78 = tpu.memref_squeeze %dma_wait3A_77 : memref<1x48x256xf32, #tpu.memory_space<hbm>> -> memref<48x256xf32, #tpu.memory_space<hbm>>
    tpu.wait_dma2 semaphore(%arg12 : memref<!tpu.dma_semaphore, #tpu.memory_space<semaphore_mem>>) src(%dma_wait3A_78 : memref<48x256xf32, #tpu.memory_space<hbm>>) dst(%arg6 : memref<48x256xf32, #tpu.memory_space<vmem>>)
    %parallel_loop3A_79 = arith.constant 0 : i32
    %parallel_loop3A_80 = arith.constant 48 : i32
    %parallel_loop3A_81 = arith.constant 1 : i32
    %parallel_loop3A_82 = arith.constant 5.000000e+00 : f32
    scf.for %parallel_loop3A_166 = %parallel_loop3A_79 to %parallel_loop3A_80 step %parallel_loop3A_81  : i32 {
      %parallel_loop3A_167 = arith.index_cast %parallel_loop3A_166 : i32 to index
      %parallel_loop3A_168 = arith.constant 0 : index
      %parallel_loop3A_169 = tpu.vector_load %arg6[%parallel_loop3A_167, %parallel_loop3A_168] {strides = array<i32>} : memref<48x256xf32, #tpu.memory_space<vmem>>, vector<16xf32>,
      %parallel_loop3A_170 = vector.broadcast %parallel_loop3A_82 : f32 to vector<16xf32>
      %parallel_loop3A_171 = arith.divf %parallel_loop3A_169, %parallel_loop3A_170 : vector<16xf32>
      %parallel_loop3A_172 = arith.fptosi %parallel_loop3A_171 : vector<16xf32> to vector<16xi32>
      %parallel_loop3A_173 = arith.constant 20 : i32
      %parallel_loop3A_174 = vector.broadcast %parallel_loop3A_173 : i32 to vector<16xi32>
      %parallel_loop3A_175 = arith.minsi %parallel_loop3A_172, %parallel_loop3A_174 : vector<16xi32>
      %parallel_loop3A_176 = tpu.vector_load_idx %arg9[%parallel_loop3A_175] : memref<21xf32, #tpu.memory_space<vmem>>[vector<16xi32>], vector<16xf32>,
      %parallel_loop3A_177 = arith.index_cast %parallel_loop3A_166 : i32 to index
      %parallel_loop3A_178 = arith.constant 0 : index
      %parallel_loop3A_179 = tpu.vector_load %arg6[%parallel_loop3A_177, %parallel_loop3A_178] {strides = array<i32>} : memref<48x256xf32, #tpu.memory_space<vmem>>, vector<16xf32>,
      tpu.vector_store %arg6[%parallel_loop3A_177, %parallel_loop3A_178], %parallel_loop3A_176 {strides = array<i32>} : memref<48x256xf32, #tpu.memory_space<vmem>>, vector<16xf32>,
      %parallel_loop3A_180 = arith.index_cast %parallel_loop3A_166 : i32 to index
      %parallel_loop3A_181 = arith.constant 16 : index
      %parallel_loop3A_182 = tpu.vector_load %arg6[%parallel_loop3A_180, %parallel_loop3A_181] {strides = array<i32>} : memref<48x256xf32, #tpu.memory_space<vmem>>, vector<16xf32>,
      %parallel_loop3A_183 = vector.broadcast %parallel_loop3A_82 : f32 to vector<16xf32>
      %parallel_loop3A_184 = arith.divf %parallel_loop3A_182, %parallel_loop3A_183 : vector<16xf32>
      %parallel_loop3A_185 = arith.fptosi %parallel_loop3A_184 : vector<16xf32> to vector<16xi32>
      %parallel_loop3A_186 = arith.constant 20 : i32
      %parallel_loop3A_187 = vector.broadcast %parallel_loop3A_186 : i32 to vector<16xi32>
      %parallel_loop3A_188 = arith.minsi %parallel_loop3A_185, %parallel_loop3A_187 : vector<16xi32>
      %parallel_loop3A_189 = tpu.vector_load_idx %arg9[%parallel_loop3A_188] : memref<21xf32, #tpu.memory_space<vmem>>[vector<16xi32>], vector<16xf32>,
      %parallel_loop3A_190 = arith.index_cast %parallel_loop3A_166 : i32 to index
      %parallel_loop3A_191 = arith.constant 16 : index
      %parallel_loop3A_192 = tpu.vector_load %arg6[%parallel_loop3A_190, %parallel_loop3A_191] {strides = array<i32>} : memref<48x256xf32, #tpu.memory_space<vmem>>, vector<16xf32>,
      tpu.vector_store %arg6[%parallel_loop3A_190, %parallel_loop3A_191], %parallel_loop3A_189 {strides = array<i32>} : memref<48x256xf32, #tpu.memory_space<vmem>>, vector<16xf32>,
      %parallel_loop3A_193 = arith.index_cast %parallel_loop3A_166 : i32 to index
      %parallel_loop3A_194 = arith.constant 32 : index
      %parallel_loop3A_195 = tpu.vector_load %arg6[%parallel_loop3A_193, %parallel_loop3A_194] {strides = array<i32>} : memref<48x256xf32, #tpu.memory_space<vmem>>, vector<16xf32>,
      %parallel_loop3A_196 = vector.broadcast %parallel_loop3A_82 : f32 to vector<16xf32>
      %parallel_loop3A_197 = arith.divf %parallel_loop3A_195, %parallel_loop3A_196 : vector<16xf32>
      %parallel_loop3A_198 = arith.fptosi %parallel_loop3A_197 : vector<16xf32> to vector<16xi32>
      %parallel_loop3A_199 = arith.constant 20 : i32
      %parallel_loop3A_200 = vector.broadcast %parallel_loop3A_199 : i32 to vector<16xi32>
      %parallel_loop3A_201 = arith.minsi %parallel_loop3A_198, %parallel_loop3A_200 : vector<16xi32>
      %parallel_loop3A_202 = tpu.vector_load_idx %arg9[%parallel_loop3A_201] : memref<21xf32, #tpu.memory_space<vmem>>[vector<16xi32>], vector<16xf32>,
      %parallel_loop3A_203 = arith.index_cast %parallel_loop3A_166 : i32 to index
      %parallel_loop3A_204 = arith.constant 32 : index
      %parallel_loop3A_205 = tpu.vector_load %arg6[%parallel_loop3A_203, %parallel_loop3A_204] {strides = array<i32>} : memref<48x256xf32, #tpu.memory_space<vmem>>, vector<16xf32>,
      tpu.vector_store %arg6[%parallel_loop3A_203, %parallel_loop3A_204], %parallel_loop3A_202 {strides = array<i32>} : memref<48x256xf32, #tpu.memory_space<vmem>>, vector<16xf32>,
      %parallel_loop3A_206 = arith.index_cast %parallel_loop3A_166 : i32 to index
      %parallel_loop3A_207 = arith.constant 48 : index
      %parallel_loop3A_208 = tpu.vector_load %arg6[%parallel_loop3A_206, %parallel_loop3A_207] {strides = array<i32>} : memref<48x256xf32, #tpu.memory_space<vmem>>, vector<16xf32>,
      %parallel_loop3A_209 = vector.broadcast %parallel_loop3A_82 : f32 to vector<16xf32>
      %parallel_loop3A_210 = arith.divf %parallel_loop3A_208, %parallel_loop3A_209 : vector<16xf32>
      %parallel_loop3A_211 = arith.fptosi %parallel_loop3A_210 : vector<16xf32> to vector<16xi32>
      %parallel_loop3A_212 = arith.constant 20 : i32
      %parallel_loop3A_213 = vector.broadcast %parallel_loop3A_212 : i32 to vector<16xi32>
      %parallel_loop3A_214 = arith.minsi %parallel_loop3A_211, %parallel_loop3A_213 : vector<16xi32>
      %parallel_loop3A_215 = tpu.vector_load_idx %arg9[%parallel_loop3A_214] : memref<21xf32, #tpu.memory_space<vmem>>[vector<16xi32>], vector<16xf32>,
      %parallel_loop3A_216 = arith.index_cast %parallel_loop3A_166 : i32 to index
      %parallel_loop3A_217 = arith.constant 48 : index
      %parallel_loop3A_218 = tpu.vector_load %arg6[%parallel_loop3A_216, %parallel_loop3A_217] {strides = array<i32>} : memref<48x256xf32, #tpu.memory_space<vmem>>, vector<16xf32>,
      tpu.vector_store %arg6[%parallel_loop3A_216, %parallel_loop3A_217], %parallel_loop3A_215 {strides = array<i32>} : memref<48x256xf32, #tpu.memory_space<vmem>>, vector<16xf32>,
      %parallel_loop3A_219 = arith.index_cast %parallel_loop3A_166 : i32 to index
      %parallel_loop3A_220 = arith.constant 64 : index
      %parallel_loop3A_221 = tpu.vector_load %arg6[%parallel_loop3A_219, %parallel_loop3A_220] {strides = array<i32>} : memref<48x256xf32, #tpu.memory_space<vmem>>, vector<16xf32>,
      %parallel_loop3A_222 = vector.broadcast %parallel_loop3A_82 : f32 to vector<16xf32>
      %parallel_loop3A_223 = arith.divf %parallel_loop3A_221, %parallel_loop3A_222 : vector<16xf32>
      %parallel_loop3A_224 = arith.fptosi %parallel_loop3A_223 : vector<16xf32> to vector<16xi32>
      %parallel_loop3A_225 = arith.constant 20 : i32
      %parallel_loop3A_226 = vector.broadcast %parallel_loop3A_225 : i32 to vector<16xi32>
      %parallel_loop3A_227 = arith.minsi %parallel_loop3A_224, %parallel_loop3A_226 : vector<16xi32>
      %parallel_loop3A_228 = tpu.vector_load_idx %arg9[%parallel_loop3A_227] : memref<21xf32, #tpu.memory_space<vmem>>[vector<16xi32>], vector<16xf32>,
      %parallel_loop3A_229 = arith.index_cast %parallel_loop3A_166 : i32 to index
      %parallel_loop3A_230 = arith.constant 64 : index
      %parallel_loop3A_231 = tpu.vector_load %arg6[%parallel_loop3A_229, %parallel_loop3A_230] {strides = array<i32>} : memref<48x256xf32, #tpu.memory_space<vmem>>, vector<16xf32>,
      tpu.vector_store %arg6[%parallel_loop3A_229, %parallel_loop3A_230], %parallel_loop3A_228 {strides = array<i32>} : memref<48x256xf32, #tpu.memory_space<vmem>>, vector<16xf32>,
      %parallel_loop3A_232 = arith.index_cast %parallel_loop3A_166 : i32 to index
      %parallel_loop3A_233 = arith.constant 80 : index
      %parallel_loop3A_234 = tpu.vector_load %arg6[%parallel_loop3A_232, %parallel_loop3A_233] {strides = array<i32>} : memref<48x256xf32, #tpu.memory_space<vmem>>, vector<16xf32>,
      %parallel_loop3A_235 = vector.broadcast %parallel_loop3A_82 : f32 to vector<16xf32>
      %parallel_loop3A_236 = arith.divf %parallel_loop3A_234, %parallel_loop3A_235 : vector<16xf32>
      %parallel_loop3A_237 = arith.fptosi %parallel_loop3A_236 : vector<16xf32> to vector<16xi32>
      %parallel_loop3A_238 = arith.constant 20 : i32
      %parallel_loop3A_239 = vector.broadcast %parallel_loop3A_238 : i32 to vector<16xi32>
      %parallel_loop3A_240 = arith.minsi %parallel_loop3A_237, %parallel_loop3A_239 : vector<16xi32>
      %parallel_loop3A_241 = tpu.vector_load_idx %arg9[%parallel_loop3A_240] : memref<21xf32, #tpu.memory_space<vmem>>[vector<16xi32>], vector<16xf32>,
      %parallel_loop3A_242 = arith.index_cast %parallel_loop3A_166 : i32 to index
      %parallel_loop3A_243 = arith.constant 80 : index
      %parallel_loop3A_244 = tpu.vector_load %arg6[%parallel_loop3A_242, %parallel_loop3A_243] {strides = array<i32>} : memref<48x256xf32, #tpu.memory_space<vmem>>, vector<16xf32>,
      tpu.vector_store %arg6[%parallel_loop3A_242, %parallel_loop3A_243], %parallel_loop3A_241 {strides = array<i32>} : memref<48x256xf32, #tpu.memory_space<vmem>>, vector<16xf32>,
      %parallel_loop3A_245 = arith.index_cast %parallel_loop3A_166 : i32 to index
      %parallel_loop3A_246 = arith.constant 96 : index
      %parallel_loop3A_247 = tpu.vector_load %arg6[%parallel_loop3A_245, %parallel_loop3A_246] {strides = array<i32>} : memref<48x256xf32, #tpu.memory_space<vmem>>, vector<16xf32>,
      %parallel_loop3A_248 = vector.broadcast %parallel_loop3A_82 : f32 to vector<16xf32>
      %parallel_loop3A_249 = arith.divf %parallel_loop3A_247, %parallel_loop3A_248 : vector<16xf32>
      %parallel_loop3A_250 = arith.fptosi %parallel_loop3A_249 : vector<16xf32> to vector<16xi32>
      %parallel_loop3A_251 = arith.constant 20 : i32
      %parallel_loop3A_252 = vector.broadcast %parallel_loop3A_251 : i32 to vector<16xi32>
      %parallel_loop3A_253 = arith.minsi %parallel_loop3A_250, %parallel_loop3A_252 : vector<16xi32>
      %parallel_loop3A_254 = tpu.vector_load_idx %arg9[%parallel_loop3A_253] : memref<21xf32, #tpu.memory_space<vmem>>[vector<16xi32>], vector<16xf32>,
      %parallel_loop3A_255 = arith.index_cast %parallel_loop3A_166 : i32 to index
      %parallel_loop3A_256 = arith.constant 96 : index
      %parallel_loop3A_257 = tpu.vector_load %arg6[%parallel_loop3A_255, %parallel_loop3A_256] {strides = array<i32>} : memref<48x256xf32, #tpu.memory_space<vmem>>, vector<16xf32>,
      tpu.vector_store %arg6[%parallel_loop3A_255, %parallel_loop3A_256], %parallel_loop3A_254 {strides = array<i32>} : memref<48x256xf32, #tpu.memory_space<vmem>>, vector<16xf32>,
      %parallel_loop3A_258 = arith.index_cast %parallel_loop3A_166 : i32 to index
      %parallel_loop3A_259 = arith.constant 112 : index
      %parallel_loop3A_260 = tpu.vector_load %arg6[%parallel_loop3A_258, %parallel_loop3A_259] {strides = array<i32>} : memref<48x256xf32, #tpu.memory_space<vmem>>, vector<16xf32>,
      %parallel_loop3A_261 = vector.broadcast %parallel_loop3A_82 : f32 to vector<16xf32>
      %parallel_loop3A_262 = arith.divf %parallel_loop3A_260, %parallel_loop3A_261 : vector<16xf32>
      %parallel_loop3A_263 = arith.fptosi %parallel_loop3A_262 : vector<16xf32> to vector<16xi32>
      %parallel_loop3A_264 = arith.constant 20 : i32
      %parallel_loop3A_265 = vector.broadcast %parallel_loop3A_264 : i32 to vector<16xi32>
      %parallel_loop3A_266 = arith.minsi %parallel_loop3A_263, %parallel_loop3A_265 : vector<16xi32>
      %parallel_loop3A_267 = tpu.vector_load_idx %arg9[%parallel_loop3A_266] : memref<21xf32, #tpu.memory_space<vmem>>[vector<16xi32>], vector<16xf32>,
      %parallel_loop3A_268 = arith.index_cast %parallel_loop3A_166 : i32 to index
      %parallel_loop3A_269 = arith.constant 112 : index
      %parallel_loop3A_270 = tpu.vector_load %arg6[%parallel_loop3A_268, %parallel_loop3A_269] {strides = array<i32>} : memref<48x256xf32, #tpu.memory_space<vmem>>, vector<16xf32>,
      tpu.vector_store %arg6[%parallel_loop3A_268, %parallel_loop3A_269], %parallel_loop3A_267 {strides = array<i32>} : memref<48x256xf32, #tpu.memory_space<vmem>>, vector<16xf32>,
      %parallel_loop3A_271 = arith.index_cast %parallel_loop3A_166 : i32 to index
      %parallel_loop3A_272 = arith.constant 128 : index
      %parallel_loop3A_273 = tpu.vector_load %arg6[%parallel_loop3A_271, %parallel_loop3A_272] {strides = array<i32>} : memref<48x256xf32, #tpu.memory_space<vmem>>, vector<16xf32>,
      %parallel_loop3A_274 = vector.broadcast %parallel_loop3A_82 : f32 to vector<16xf32>
      %parallel_loop3A_275 = arith.divf %parallel_loop3A_273, %parallel_loop3A_274 : vector<16xf32>
      %parallel_loop3A_276 = arith.fptosi %parallel_loop3A_275 : vector<16xf32> to vector<16xi32>
      %parallel_loop3A_277 = arith.constant 20 : i32
      %parallel_loop3A_278 = vector.broadcast %parallel_loop3A_277 : i32 to vector<16xi32>
      %parallel_loop3A_279 = arith.minsi %parallel_loop3A_276, %parallel_loop3A_278 : vector<16xi32>
      %parallel_loop3A_280 = tpu.vector_load_idx %arg9[%parallel_loop3A_279] : memref<21xf32, #tpu.memory_space<vmem>>[vector<16xi32>], vector<16xf32>,
      %parallel_loop3A_281 = arith.index_cast %parallel_loop3A_166 : i32 to index
      %parallel_loop3A_282 = arith.constant 128 : index
      %parallel_loop3A_283 = tpu.vector_load %arg6[%parallel_loop3A_281, %parallel_loop3A_282] {strides = array<i32>} : memref<48x256xf32, #tpu.memory_space<vmem>>, vector<16xf32>,
      tpu.vector_store %arg6[%parallel_loop3A_281, %parallel_loop3A_282], %parallel_loop3A_280 {strides = array<i32>} : memref<48x256xf32, #tpu.memory_space<vmem>>, vector<16xf32>,
      %parallel_loop3A_284 = arith.index_cast %parallel_loop3A_166 : i32 to index
      %parallel_loop3A_285 = arith.constant 144 : index
      %parallel_loop3A_286 = tpu.vector_load %arg6[%parallel_loop3A_284, %parallel_loop3A_285] {strides = array<i32>} : memref<48x256xf32, #tpu.memory_space<vmem>>, vector<16xf32>,
      %parallel_loop3A_287 = vector.broadcast %parallel_loop3A_82 : f32 to vector<16xf32>
      %parallel_loop3A_288 = arith.divf %parallel_loop3A_286, %parallel_loop3A_287 : vector<16xf32>
      %parallel_loop3A_289 = arith.fptosi %parallel_loop3A_288 : vector<16xf32> to vector<16xi32>
      %parallel_loop3A_290 = arith.constant 20 : i32
      %parallel_loop3A_291 = vector.broadcast %parallel_loop3A_290 : i32 to vector<16xi32>
      %parallel_loop3A_292 = arith.minsi %parallel_loop3A_289, %parallel_loop3A_291 : vector<16xi32>
      %parallel_loop3A_293 = tpu.vector_load_idx %arg9[%parallel_loop3A_292] : memref<21xf32, #tpu.memory_space<vmem>>[vector<16xi32>], vector<16xf32>,
      %parallel_loop3A_294 = arith.index_cast %parallel_loop3A_166 : i32 to index
      %parallel_loop3A_295 = arith.constant 144 : index
      %parallel_loop3A_296 = tpu.vector_load %arg6[%parallel_loop3A_294, %parallel_loop3A_295] {strides = array<i32>} : memref<48x256xf32, #tpu.memory_space<vmem>>, vector<16xf32>,
      tpu.vector_store %arg6[%parallel_loop3A_294, %parallel_loop3A_295], %parallel_loop3A_293 {strides = array<i32>} : memref<48x256xf32, #tpu.memory_space<vmem>>, vector<16xf32>,
      %parallel_loop3A_297 = arith.index_cast %parallel_loop3A_166 : i32 to index
      %parallel_loop3A_298 = arith.constant 160 : index
      %parallel_loop3A_299 = tpu.vector_load %arg6[%parallel_loop3A_297, %parallel_loop3A_298] {strides = array<i32>} : memref<48x256xf32, #tpu.memory_space<vmem>>, vector<16xf32>,
      %parallel_loop3A_300 = vector.broadcast %parallel_loop3A_82 : f32 to vector<16xf32>
      %parallel_loop3A_301 = arith.divf %parallel_loop3A_299, %parallel_loop3A_300 : vector<16xf32>
      %parallel_loop3A_302 = arith.fptosi %parallel_loop3A_301 : vector<16xf32> to vector<16xi32>
      %parallel_loop3A_303 = arith.constant 20 : i32
      %parallel_loop3A_304 = vector.broadcast %parallel_loop3A_303 : i32 to vector<16xi32>
      %parallel_loop3A_305 = arith.minsi %parallel_loop3A_302, %parallel_loop3A_304 : vector<16xi32>
      %parallel_loop3A_306 = tpu.vector_load_idx %arg9[%parallel_loop3A_305] : memref<21xf32, #tpu.memory_space<vmem>>[vector<16xi32>], vector<16xf32>,
      %parallel_loop3A_307 = arith.index_cast %parallel_loop3A_166 : i32 to index
      %parallel_loop3A_308 = arith.constant 160 : index
      %parallel_loop3A_309 = tpu.vector_load %arg6[%parallel_loop3A_307, %parallel_loop3A_308] {strides = array<i32>} : memref<48x256xf32, #tpu.memory_space<vmem>>, vector<16xf32>,
      tpu.vector_store %arg6[%parallel_loop3A_307, %parallel_loop3A_308], %parallel_loop3A_306 {strides = array<i32>} : memref<48x256xf32, #tpu.memory_space<vmem>>, vector<16xf32>,
      %parallel_loop3A_310 = arith.index_cast %parallel_loop3A_166 : i32 to index
      %parallel_loop3A_311 = arith.constant 176 : index
      %parallel_loop3A_312 = tpu.vector_load %arg6[%parallel_loop3A_310, %parallel_loop3A_311] {strides = array<i32>} : memref<48x256xf32, #tpu.memory_space<vmem>>, vector<16xf32>,
      %parallel_loop3A_313 = vector.broadcast %parallel_loop3A_82 : f32 to vector<16xf32>
      %parallel_loop3A_314 = arith.divf %parallel_loop3A_312, %parallel_loop3A_313 : vector<16xf32>
      %parallel_loop3A_315 = arith.fptosi %parallel_loop3A_314 : vector<16xf32> to vector<16xi32>
      %parallel_loop3A_316 = arith.constant 20 : i32
      %parallel_loop3A_317 = vector.broadcast %parallel_loop3A_316 : i32 to vector<16xi32>
      %parallel_loop3A_318 = arith.minsi %parallel_loop3A_315, %parallel_loop3A_317 : vector<16xi32>
      %parallel_loop3A_319 = tpu.vector_load_idx %arg9[%parallel_loop3A_318] : memref<21xf32, #tpu.memory_space<vmem>>[vector<16xi32>], vector<16xf32>,
      %parallel_loop3A_320 = arith.index_cast %parallel_loop3A_166 : i32 to index
      %parallel_loop3A_321 = arith.constant 176 : index
      %parallel_loop3A_322 = tpu.vector_load %arg6[%parallel_loop3A_320, %parallel_loop3A_321] {strides = array<i32>} : memref<48x256xf32, #tpu.memory_space<vmem>>, vector<16xf32>,
      tpu.vector_store %arg6[%parallel_loop3A_320, %parallel_loop3A_321], %parallel_loop3A_319 {strides = array<i32>} : memref<48x256xf32, #tpu.memory_space<vmem>>, vector<16xf32>,
      %parallel_loop3A_323 = arith.index_cast %parallel_loop3A_166 : i32 to index
      %parallel_loop3A_324 = arith.constant 192 : index
      %parallel_loop3A_325 = tpu.vector_load %arg6[%parallel_loop3A_323, %parallel_loop3A_324] {strides = array<i32>} : memref<48x256xf32, #tpu.memory_space<vmem>>, vector<16xf32>,
      %parallel_loop3A_326 = vector.broadcast %parallel_loop3A_82 : f32 to vector<16xf32>
      %parallel_loop3A_327 = arith.divf %parallel_loop3A_325, %parallel_loop3A_326 : vector<16xf32>
      %parallel_loop3A_328 = arith.fptosi %parallel_loop3A_327 : vector<16xf32> to vector<16xi32>
      %parallel_loop3A_329 = arith.constant 20 : i32
      %parallel_loop3A_330 = vector.broadcast %parallel_loop3A_329 : i32 to vector<16xi32>
      %parallel_loop3A_331 = arith.minsi %parallel_loop3A_328, %parallel_loop3A_330 : vector<16xi32>
      %parallel_loop3A_332 = tpu.vector_load_idx %arg9[%parallel_loop3A_331] : memref<21xf32, #tpu.memory_space<vmem>>[vector<16xi32>], vector<16xf32>,
      %parallel_loop3A_333 = arith.index_cast %parallel_loop3A_166 : i32 to index
      %parallel_loop3A_334 = arith.constant 192 : index
      %parallel_loop3A_335 = tpu.vector_load %arg6[%parallel_loop3A_333, %parallel_loop3A_334] {strides = array<i32>} : memref<48x256xf32, #tpu.memory_space<vmem>>, vector<16xf32>,
      tpu.vector_store %arg6[%parallel_loop3A_333, %parallel_loop3A_334], %parallel_loop3A_332 {strides = array<i32>} : memref<48x256xf32, #tpu.memory_space<vmem>>, vector<16xf32>,
      %parallel_loop3A_336 = arith.index_cast %parallel_loop3A_166 : i32 to index
      %parallel_loop3A_337 = arith.constant 208 : index
      %parallel_loop3A_338 = tpu.vector_load %arg6[%parallel_loop3A_336, %parallel_loop3A_337] {strides = array<i32>} : memref<48x256xf32, #tpu.memory_space<vmem>>, vector<16xf32>,
      %parallel_loop3A_339 = vector.broadcast %parallel_loop3A_82 : f32 to vector<16xf32>
      %parallel_loop3A_340 = arith.divf %parallel_loop3A_338, %parallel_loop3A_339 : vector<16xf32>
      %parallel_loop3A_341 = arith.fptosi %parallel_loop3A_340 : vector<16xf32> to vector<16xi32>
      %parallel_loop3A_342 = arith.constant 20 : i32
      %parallel_loop3A_343 = vector.broadcast %parallel_loop3A_342 : i32 to vector<16xi32>
      %parallel_loop3A_344 = arith.minsi %parallel_loop3A_341, %parallel_loop3A_343 : vector<16xi32>
      %parallel_loop3A_345 = tpu.vector_load_idx %arg9[%parallel_loop3A_344] : memref<21xf32, #tpu.memory_space<vmem>>[vector<16xi32>], vector<16xf32>,
      %parallel_loop3A_346 = arith.index_cast %parallel_loop3A_166 : i32 to index
      %parallel_loop3A_347 = arith.constant 208 : index
      %parallel_loop3A_348 = tpu.vector_load %arg6[%parallel_loop3A_346, %parallel_loop3A_347] {strides = array<i32>} : memref<48x256xf32, #tpu.memory_space<vmem>>, vector<16xf32>,
      tpu.vector_store %arg6[%parallel_loop3A_346, %parallel_loop3A_347], %parallel_loop3A_345 {strides = array<i32>} : memref<48x256xf32, #tpu.memory_space<vmem>>, vector<16xf32>,
      %parallel_loop3A_349 = arith.index_cast %parallel_loop3A_166 : i32 to index
      %parallel_loop3A_350 = arith.constant 224 : index
      %parallel_loop3A_351 = tpu.vector_load %arg6[%parallel_loop3A_349, %parallel_loop3A_350] {strides = array<i32>} : memref<48x256xf32, #tpu.memory_space<vmem>>, vector<16xf32>,
      %parallel_loop3A_352 = vector.broadcast %parallel_loop3A_82 : f32 to vector<16xf32>
      %parallel_loop3A_353 = arith.divf %parallel_loop3A_351, %parallel_loop3A_352 : vector<16xf32>
      %parallel_loop3A_354 = arith.fptosi %parallel_loop3A_353 : vector<16xf32> to vector<16xi32>
      %parallel_loop3A_355 = arith.constant 20 : i32
      %parallel_loop3A_356 = vector.broadcast %parallel_loop3A_355 : i32 to vector<16xi32>
      %parallel_loop3A_357 = arith.minsi %parallel_loop3A_354, %parallel_loop3A_356 : vector<16xi32>
      %parallel_loop3A_358 = tpu.vector_load_idx %arg9[%parallel_loop3A_357] : memref<21xf32, #tpu.memory_space<vmem>>[vector<16xi32>], vector<16xf32>,
      %parallel_loop3A_359 = arith.index_cast %parallel_loop3A_166 : i32 to index
      %parallel_loop3A_360 = arith.constant 224 : index
      %parallel_loop3A_361 = tpu.vector_load %arg6[%parallel_loop3A_359, %parallel_loop3A_360] {strides = array<i32>} : memref<48x256xf32, #tpu.memory_space<vmem>>, vector<16xf32>,
      tpu.vector_store %arg6[%parallel_loop3A_359, %parallel_loop3A_360], %parallel_loop3A_358 {strides = array<i32>} : memref<48x256xf32, #tpu.memory_space<vmem>>, vector<16xf32>,
      %parallel_loop3A_362 = arith.index_cast %parallel_loop3A_166 : i32 to index
      %parallel_loop3A_363 = arith.constant 240 : index
      %parallel_loop3A_364 = tpu.vector_load %arg6[%parallel_loop3A_362, %parallel_loop3A_363] {strides = array<i32>} : memref<48x256xf32, #tpu.memory_space<vmem>>, vector<16xf32>,
      %parallel_loop3A_365 = vector.broadcast %parallel_loop3A_82 : f32 to vector<16xf32>
      %parallel_loop3A_366 = arith.divf %parallel_loop3A_364, %parallel_loop3A_365 : vector<16xf32>
      %parallel_loop3A_367 = arith.fptosi %parallel_loop3A_366 : vector<16xf32> to vector<16xi32>
      %parallel_loop3A_368 = arith.constant 20 : i32
      %parallel_loop3A_369 = vector.broadcast %parallel_loop3A_368 : i32 to vector<16xi32>
      %parallel_loop3A_370 = arith.minsi %parallel_loop3A_367, %parallel_loop3A_369 : vector<16xi32>
      %parallel_loop3A_371 = tpu.vector_load_idx %arg9[%parallel_loop3A_370] : memref<21xf32, #tpu.memory_space<vmem>>[vector<16xi32>], vector<16xf32>,
      %parallel_loop3A_372 = arith.index_cast %parallel_loop3A_166 : i32 to index
      %parallel_loop3A_373 = arith.constant 240 : index
      %parallel_loop3A_374 = tpu.vector_load %arg6[%parallel_loop3A_372, %parallel_loop3A_373] {strides = array<i32>} : memref<48x256xf32, #tpu.memory_space<vmem>>, vector<16xf32>,
      tpu.vector_store %arg6[%parallel_loop3A_372, %parallel_loop3A_373], %parallel_loop3A_371 {strides = array<i32>} : memref<48x256xf32, #tpu.memory_space<vmem>>, vector<16xf32>,
    } {sc.loop_unroll_factor = 1 : i64, sc.parallel_access}
    %add3A_83 = arith.constant 16 : i32
    %add3A_84 = arith.addi %mul3A_32, %add3A_83 : i32
    %dma_start3A_85 = arith.constant 0 : i32
    %dma_start3A_86 = arith.constant 0 : i32
    %dma_start3A_87 = tpu.memref_slice %arg4[%select_n3A, %dma_start3A_85, %add3A_84, %dma_start3A_86] : memref<16x1x256x256xf32, #tpu.memory_space<hbm>> -> memref<1x1x48x256xf32, #tpu.memory_space<hbm>>
    %dma_start3A_88 = tpu.memref_squeeze %dma_start3A_87 : memref<1x1x48x256xf32, #tpu.memory_space<hbm>> -> memref<48x256xf32, #tpu.memory_space<hbm>>
    %dma_start3A_89 = arith.constant 0 : i32
    %dma_start3A_90 = tpu.memref_slice %arg4[%select_n3A, %dma_start3A_85, %add3A_84, %dma_start3A_89] : memref<16x1x256x256xf32, #tpu.memory_space<hbm>> -> memref<1x1x48x256xf32, #tpu.memory_space<hbm>>
    %dma_start3A_91 = tpu.memref_squeeze %dma_start3A_90 : memref<1x1x48x256xf32, #tpu.memory_space<hbm>> -> memref<48x256xf32, #tpu.memory_space<hbm>>
    tpu.enqueue_dma source(%arg6 : memref<48x256xf32, #tpu.memory_space<vmem>>) target(%dma_start3A_91 : memref<48x256xf32, #tpu.memory_space<hbm>>) target_semaphore(%arg16 : memref<!tpu.dma_semaphore, #tpu.memory_space<semaphore_mem>>)
    %add3A_92 = arith.constant 112 : i32
    %add3A_93 = arith.addi %mul3A_32, %add3A_92 : i32
    %dma_start3A_94 = arith.constant 0 : i32
    %dma_start3A_95 = tpu.memref_slice %arg2[%select_n3A, %add3A_93, %dma_start3A_94] : memref<16x256x256xf32, #tpu.memory_space<hbm>> -> memref<1x16x256xf32, #tpu.memory_space<hbm>>
    %dma_start3A_96 = tpu.memref_squeeze %dma_start3A_95 : memref<1x16x256xf32, #tpu.memory_space<hbm>> -> memref<16x256xf32, #tpu.memory_space<hbm>>
    %dma_start3A_97 = arith.constant 0 : i32
    %dma_start3A_98 = tpu.memref_slice %arg2[%select_n3A, %add3A_93, %dma_start3A_97] : memref<16x256x256xf32, #tpu.memory_space<hbm>> -> memref<1x16x256xf32, #tpu.memory_space<hbm>>
    %dma_start3A_99 = tpu.memref_squeeze %dma_start3A_98 : memref<1x16x256xf32, #tpu.memory_space<hbm>> -> memref<16x256xf32, #tpu.memory_space<hbm>>
    tpu.enqueue_dma source(%dma_start3A_99 : memref<16x256xf32, #tpu.memory_space<hbm>>) target(%arg8 : memref<16x256xf32, #tpu.memory_space<vmem>>) target_semaphore(%arg14 : memref<!tpu.dma_semaphore, #tpu.memory_space<semaphore_mem>>)
    %dma_wait3A_100 = arith.constant 0 : i32
    %dma_wait3A_101 = tpu.memref_slice %arg2[%select_n3A, %add3A_66, %dma_wait3A_100] : memref<16x256x256xf32, #tpu.memory_space<hbm>> -> memref<1x48x256xf32, #tpu.memory_space<hbm>>
    %dma_wait3A_102 = tpu.memref_squeeze %dma_wait3A_101 : memref<1x48x256xf32, #tpu.memory_space<hbm>> -> memref<48x256xf32, #tpu.memory_space<hbm>>
    %dma_wait3A_103 = arith.constant 0 : i32
    %dma_wait3A_104 = tpu.memref_slice %arg2[%select_n3A, %add3A_66, %dma_wait3A_103] : memref<16x256x256xf32, #tpu.memory_space<hbm>> -> memref<1x48x256xf32, #tpu.memory_space<hbm>>
    %dma_wait3A_105 = tpu.memref_squeeze %dma_wait3A_104 : memref<1x48x256xf32, #tpu.memory_space<hbm>> -> memref<48x256xf32, #tpu.memory_space<hbm>>
    tpu.wait_dma2 semaphore(%arg13 : memref<!tpu.dma_semaphore, #tpu.memory_space<semaphore_mem>>) src(%dma_wait3A_105 : memref<48x256xf32, #tpu.memory_space<hbm>>) dst(%arg7 : memref<48x256xf32, #tpu.memory_space<vmem>>)
    %parallel_loop3A_106 = arith.constant 0 : i32
    %parallel_loop3A_107 = arith.constant 48 : i32
    %parallel_loop3A_108 = arith.constant 1 : i32
    %parallel_loop3A_109 = arith.constant 5.000000e+00 : f32
    scf.for %parallel_loop3A_166 = %parallel_loop3A_106 to %parallel_loop3A_107 step %parallel_loop3A_108  : i32 {
      %parallel_loop3A_167 = arith.index_cast %parallel_loop3A_166 : i32 to index
      %parallel_loop3A_168 = arith.constant 0 : index
      %parallel_loop3A_169 = tpu.vector_load %arg7[%parallel_loop3A_167, %parallel_loop3A_168] {strides = array<i32>} : memref<48x256xf32, #tpu.memory_space<vmem>>, vector<16xf32>,
      %parallel_loop3A_170 = vector.broadcast %parallel_loop3A_109 : f32 to vector<16xf32>
      %parallel_loop3A_171 = arith.divf %parallel_loop3A_169, %parallel_loop3A_170 : vector<16xf32>
      %parallel_loop3A_172 = arith.fptosi %parallel_loop3A_171 : vector<16xf32> to vector<16xi32>
      %parallel_loop3A_173 = arith.constant 20 : i32
      %parallel_loop3A_174 = vector.broadcast %parallel_loop3A_173 : i32 to vector<16xi32>
      %parallel_loop3A_175 = arith.minsi %parallel_loop3A_172, %parallel_loop3A_174 : vector<16xi32>
      %parallel_loop3A_176 = tpu.vector_load_idx %arg9[%parallel_loop3A_175] : memref<21xf32, #tpu.memory_space<vmem>>[vector<16xi32>], vector<16xf32>,
      %parallel_loop3A_177 = arith.index_cast %parallel_loop3A_166 : i32 to index
      %parallel_loop3A_178 = arith.constant 0 : index
      %parallel_loop3A_179 = tpu.vector_load %arg7[%parallel_loop3A_177, %parallel_loop3A_178] {strides = array<i32>} : memref<48x256xf32, #tpu.memory_space<vmem>>, vector<16xf32>,
      tpu.vector_store %arg7[%parallel_loop3A_177, %parallel_loop3A_178], %parallel_loop3A_176 {strides = array<i32>} : memref<48x256xf32, #tpu.memory_space<vmem>>, vector<16xf32>,
      %parallel_loop3A_180 = arith.index_cast %parallel_loop3A_166 : i32 to index
      %parallel_loop3A_181 = arith.constant 16 : index
      %parallel_loop3A_182 = tpu.vector_load %arg7[%parallel_loop3A_180, %parallel_loop3A_181] {strides = array<i32>} : memref<48x256xf32, #tpu.memory_space<vmem>>, vector<16xf32>,
      %parallel_loop3A_183 = vector.broadcast %parallel_loop3A_109 : f32 to vector<16xf32>
      %parallel_loop3A_184 = arith.divf %parallel_loop3A_182, %parallel_loop3A_183 : vector<16xf32>
      %parallel_loop3A_185 = arith.fptosi %parallel_loop3A_184 : vector<16xf32> to vector<16xi32>
      %parallel_loop3A_186 = arith.constant 20 : i32
      %parallel_loop3A_187 = vector.broadcast %parallel_loop3A_186 : i32 to vector<16xi32>
      %parallel_loop3A_188 = arith.minsi %parallel_loop3A_185, %parallel_loop3A_187 : vector<16xi32>
      %parallel_loop3A_189 = tpu.vector_load_idx %arg9[%parallel_loop3A_188] : memref<21xf32, #tpu.memory_space<vmem>>[vector<16xi32>], vector<16xf32>,
      %parallel_loop3A_190 = arith.index_cast %parallel_loop3A_166 : i32 to index
      %parallel_loop3A_191 = arith.constant 16 : index
      %parallel_loop3A_192 = tpu.vector_load %arg7[%parallel_loop3A_190, %parallel_loop3A_191] {strides = array<i32>} : memref<48x256xf32, #tpu.memory_space<vmem>>, vector<16xf32>,
      tpu.vector_store %arg7[%parallel_loop3A_190, %parallel_loop3A_191], %parallel_loop3A_189 {strides = array<i32>} : memref<48x256xf32, #tpu.memory_space<vmem>>, vector<16xf32>,
      %parallel_loop3A_193 = arith.index_cast %parallel_loop3A_166 : i32 to index
      %parallel_loop3A_194 = arith.constant 32 : index
      %parallel_loop3A_195 = tpu.vector_load %arg7[%parallel_loop3A_193, %parallel_loop3A_194] {strides = array<i32>} : memref<48x256xf32, #tpu.memory_space<vmem>>, vector<16xf32>,
      %parallel_loop3A_196 = vector.broadcast %parallel_loop3A_109 : f32 to vector<16xf32>
      %parallel_loop3A_197 = arith.divf %parallel_loop3A_195, %parallel_loop3A_196 : vector<16xf32>
      %parallel_loop3A_198 = arith.fptosi %parallel_loop3A_197 : vector<16xf32> to vector<16xi32>
      %parallel_loop3A_199 = arith.constant 20 : i32
      %parallel_loop3A_200 = vector.broadcast %parallel_loop3A_199 : i32 to vector<16xi32>
      %parallel_loop3A_201 = arith.minsi %parallel_loop3A_198, %parallel_loop3A_200 : vector<16xi32>
      %parallel_loop3A_202 = tpu.vector_load_idx %arg9[%parallel_loop3A_201] : memref<21xf32, #tpu.memory_space<vmem>>[vector<16xi32>], vector<16xf32>,
      %parallel_loop3A_203 = arith.index_cast %parallel_loop3A_166 : i32 to index
      %parallel_loop3A_204 = arith.constant 32 : index
      %parallel_loop3A_205 = tpu.vector_load %arg7[%parallel_loop3A_203, %parallel_loop3A_204] {strides = array<i32>} : memref<48x256xf32, #tpu.memory_space<vmem>>, vector<16xf32>,
      tpu.vector_store %arg7[%parallel_loop3A_203, %parallel_loop3A_204], %parallel_loop3A_202 {strides = array<i32>} : memref<48x256xf32, #tpu.memory_space<vmem>>, vector<16xf32>,
      %parallel_loop3A_206 = arith.index_cast %parallel_loop3A_166 : i32 to index
      %parallel_loop3A_207 = arith.constant 48 : index
      %parallel_loop3A_208 = tpu.vector_load %arg7[%parallel_loop3A_206, %parallel_loop3A_207] {strides = array<i32>} : memref<48x256xf32, #tpu.memory_space<vmem>>, vector<16xf32>,
      %parallel_loop3A_209 = vector.broadcast %parallel_loop3A_109 : f32 to vector<16xf32>
      %parallel_loop3A_210 = arith.divf %parallel_loop3A_208, %parallel_loop3A_209 : vector<16xf32>
      %parallel_loop3A_211 = arith.fptosi %parallel_loop3A_210 : vector<16xf32> to vector<16xi32>
      %parallel_loop3A_212 = arith.constant 20 : i32
      %parallel_loop3A_213 = vector.broadcast %parallel_loop3A_212 : i32 to vector<16xi32>
      %parallel_loop3A_214 = arith.minsi %parallel_loop3A_211, %parallel_loop3A_213 : vector<16xi32>
      %parallel_loop3A_215 = tpu.vector_load_idx %arg9[%parallel_loop3A_214] : memref<21xf32, #tpu.memory_space<vmem>>[vector<16xi32>], vector<16xf32>,
      %parallel_loop3A_216 = arith.index_cast %parallel_loop3A_166 : i32 to index
      %parallel_loop3A_217 = arith.constant 48 : index
      %parallel_loop3A_218 = tpu.vector_load %arg7[%parallel_loop3A_216, %parallel_loop3A_217] {strides = array<i32>} : memref<48x256xf32, #tpu.memory_space<vmem>>, vector<16xf32>,
      tpu.vector_store %arg7[%parallel_loop3A_216, %parallel_loop3A_217], %parallel_loop3A_215 {strides = array<i32>} : memref<48x256xf32, #tpu.memory_space<vmem>>, vector<16xf32>,
      %parallel_loop3A_219 = arith.index_cast %parallel_loop3A_166 : i32 to index
      %parallel_loop3A_220 = arith.constant 64 : index
      %parallel_loop3A_221 = tpu.vector_load %arg7[%parallel_loop3A_219, %parallel_loop3A_220] {strides = array<i32>} : memref<48x256xf32, #tpu.memory_space<vmem>>, vector<16xf32>,
      %parallel_loop3A_222 = vector.broadcast %parallel_loop3A_109 : f32 to vector<16xf32>
      %parallel_loop3A_223 = arith.divf %parallel_loop3A_221, %parallel_loop3A_222 : vector<16xf32>
      %parallel_loop3A_224 = arith.fptosi %parallel_loop3A_223 : vector<16xf32> to vector<16xi32>
      %parallel_loop3A_225 = arith.constant 20 : i32
      %parallel_loop3A_226 = vector.broadcast %parallel_loop3A_225 : i32 to vector<16xi32>
      %parallel_loop3A_227 = arith.minsi %parallel_loop3A_224, %parallel_loop3A_226 : vector<16xi32>
      %parallel_loop3A_228 = tpu.vector_load_idx %arg9[%parallel_loop3A_227] : memref<21xf32, #tpu.memory_space<vmem>>[vector<16xi32>], vector<16xf32>,
      %parallel_loop3A_229 = arith.index_cast %parallel_loop3A_166 : i32 to index
      %parallel_loop3A_230 = arith.constant 64 : index
      %parallel_loop3A_231 = tpu.vector_load %arg7[%parallel_loop3A_229, %parallel_loop3A_230] {strides = array<i32>} : memref<48x256xf32, #tpu.memory_space<vmem>>, vector<16xf32>,
      tpu.vector_store %arg7[%parallel_loop3A_229, %parallel_loop3A_230], %parallel_loop3A_228 {strides = array<i32>} : memref<48x256xf32, #tpu.memory_space<vmem>>, vector<16xf32>,
      %parallel_loop3A_232 = arith.index_cast %parallel_loop3A_166 : i32 to index
      %parallel_loop3A_233 = arith.constant 80 : index
      %parallel_loop3A_234 = tpu.vector_load %arg7[%parallel_loop3A_232, %parallel_loop3A_233] {strides = array<i32>} : memref<48x256xf32, #tpu.memory_space<vmem>>, vector<16xf32>,
      %parallel_loop3A_235 = vector.broadcast %parallel_loop3A_109 : f32 to vector<16xf32>
      %parallel_loop3A_236 = arith.divf %parallel_loop3A_234, %parallel_loop3A_235 : vector<16xf32>
      %parallel_loop3A_237 = arith.fptosi %parallel_loop3A_236 : vector<16xf32> to vector<16xi32>
      %parallel_loop3A_238 = arith.constant 20 : i32
      %parallel_loop3A_239 = vector.broadcast %parallel_loop3A_238 : i32 to vector<16xi32>
      %parallel_loop3A_240 = arith.minsi %parallel_loop3A_237, %parallel_loop3A_239 : vector<16xi32>
      %parallel_loop3A_241 = tpu.vector_load_idx %arg9[%parallel_loop3A_240] : memref<21xf32, #tpu.memory_space<vmem>>[vector<16xi32>], vector<16xf32>,
      %parallel_loop3A_242 = arith.index_cast %parallel_loop3A_166 : i32 to index
      %parallel_loop3A_243 = arith.constant 80 : index
      %parallel_loop3A_244 = tpu.vector_load %arg7[%parallel_loop3A_242, %parallel_loop3A_243] {strides = array<i32>} : memref<48x256xf32, #tpu.memory_space<vmem>>, vector<16xf32>,
      tpu.vector_store %arg7[%parallel_loop3A_242, %parallel_loop3A_243], %parallel_loop3A_241 {strides = array<i32>} : memref<48x256xf32, #tpu.memory_space<vmem>>, vector<16xf32>,
      %parallel_loop3A_245 = arith.index_cast %parallel_loop3A_166 : i32 to index
      %parallel_loop3A_246 = arith.constant 96 : index
      %parallel_loop3A_247 = tpu.vector_load %arg7[%parallel_loop3A_245, %parallel_loop3A_246] {strides = array<i32>} : memref<48x256xf32, #tpu.memory_space<vmem>>, vector<16xf32>,
      %parallel_loop3A_248 = vector.broadcast %parallel_loop3A_109 : f32 to vector<16xf32>
      %parallel_loop3A_249 = arith.divf %parallel_loop3A_247, %parallel_loop3A_248 : vector<16xf32>
      %parallel_loop3A_250 = arith.fptosi %parallel_loop3A_249 : vector<16xf32> to vector<16xi32>
      %parallel_loop3A_251 = arith.constant 20 : i32
      %parallel_loop3A_252 = vector.broadcast %parallel_loop3A_251 : i32 to vector<16xi32>
      %parallel_loop3A_253 = arith.minsi %parallel_loop3A_250, %parallel_loop3A_252 : vector<16xi32>
      %parallel_loop3A_254 = tpu.vector_load_idx %arg9[%parallel_loop3A_253] : memref<21xf32, #tpu.memory_space<vmem>>[vector<16xi32>], vector<16xf32>,
      %parallel_loop3A_255 = arith.index_cast %parallel_loop3A_166 : i32 to index
      %parallel_loop3A_256 = arith.constant 96 : index
      %parallel_loop3A_257 = tpu.vector_load %arg7[%parallel_loop3A_255, %parallel_loop3A_256] {strides = array<i32>} : memref<48x256xf32, #tpu.memory_space<vmem>>, vector<16xf32>,
      tpu.vector_store %arg7[%parallel_loop3A_255, %parallel_loop3A_256], %parallel_loop3A_254 {strides = array<i32>} : memref<48x256xf32, #tpu.memory_space<vmem>>, vector<16xf32>,
      %parallel_loop3A_258 = arith.index_cast %parallel_loop3A_166 : i32 to index
      %parallel_loop3A_259 = arith.constant 112 : index
      %parallel_loop3A_260 = tpu.vector_load %arg7[%parallel_loop3A_258, %parallel_loop3A_259] {strides = array<i32>} : memref<48x256xf32, #tpu.memory_space<vmem>>, vector<16xf32>,
      %parallel_loop3A_261 = vector.broadcast %parallel_loop3A_109 : f32 to vector<16xf32>
      %parallel_loop3A_262 = arith.divf %parallel_loop3A_260, %parallel_loop3A_261 : vector<16xf32>
      %parallel_loop3A_263 = arith.fptosi %parallel_loop3A_262 : vector<16xf32> to vector<16xi32>
      %parallel_loop3A_264 = arith.constant 20 : i32
      %parallel_loop3A_265 = vector.broadcast %parallel_loop3A_264 : i32 to vector<16xi32>
      %parallel_loop3A_266 = arith.minsi %parallel_loop3A_263, %parallel_loop3A_265 : vector<16xi32>
      %parallel_loop3A_267 = tpu.vector_load_idx %arg9[%parallel_loop3A_266] : memref<21xf32, #tpu.memory_space<vmem>>[vector<16xi32>], vector<16xf32>,
      %parallel_loop3A_268 = arith.index_cast %parallel_loop3A_166 : i32 to index
      %parallel_loop3A_269 = arith.constant 112 : index
      %parallel_loop3A_270 = tpu.vector_load %arg7[%parallel_loop3A_268, %parallel_loop3A_269] {strides = array<i32>} : memref<48x256xf32, #tpu.memory_space<vmem>>, vector<16xf32>,
      tpu.vector_store %arg7[%parallel_loop3A_268, %parallel_loop3A_269], %parallel_loop3A_267 {strides = array<i32>} : memref<48x256xf32, #tpu.memory_space<vmem>>, vector<16xf32>,
      %parallel_loop3A_271 = arith.index_cast %parallel_loop3A_166 : i32 to index
      %parallel_loop3A_272 = arith.constant 128 : index
      %parallel_loop3A_273 = tpu.vector_load %arg7[%parallel_loop3A_271, %parallel_loop3A_272] {strides = array<i32>} : memref<48x256xf32, #tpu.memory_space<vmem>>, vector<16xf32>,
      %parallel_loop3A_274 = vector.broadcast %parallel_loop3A_109 : f32 to vector<16xf32>
      %parallel_loop3A_275 = arith.divf %parallel_loop3A_273, %parallel_loop3A_274 : vector<16xf32>
      %parallel_loop3A_276 = arith.fptosi %parallel_loop3A_275 : vector<16xf32> to vector<16xi32>
      %parallel_loop3A_277 = arith.constant 20 : i32
      %parallel_loop3A_278 = vector.broadcast %parallel_loop3A_277 : i32 to vector<16xi32>
      %parallel_loop3A_279 = arith.minsi %parallel_loop3A_276, %parallel_loop3A_278 : vector<16xi32>
      %parallel_loop3A_280 = tpu.vector_load_idx %arg9[%parallel_loop3A_279] : memref<21xf32, #tpu.memory_space<vmem>>[vector<16xi32>], vector<16xf32>,
      %parallel_loop3A_281 = arith.index_cast %parallel_loop3A_166 : i32 to index
      %parallel_loop3A_282 = arith.constant 128 : index
      %parallel_loop3A_283 = tpu.vector_load %arg7[%parallel_loop3A_281, %parallel_loop3A_282] {strides = array<i32>} : memref<48x256xf32, #tpu.memory_space<vmem>>, vector<16xf32>,
      tpu.vector_store %arg7[%parallel_loop3A_281, %parallel_loop3A_282], %parallel_loop3A_280 {strides = array<i32>} : memref<48x256xf32, #tpu.memory_space<vmem>>, vector<16xf32>,
      %parallel_loop3A_284 = arith.index_cast %parallel_loop3A_166 : i32 to index
      %parallel_loop3A_285 = arith.constant 144 : index
      %parallel_loop3A_286 = tpu.vector_load %arg7[%parallel_loop3A_284, %parallel_loop3A_285] {strides = array<i32>} : memref<48x256xf32, #tpu.memory_space<vmem>>, vector<16xf32>,
      %parallel_loop3A_287 = vector.broadcast %parallel_loop3A_109 : f32 to vector<16xf32>
      %parallel_loop3A_288 = arith.divf %parallel_loop3A_286, %parallel_loop3A_287 : vector<16xf32>
      %parallel_loop3A_289 = arith.fptosi %parallel_loop3A_288 : vector<16xf32> to vector<16xi32>
      %parallel_loop3A_290 = arith.constant 20 : i32
      %parallel_loop3A_291 = vector.broadcast %parallel_loop3A_290 : i32 to vector<16xi32>
      %parallel_loop3A_292 = arith.minsi %parallel_loop3A_289, %parallel_loop3A_291 : vector<16xi32>
      %parallel_loop3A_293 = tpu.vector_load_idx %arg9[%parallel_loop3A_292] : memref<21xf32, #tpu.memory_space<vmem>>[vector<16xi32>], vector<16xf32>,
      %parallel_loop3A_294 = arith.index_cast %parallel_loop3A_166 : i32 to index
      %parallel_loop3A_295 = arith.constant 144 : index
      %parallel_loop3A_296 = tpu.vector_load %arg7[%parallel_loop3A_294, %parallel_loop3A_295] {strides = array<i32>} : memref<48x256xf32, #tpu.memory_space<vmem>>, vector<16xf32>,
      tpu.vector_store %arg7[%parallel_loop3A_294, %parallel_loop3A_295], %parallel_loop3A_293 {strides = array<i32>} : memref<48x256xf32, #tpu.memory_space<vmem>>, vector<16xf32>,
      %parallel_loop3A_297 = arith.index_cast %parallel_loop3A_166 : i32 to index
      %parallel_loop3A_298 = arith.constant 160 : index
      %parallel_loop3A_299 = tpu.vector_load %arg7[%parallel_loop3A_297, %parallel_loop3A_298] {strides = array<i32>} : memref<48x256xf32, #tpu.memory_space<vmem>>, vector<16xf32>,
      %parallel_loop3A_300 = vector.broadcast %parallel_loop3A_109 : f32 to vector<16xf32>
      %parallel_loop3A_301 = arith.divf %parallel_loop3A_299, %parallel_loop3A_300 : vector<16xf32>
      %parallel_loop3A_302 = arith.fptosi %parallel_loop3A_301 : vector<16xf32> to vector<16xi32>
      %parallel_loop3A_303 = arith.constant 20 : i32
      %parallel_loop3A_304 = vector.broadcast %parallel_loop3A_303 : i32 to vector<16xi32>
      %parallel_loop3A_305 = arith.minsi %parallel_loop3A_302, %parallel_loop3A_304 : vector<16xi32>
      %parallel_loop3A_306 = tpu.vector_load_idx %arg9[%parallel_loop3A_305] : memref<21xf32, #tpu.memory_space<vmem>>[vector<16xi32>], vector<16xf32>,
      %parallel_loop3A_307 = arith.index_cast %parallel_loop3A_166 : i32 to index
      %parallel_loop3A_308 = arith.constant 160 : index
      %parallel_loop3A_309 = tpu.vector_load %arg7[%parallel_loop3A_307, %parallel_loop3A_308] {strides = array<i32>} : memref<48x256xf32, #tpu.memory_space<vmem>>, vector<16xf32>,
      tpu.vector_store %arg7[%parallel_loop3A_307, %parallel_loop3A_308], %parallel_loop3A_306 {strides = array<i32>} : memref<48x256xf32, #tpu.memory_space<vmem>>, vector<16xf32>,
      %parallel_loop3A_310 = arith.index_cast %parallel_loop3A_166 : i32 to index
      %parallel_loop3A_311 = arith.constant 176 : index
      %parallel_loop3A_312 = tpu.vector_load %arg7[%parallel_loop3A_310, %parallel_loop3A_311] {strides = array<i32>} : memref<48x256xf32, #tpu.memory_space<vmem>>, vector<16xf32>,
      %parallel_loop3A_313 = vector.broadcast %parallel_loop3A_109 : f32 to vector<16xf32>
      %parallel_loop3A_314 = arith.divf %parallel_loop3A_312, %parallel_loop3A_313 : vector<16xf32>
      %parallel_loop3A_315 = arith.fptosi %parallel_loop3A_314 : vector<16xf32> to vector<16xi32>
      %parallel_loop3A_316 = arith.constant 20 : i32
      %parallel_loop3A_317 = vector.broadcast %parallel_loop3A_316 : i32 to vector<16xi32>
      %parallel_loop3A_318 = arith.minsi %parallel_loop3A_315, %parallel_loop3A_317 : vector<16xi32>
      %parallel_loop3A_319 = tpu.vector_load_idx %arg9[%parallel_loop3A_318] : memref<21xf32, #tpu.memory_space<vmem>>[vector<16xi32>], vector<16xf32>,
      %parallel_loop3A_320 = arith.index_cast %parallel_loop3A_166 : i32 to index
      %parallel_loop3A_321 = arith.constant 176 : index
      %parallel_loop3A_322 = tpu.vector_load %arg7[%parallel_loop3A_320, %parallel_loop3A_321] {strides = array<i32>} : memref<48x256xf32, #tpu.memory_space<vmem>>, vector<16xf32>,
      tpu.vector_store %arg7[%parallel_loop3A_320, %parallel_loop3A_321], %parallel_loop3A_319 {strides = array<i32>} : memref<48x256xf32, #tpu.memory_space<vmem>>, vector<16xf32>,
      %parallel_loop3A_323 = arith.index_cast %parallel_loop3A_166 : i32 to index
      %parallel_loop3A_324 = arith.constant 192 : index
      %parallel_loop3A_325 = tpu.vector_load %arg7[%parallel_loop3A_323, %parallel_loop3A_324] {strides = array<i32>} : memref<48x256xf32, #tpu.memory_space<vmem>>, vector<16xf32>,
      %parallel_loop3A_326 = vector.broadcast %parallel_loop3A_109 : f32 to vector<16xf32>
      %parallel_loop3A_327 = arith.divf %parallel_loop3A_325, %parallel_loop3A_326 : vector<16xf32>
      %parallel_loop3A_328 = arith.fptosi %parallel_loop3A_327 : vector<16xf32> to vector<16xi32>
      %parallel_loop3A_329 = arith.constant 20 : i32
      %parallel_loop3A_330 = vector.broadcast %parallel_loop3A_329 : i32 to vector<16xi32>
      %parallel_loop3A_331 = arith.minsi %parallel_loop3A_328, %parallel_loop3A_330 : vector<16xi32>
      %parallel_loop3A_332 = tpu.vector_load_idx %arg9[%parallel_loop3A_331] : memref<21xf32, #tpu.memory_space<vmem>>[vector<16xi32>], vector<16xf32>,
      %parallel_loop3A_333 = arith.index_cast %parallel_loop3A_166 : i32 to index
      %parallel_loop3A_334 = arith.constant 192 : index
      %parallel_loop3A_335 = tpu.vector_load %arg7[%parallel_loop3A_333, %parallel_loop3A_334] {strides = array<i32>} : memref<48x256xf32, #tpu.memory_space<vmem>>, vector<16xf32>,
      tpu.vector_store %arg7[%parallel_loop3A_333, %parallel_loop3A_334], %parallel_loop3A_332 {strides = array<i32>} : memref<48x256xf32, #tpu.memory_space<vmem>>, vector<16xf32>,
      %parallel_loop3A_336 = arith.index_cast %parallel_loop3A_166 : i32 to index
      %parallel_loop3A_337 = arith.constant 208 : index
      %parallel_loop3A_338 = tpu.vector_load %arg7[%parallel_loop3A_336, %parallel_loop3A_337] {strides = array<i32>} : memref<48x256xf32, #tpu.memory_space<vmem>>, vector<16xf32>,
      %parallel_loop3A_339 = vector.broadcast %parallel_loop3A_109 : f32 to vector<16xf32>
      %parallel_loop3A_340 = arith.divf %parallel_loop3A_338, %parallel_loop3A_339 : vector<16xf32>
      %parallel_loop3A_341 = arith.fptosi %parallel_loop3A_340 : vector<16xf32> to vector<16xi32>
      %parallel_loop3A_342 = arith.constant 20 : i32
      %parallel_loop3A_343 = vector.broadcast %parallel_loop3A_342 : i32 to vector<16xi32>
      %parallel_loop3A_344 = arith.minsi %parallel_loop3A_341, %parallel_loop3A_343 : vector<16xi32>
      %parallel_loop3A_345 = tpu.vector_load_idx %arg9[%parallel_loop3A_344] : memref<21xf32, #tpu.memory_space<vmem>>[vector<16xi32>], vector<16xf32>,
      %parallel_loop3A_346 = arith.index_cast %parallel_loop3A_166 : i32 to index
      %parallel_loop3A_347 = arith.constant 208 : index
      %parallel_loop3A_348 = tpu.vector_load %arg7[%parallel_loop3A_346, %parallel_loop3A_347] {strides = array<i32>} : memref<48x256xf32, #tpu.memory_space<vmem>>, vector<16xf32>,
      tpu.vector_store %arg7[%parallel_loop3A_346, %parallel_loop3A_347], %parallel_loop3A_345 {strides = array<i32>} : memref<48x256xf32, #tpu.memory_space<vmem>>, vector<16xf32>,
      %parallel_loop3A_349 = arith.index_cast %parallel_loop3A_166 : i32 to index
      %parallel_loop3A_350 = arith.constant 224 : index
      %parallel_loop3A_351 = tpu.vector_load %arg7[%parallel_loop3A_349, %parallel_loop3A_350] {strides = array<i32>} : memref<48x256xf32, #tpu.memory_space<vmem>>, vector<16xf32>,
      %parallel_loop3A_352 = vector.broadcast %parallel_loop3A_109 : f32 to vector<16xf32>
      %parallel_loop3A_353 = arith.divf %parallel_loop3A_351, %parallel_loop3A_352 : vector<16xf32>
      %parallel_loop3A_354 = arith.fptosi %parallel_loop3A_353 : vector<16xf32> to vector<16xi32>
      %parallel_loop3A_355 = arith.constant 20 : i32
      %parallel_loop3A_356 = vector.broadcast %parallel_loop3A_355 : i32 to vector<16xi32>
      %parallel_loop3A_357 = arith.minsi %parallel_loop3A_354, %parallel_loop3A_356 : vector<16xi32>
      %parallel_loop3A_358 = tpu.vector_load_idx %arg9[%parallel_loop3A_357] : memref<21xf32, #tpu.memory_space<vmem>>[vector<16xi32>], vector<16xf32>,
      %parallel_loop3A_359 = arith.index_cast %parallel_loop3A_166 : i32 to index
      %parallel_loop3A_360 = arith.constant 224 : index
      %parallel_loop3A_361 = tpu.vector_load %arg7[%parallel_loop3A_359, %parallel_loop3A_360] {strides = array<i32>} : memref<48x256xf32, #tpu.memory_space<vmem>>, vector<16xf32>,
      tpu.vector_store %arg7[%parallel_loop3A_359, %parallel_loop3A_360], %parallel_loop3A_358 {strides = array<i32>} : memref<48x256xf32, #tpu.memory_space<vmem>>, vector<16xf32>,
      %parallel_loop3A_362 = arith.index_cast %parallel_loop3A_166 : i32 to index
      %parallel_loop3A_363 = arith.constant 240 : index
      %parallel_loop3A_364 = tpu.vector_load %arg7[%parallel_loop3A_362, %parallel_loop3A_363] {strides = array<i32>} : memref<48x256xf32, #tpu.memory_space<vmem>>, vector<16xf32>,
      %parallel_loop3A_365 = vector.broadcast %parallel_loop3A_109 : f32 to vector<16xf32>
      %parallel_loop3A_366 = arith.divf %parallel_loop3A_364, %parallel_loop3A_365 : vector<16xf32>
      %parallel_loop3A_367 = arith.fptosi %parallel_loop3A_366 : vector<16xf32> to vector<16xi32>
      %parallel_loop3A_368 = arith.constant 20 : i32
      %parallel_loop3A_369 = vector.broadcast %parallel_loop3A_368 : i32 to vector<16xi32>
      %parallel_loop3A_370 = arith.minsi %parallel_loop3A_367, %parallel_loop3A_369 : vector<16xi32>
      %parallel_loop3A_371 = tpu.vector_load_idx %arg9[%parallel_loop3A_370] : memref<21xf32, #tpu.memory_space<vmem>>[vector<16xi32>], vector<16xf32>,
      %parallel_loop3A_372 = arith.index_cast %parallel_loop3A_166 : i32 to index
      %parallel_loop3A_373 = arith.constant 240 : index
      %parallel_loop3A_374 = tpu.vector_load %arg7[%parallel_loop3A_372, %parallel_loop3A_373] {strides = array<i32>} : memref<48x256xf32, #tpu.memory_space<vmem>>, vector<16xf32>,
      tpu.vector_store %arg7[%parallel_loop3A_372, %parallel_loop3A_373], %parallel_loop3A_371 {strides = array<i32>} : memref<48x256xf32, #tpu.memory_space<vmem>>, vector<16xf32>,
    } {sc.loop_unroll_factor = 1 : i64, sc.parallel_access}
    %add3A_110 = arith.constant 64 : i32
    %add3A_111 = arith.addi %mul3A_32, %add3A_110 : i32
    %dma_start3A_112 = arith.constant 0 : i32
    %dma_start3A_113 = arith.constant 0 : i32
    %dma_start3A_114 = tpu.memref_slice %arg4[%select_n3A, %dma_start3A_112, %add3A_111, %dma_start3A_113] : memref<16x1x256x256xf32, #tpu.memory_space<hbm>> -> memref<1x1x48x256xf32, #tpu.memory_space<hbm>>
    %dma_start3A_115 = tpu.memref_squeeze %dma_start3A_114 : memref<1x1x48x256xf32, #tpu.memory_space<hbm>> -> memref<48x256xf32, #tpu.memory_space<hbm>>
    %dma_start3A_116 = arith.constant 0 : i32
    %dma_start3A_117 = tpu.memref_slice %arg4[%select_n3A, %dma_start3A_112, %add3A_111, %dma_start3A_116] : memref<16x1x256x256xf32, #tpu.memory_space<hbm>> -> memref<1x1x48x256xf32, #tpu.memory_space<hbm>>
    %dma_start3A_118 = tpu.memref_squeeze %dma_start3A_117 : memref<1x1x48x256xf32, #tpu.memory_space<hbm>> -> memref<48x256xf32, #tpu.memory_space<hbm>>
    tpu.enqueue_dma source(%arg7 : memref<48x256xf32, #tpu.memory_space<vmem>>) target(%dma_start3A_118 : memref<48x256xf32, #tpu.memory_space<hbm>>) target_semaphore(%arg17 : memref<!tpu.dma_semaphore, #tpu.memory_space<semaphore_mem>>)
    %dma_wait3A_119 = arith.constant 0 : i32
    %dma_wait3A_120 = tpu.memref_slice %arg2[%select_n3A, %add3A_93, %dma_wait3A_119] : memref<16x256x256xf32, #tpu.memory_space<hbm>> -> memref<1x16x256xf32, #tpu.memory_space<hbm>>
    %dma_wait3A_121 = tpu.memref_squeeze %dma_wait3A_120 : memref<1x16x256xf32, #tpu.memory_space<hbm>> -> memref<16x256xf32, #tpu.memory_space<hbm>>
    %dma_wait3A_122 = arith.constant 0 : i32
    %dma_wait3A_123 = tpu.memref_slice %arg2[%select_n3A, %add3A_93, %dma_wait3A_122] : memref<16x256x256xf32, #tpu.memory_space<hbm>> -> memref<1x16x256xf32, #tpu.memory_space<hbm>>
    %dma_wait3A_124 = tpu.memref_squeeze %dma_wait3A_123 : memref<1x16x256xf32, #tpu.memory_space<hbm>> -> memref<16x256xf32, #tpu.memory_space<hbm>>
    tpu.wait_dma2 semaphore(%arg14 : memref<!tpu.dma_semaphore, #tpu.memory_space<semaphore_mem>>) src(%dma_wait3A_124 : memref<16x256xf32, #tpu.memory_space<hbm>>) dst(%arg8 : memref<16x256xf32, #tpu.memory_space<vmem>>)
    %parallel_loop3A_125 = arith.constant 0 : i32
    %parallel_loop3A_126 = arith.constant 16 : i32
    %parallel_loop3A_127 = arith.constant 1 : i32
    %parallel_loop3A_128 = arith.constant 5.000000e+00 : f32
    scf.for %parallel_loop3A_166 = %parallel_loop3A_125 to %parallel_loop3A_126 step %parallel_loop3A_127  : i32 {
      %parallel_loop3A_167 = arith.index_cast %parallel_loop3A_166 : i32 to index
      %parallel_loop3A_168 = arith.constant 0 : index
      %parallel_loop3A_169 = tpu.vector_load %arg8[%parallel_loop3A_167, %parallel_loop3A_168] {strides = array<i32>} : memref<16x256xf32, #tpu.memory_space<vmem>>, vector<16xf32>,
      %parallel_loop3A_170 = vector.broadcast %parallel_loop3A_128 : f32 to vector<16xf32>
      %parallel_loop3A_171 = arith.divf %parallel_loop3A_169, %parallel_loop3A_170 : vector<16xf32>
      %parallel_loop3A_172 = arith.fptosi %parallel_loop3A_171 : vector<16xf32> to vector<16xi32>
      %parallel_loop3A_173 = arith.constant 20 : i32
      %parallel_loop3A_174 = vector.broadcast %parallel_loop3A_173 : i32 to vector<16xi32>
      %parallel_loop3A_175 = arith.minsi %parallel_loop3A_172, %parallel_loop3A_174 : vector<16xi32>
      %parallel_loop3A_176 = tpu.vector_load_idx %arg9[%parallel_loop3A_175] : memref<21xf32, #tpu.memory_space<vmem>>[vector<16xi32>], vector<16xf32>,
      %parallel_loop3A_177 = arith.index_cast %parallel_loop3A_166 : i32 to index
      %parallel_loop3A_178 = arith.constant 0 : index
      %parallel_loop3A_179 = tpu.vector_load %arg8[%parallel_loop3A_177, %parallel_loop3A_178] {strides = array<i32>} : memref<16x256xf32, #tpu.memory_space<vmem>>, vector<16xf32>,
      tpu.vector_store %arg8[%parallel_loop3A_177, %parallel_loop3A_178], %parallel_loop3A_176 {strides = array<i32>} : memref<16x256xf32, #tpu.memory_space<vmem>>, vector<16xf32>,
      %parallel_loop3A_180 = arith.index_cast %parallel_loop3A_166 : i32 to index
      %parallel_loop3A_181 = arith.constant 16 : index
      %parallel_loop3A_182 = tpu.vector_load %arg8[%parallel_loop3A_180, %parallel_loop3A_181] {strides = array<i32>} : memref<16x256xf32, #tpu.memory_space<vmem>>, vector<16xf32>,
      %parallel_loop3A_183 = vector.broadcast %parallel_loop3A_128 : f32 to vector<16xf32>
      %parallel_loop3A_184 = arith.divf %parallel_loop3A_182, %parallel_loop3A_183 : vector<16xf32>
      %parallel_loop3A_185 = arith.fptosi %parallel_loop3A_184 : vector<16xf32> to vector<16xi32>
      %parallel_loop3A_186 = arith.constant 20 : i32
      %parallel_loop3A_187 = vector.broadcast %parallel_loop3A_186 : i32 to vector<16xi32>
      %parallel_loop3A_188 = arith.minsi %parallel_loop3A_185, %parallel_loop3A_187 : vector<16xi32>
      %parallel_loop3A_189 = tpu.vector_load_idx %arg9[%parallel_loop3A_188] : memref<21xf32, #tpu.memory_space<vmem>>[vector<16xi32>], vector<16xf32>,
      %parallel_loop3A_190 = arith.index_cast %parallel_loop3A_166 : i32 to index
      %parallel_loop3A_191 = arith.constant 16 : index
      %parallel_loop3A_192 = tpu.vector_load %arg8[%parallel_loop3A_190, %parallel_loop3A_191] {strides = array<i32>} : memref<16x256xf32, #tpu.memory_space<vmem>>, vector<16xf32>,
      tpu.vector_store %arg8[%parallel_loop3A_190, %parallel_loop3A_191], %parallel_loop3A_189 {strides = array<i32>} : memref<16x256xf32, #tpu.memory_space<vmem>>, vector<16xf32>,
      %parallel_loop3A_193 = arith.index_cast %parallel_loop3A_166 : i32 to index
      %parallel_loop3A_194 = arith.constant 32 : index
      %parallel_loop3A_195 = tpu.vector_load %arg8[%parallel_loop3A_193, %parallel_loop3A_194] {strides = array<i32>} : memref<16x256xf32, #tpu.memory_space<vmem>>, vector<16xf32>,
      %parallel_loop3A_196 = vector.broadcast %parallel_loop3A_128 : f32 to vector<16xf32>
      %parallel_loop3A_197 = arith.divf %parallel_loop3A_195, %parallel_loop3A_196 : vector<16xf32>
      %parallel_loop3A_198 = arith.fptosi %parallel_loop3A_197 : vector<16xf32> to vector<16xi32>
      %parallel_loop3A_199 = arith.constant 20 : i32
      %parallel_loop3A_200 = vector.broadcast %parallel_loop3A_199 : i32 to vector<16xi32>
      %parallel_loop3A_201 = arith.minsi %parallel_loop3A_198, %parallel_loop3A_200 : vector<16xi32>
      %parallel_loop3A_202 = tpu.vector_load_idx %arg9[%parallel_loop3A_201] : memref<21xf32, #tpu.memory_space<vmem>>[vector<16xi32>], vector<16xf32>,
      %parallel_loop3A_203 = arith.index_cast %parallel_loop3A_166 : i32 to index
      %parallel_loop3A_204 = arith.constant 32 : index
      %parallel_loop3A_205 = tpu.vector_load %arg8[%parallel_loop3A_203, %parallel_loop3A_204] {strides = array<i32>} : memref<16x256xf32, #tpu.memory_space<vmem>>, vector<16xf32>,
      tpu.vector_store %arg8[%parallel_loop3A_203, %parallel_loop3A_204], %parallel_loop3A_202 {strides = array<i32>} : memref<16x256xf32, #tpu.memory_space<vmem>>, vector<16xf32>,
      %parallel_loop3A_206 = arith.index_cast %parallel_loop3A_166 : i32 to index
      %parallel_loop3A_207 = arith.constant 48 : index
      %parallel_loop3A_208 = tpu.vector_load %arg8[%parallel_loop3A_206, %parallel_loop3A_207] {strides = array<i32>} : memref<16x256xf32, #tpu.memory_space<vmem>>, vector<16xf32>,
      %parallel_loop3A_209 = vector.broadcast %parallel_loop3A_128 : f32 to vector<16xf32>
      %parallel_loop3A_210 = arith.divf %parallel_loop3A_208, %parallel_loop3A_209 : vector<16xf32>
      %parallel_loop3A_211 = arith.fptosi %parallel_loop3A_210 : vector<16xf32> to vector<16xi32>
      %parallel_loop3A_212 = arith.constant 20 : i32
      %parallel_loop3A_213 = vector.broadcast %parallel_loop3A_212 : i32 to vector<16xi32>
      %parallel_loop3A_214 = arith.minsi %parallel_loop3A_211, %parallel_loop3A_213 : vector<16xi32>
      %parallel_loop3A_215 = tpu.vector_load_idx %arg9[%parallel_loop3A_214] : memref<21xf32, #tpu.memory_space<vmem>>[vector<16xi32>], vector<16xf32>,
      %parallel_loop3A_216 = arith.index_cast %parallel_loop3A_166 : i32 to index
      %parallel_loop3A_217 = arith.constant 48 : index
      %parallel_loop3A_218 = tpu.vector_load %arg8[%parallel_loop3A_216, %parallel_loop3A_217] {strides = array<i32>} : memref<16x256xf32, #tpu.memory_space<vmem>>, vector<16xf32>,
      tpu.vector_store %arg8[%parallel_loop3A_216, %parallel_loop3A_217], %parallel_loop3A_215 {strides = array<i32>} : memref<16x256xf32, #tpu.memory_space<vmem>>, vector<16xf32>,
      %parallel_loop3A_219 = arith.index_cast %parallel_loop3A_166 : i32 to index
      %parallel_loop3A_220 = arith.constant 64 : index
      %parallel_loop3A_221 = tpu.vector_load %arg8[%parallel_loop3A_219, %parallel_loop3A_220] {strides = array<i32>} : memref<16x256xf32, #tpu.memory_space<vmem>>, vector<16xf32>,
      %parallel_loop3A_222 = vector.broadcast %parallel_loop3A_128 : f32 to vector<16xf32>
      %parallel_loop3A_223 = arith.divf %parallel_loop3A_221, %parallel_loop3A_222 : vector<16xf32>
      %parallel_loop3A_224 = arith.fptosi %parallel_loop3A_223 : vector<16xf32> to vector<16xi32>
      %parallel_loop3A_225 = arith.constant 20 : i32
      %parallel_loop3A_226 = vector.broadcast %parallel_loop3A_225 : i32 to vector<16xi32>
      %parallel_loop3A_227 = arith.minsi %parallel_loop3A_224, %parallel_loop3A_226 : vector<16xi32>
      %parallel_loop3A_228 = tpu.vector_load_idx %arg9[%parallel_loop3A_227] : memref<21xf32, #tpu.memory_space<vmem>>[vector<16xi32>], vector<16xf32>,
      %parallel_loop3A_229 = arith.index_cast %parallel_loop3A_166 : i32 to index
      %parallel_loop3A_230 = arith.constant 64 : index
      %parallel_loop3A_231 = tpu.vector_load %arg8[%parallel_loop3A_229, %parallel_loop3A_230] {strides = array<i32>} : memref<16x256xf32, #tpu.memory_space<vmem>>, vector<16xf32>,
      tpu.vector_store %arg8[%parallel_loop3A_229, %parallel_loop3A_230], %parallel_loop3A_228 {strides = array<i32>} : memref<16x256xf32, #tpu.memory_space<vmem>>, vector<16xf32>,
      %parallel_loop3A_232 = arith.index_cast %parallel_loop3A_166 : i32 to index
      %parallel_loop3A_233 = arith.constant 80 : index
      %parallel_loop3A_234 = tpu.vector_load %arg8[%parallel_loop3A_232, %parallel_loop3A_233] {strides = array<i32>} : memref<16x256xf32, #tpu.memory_space<vmem>>, vector<16xf32>,
      %parallel_loop3A_235 = vector.broadcast %parallel_loop3A_128 : f32 to vector<16xf32>
      %parallel_loop3A_236 = arith.divf %parallel_loop3A_234, %parallel_loop3A_235 : vector<16xf32>
      %parallel_loop3A_237 = arith.fptosi %parallel_loop3A_236 : vector<16xf32> to vector<16xi32>
      %parallel_loop3A_238 = arith.constant 20 : i32
      %parallel_loop3A_239 = vector.broadcast %parallel_loop3A_238 : i32 to vector<16xi32>
      %parallel_loop3A_240 = arith.minsi %parallel_loop3A_237, %parallel_loop3A_239 : vector<16xi32>
      %parallel_loop3A_241 = tpu.vector_load_idx %arg9[%parallel_loop3A_240] : memref<21xf32, #tpu.memory_space<vmem>>[vector<16xi32>], vector<16xf32>,
      %parallel_loop3A_242 = arith.index_cast %parallel_loop3A_166 : i32 to index
      %parallel_loop3A_243 = arith.constant 80 : index
      %parallel_loop3A_244 = tpu.vector_load %arg8[%parallel_loop3A_242, %parallel_loop3A_243] {strides = array<i32>} : memref<16x256xf32, #tpu.memory_space<vmem>>, vector<16xf32>,
      tpu.vector_store %arg8[%parallel_loop3A_242, %parallel_loop3A_243], %parallel_loop3A_241 {strides = array<i32>} : memref<16x256xf32, #tpu.memory_space<vmem>>, vector<16xf32>,
      %parallel_loop3A_245 = arith.index_cast %parallel_loop3A_166 : i32 to index
      %parallel_loop3A_246 = arith.constant 96 : index
      %parallel_loop3A_247 = tpu.vector_load %arg8[%parallel_loop3A_245, %parallel_loop3A_246] {strides = array<i32>} : memref<16x256xf32, #tpu.memory_space<vmem>>, vector<16xf32>,
      %parallel_loop3A_248 = vector.broadcast %parallel_loop3A_128 : f32 to vector<16xf32>
      %parallel_loop3A_249 = arith.divf %parallel_loop3A_247, %parallel_loop3A_248 : vector<16xf32>
      %parallel_loop3A_250 = arith.fptosi %parallel_loop3A_249 : vector<16xf32> to vector<16xi32>
      %parallel_loop3A_251 = arith.constant 20 : i32
      %parallel_loop3A_252 = vector.broadcast %parallel_loop3A_251 : i32 to vector<16xi32>
      %parallel_loop3A_253 = arith.minsi %parallel_loop3A_250, %parallel_loop3A_252 : vector<16xi32>
      %parallel_loop3A_254 = tpu.vector_load_idx %arg9[%parallel_loop3A_253] : memref<21xf32, #tpu.memory_space<vmem>>[vector<16xi32>], vector<16xf32>,
      %parallel_loop3A_255 = arith.index_cast %parallel_loop3A_166 : i32 to index
      %parallel_loop3A_256 = arith.constant 96 : index
      %parallel_loop3A_257 = tpu.vector_load %arg8[%parallel_loop3A_255, %parallel_loop3A_256] {strides = array<i32>} : memref<16x256xf32, #tpu.memory_space<vmem>>, vector<16xf32>,
      tpu.vector_store %arg8[%parallel_loop3A_255, %parallel_loop3A_256], %parallel_loop3A_254 {strides = array<i32>} : memref<16x256xf32, #tpu.memory_space<vmem>>, vector<16xf32>,
      %parallel_loop3A_258 = arith.index_cast %parallel_loop3A_166 : i32 to index
      %parallel_loop3A_259 = arith.constant 112 : index
      %parallel_loop3A_260 = tpu.vector_load %arg8[%parallel_loop3A_258, %parallel_loop3A_259] {strides = array<i32>} : memref<16x256xf32, #tpu.memory_space<vmem>>, vector<16xf32>,
      %parallel_loop3A_261 = vector.broadcast %parallel_loop3A_128 : f32 to vector<16xf32>
      %parallel_loop3A_262 = arith.divf %parallel_loop3A_260, %parallel_loop3A_261 : vector<16xf32>
      %parallel_loop3A_263 = arith.fptosi %parallel_loop3A_262 : vector<16xf32> to vector<16xi32>
      %parallel_loop3A_264 = arith.constant 20 : i32
      %parallel_loop3A_265 = vector.broadcast %parallel_loop3A_264 : i32 to vector<16xi32>
      %parallel_loop3A_266 = arith.minsi %parallel_loop3A_263, %parallel_loop3A_265 : vector<16xi32>
      %parallel_loop3A_267 = tpu.vector_load_idx %arg9[%parallel_loop3A_266] : memref<21xf32, #tpu.memory_space<vmem>>[vector<16xi32>], vector<16xf32>,
      %parallel_loop3A_268 = arith.index_cast %parallel_loop3A_166 : i32 to index
      %parallel_loop3A_269 = arith.constant 112 : index
      %parallel_loop3A_270 = tpu.vector_load %arg8[%parallel_loop3A_268, %parallel_loop3A_269] {strides = array<i32>} : memref<16x256xf32, #tpu.memory_space<vmem>>, vector<16xf32>,
      tpu.vector_store %arg8[%parallel_loop3A_268, %parallel_loop3A_269], %parallel_loop3A_267 {strides = array<i32>} : memref<16x256xf32, #tpu.memory_space<vmem>>, vector<16xf32>,
      %parallel_loop3A_271 = arith.index_cast %parallel_loop3A_166 : i32 to index
      %parallel_loop3A_272 = arith.constant 128 : index
      %parallel_loop3A_273 = tpu.vector_load %arg8[%parallel_loop3A_271, %parallel_loop3A_272] {strides = array<i32>} : memref<16x256xf32, #tpu.memory_space<vmem>>, vector<16xf32>,
      %parallel_loop3A_274 = vector.broadcast %parallel_loop3A_128 : f32 to vector<16xf32>
      %parallel_loop3A_275 = arith.divf %parallel_loop3A_273, %parallel_loop3A_274 : vector<16xf32>
      %parallel_loop3A_276 = arith.fptosi %parallel_loop3A_275 : vector<16xf32> to vector<16xi32>
      %parallel_loop3A_277 = arith.constant 20 : i32
      %parallel_loop3A_278 = vector.broadcast %parallel_loop3A_277 : i32 to vector<16xi32>
      %parallel_loop3A_279 = arith.minsi %parallel_loop3A_276, %parallel_loop3A_278 : vector<16xi32>
      %parallel_loop3A_280 = tpu.vector_load_idx %arg9[%parallel_loop3A_279] : memref<21xf32, #tpu.memory_space<vmem>>[vector<16xi32>], vector<16xf32>,
      %parallel_loop3A_281 = arith.index_cast %parallel_loop3A_166 : i32 to index
      %parallel_loop3A_282 = arith.constant 128 : index
      %parallel_loop3A_283 = tpu.vector_load %arg8[%parallel_loop3A_281, %parallel_loop3A_282] {strides = array<i32>} : memref<16x256xf32, #tpu.memory_space<vmem>>, vector<16xf32>,
      tpu.vector_store %arg8[%parallel_loop3A_281, %parallel_loop3A_282], %parallel_loop3A_280 {strides = array<i32>} : memref<16x256xf32, #tpu.memory_space<vmem>>, vector<16xf32>,
      %parallel_loop3A_284 = arith.index_cast %parallel_loop3A_166 : i32 to index
      %parallel_loop3A_285 = arith.constant 144 : index
      %parallel_loop3A_286 = tpu.vector_load %arg8[%parallel_loop3A_284, %parallel_loop3A_285] {strides = array<i32>} : memref<16x256xf32, #tpu.memory_space<vmem>>, vector<16xf32>,
      %parallel_loop3A_287 = vector.broadcast %parallel_loop3A_128 : f32 to vector<16xf32>
      %parallel_loop3A_288 = arith.divf %parallel_loop3A_286, %parallel_loop3A_287 : vector<16xf32>
      %parallel_loop3A_289 = arith.fptosi %parallel_loop3A_288 : vector<16xf32> to vector<16xi32>
      %parallel_loop3A_290 = arith.constant 20 : i32
      %parallel_loop3A_291 = vector.broadcast %parallel_loop3A_290 : i32 to vector<16xi32>
      %parallel_loop3A_292 = arith.minsi %parallel_loop3A_289, %parallel_loop3A_291 : vector<16xi32>
      %parallel_loop3A_293 = tpu.vector_load_idx %arg9[%parallel_loop3A_292] : memref<21xf32, #tpu.memory_space<vmem>>[vector<16xi32>], vector<16xf32>,
      %parallel_loop3A_294 = arith.index_cast %parallel_loop3A_166 : i32 to index
      %parallel_loop3A_295 = arith.constant 144 : index
      %parallel_loop3A_296 = tpu.vector_load %arg8[%parallel_loop3A_294, %parallel_loop3A_295] {strides = array<i32>} : memref<16x256xf32, #tpu.memory_space<vmem>>, vector<16xf32>,
      tpu.vector_store %arg8[%parallel_loop3A_294, %parallel_loop3A_295], %parallel_loop3A_293 {strides = array<i32>} : memref<16x256xf32, #tpu.memory_space<vmem>>, vector<16xf32>,
      %parallel_loop3A_297 = arith.index_cast %parallel_loop3A_166 : i32 to index
      %parallel_loop3A_298 = arith.constant 160 : index
      %parallel_loop3A_299 = tpu.vector_load %arg8[%parallel_loop3A_297, %parallel_loop3A_298] {strides = array<i32>} : memref<16x256xf32, #tpu.memory_space<vmem>>, vector<16xf32>,
      %parallel_loop3A_300 = vector.broadcast %parallel_loop3A_128 : f32 to vector<16xf32>
      %parallel_loop3A_301 = arith.divf %parallel_loop3A_299, %parallel_loop3A_300 : vector<16xf32>
      %parallel_loop3A_302 = arith.fptosi %parallel_loop3A_301 : vector<16xf32> to vector<16xi32>
      %parallel_loop3A_303 = arith.constant 20 : i32
      %parallel_loop3A_304 = vector.broadcast %parallel_loop3A_303 : i32 to vector<16xi32>
      %parallel_loop3A_305 = arith.minsi %parallel_loop3A_302, %parallel_loop3A_304 : vector<16xi32>
      %parallel_loop3A_306 = tpu.vector_load_idx %arg9[%parallel_loop3A_305] : memref<21xf32, #tpu.memory_space<vmem>>[vector<16xi32>], vector<16xf32>,
      %parallel_loop3A_307 = arith.index_cast %parallel_loop3A_166 : i32 to index
      %parallel_loop3A_308 = arith.constant 160 : index
      %parallel_loop3A_309 = tpu.vector_load %arg8[%parallel_loop3A_307, %parallel_loop3A_308] {strides = array<i32>} : memref<16x256xf32, #tpu.memory_space<vmem>>, vector<16xf32>,
      tpu.vector_store %arg8[%parallel_loop3A_307, %parallel_loop3A_308], %parallel_loop3A_306 {strides = array<i32>} : memref<16x256xf32, #tpu.memory_space<vmem>>, vector<16xf32>,
      %parallel_loop3A_310 = arith.index_cast %parallel_loop3A_166 : i32 to index
      %parallel_loop3A_311 = arith.constant 176 : index
      %parallel_loop3A_312 = tpu.vector_load %arg8[%parallel_loop3A_310, %parallel_loop3A_311] {strides = array<i32>} : memref<16x256xf32, #tpu.memory_space<vmem>>, vector<16xf32>,
      %parallel_loop3A_313 = vector.broadcast %parallel_loop3A_128 : f32 to vector<16xf32>
      %parallel_loop3A_314 = arith.divf %parallel_loop3A_312, %parallel_loop3A_313 : vector<16xf32>
      %parallel_loop3A_315 = arith.fptosi %parallel_loop3A_314 : vector<16xf32> to vector<16xi32>
      %parallel_loop3A_316 = arith.constant 20 : i32
      %parallel_loop3A_317 = vector.broadcast %parallel_loop3A_316 : i32 to vector<16xi32>
      %parallel_loop3A_318 = arith.minsi %parallel_loop3A_315, %parallel_loop3A_317 : vector<16xi32>
      %parallel_loop3A_319 = tpu.vector_load_idx %arg9[%parallel_loop3A_318] : memref<21xf32, #tpu.memory_space<vmem>>[vector<16xi32>], vector<16xf32>,
      %parallel_loop3A_320 = arith.index_cast %parallel_loop3A_166 : i32 to index
      %parallel_loop3A_321 = arith.constant 176 : index
      %parallel_loop3A_322 = tpu.vector_load %arg8[%parallel_loop3A_320, %parallel_loop3A_321] {strides = array<i32>} : memref<16x256xf32, #tpu.memory_space<vmem>>, vector<16xf32>,
      tpu.vector_store %arg8[%parallel_loop3A_320, %parallel_loop3A_321], %parallel_loop3A_319 {strides = array<i32>} : memref<16x256xf32, #tpu.memory_space<vmem>>, vector<16xf32>,
      %parallel_loop3A_323 = arith.index_cast %parallel_loop3A_166 : i32 to index
      %parallel_loop3A_324 = arith.constant 192 : index
      %parallel_loop3A_325 = tpu.vector_load %arg8[%parallel_loop3A_323, %parallel_loop3A_324] {strides = array<i32>} : memref<16x256xf32, #tpu.memory_space<vmem>>, vector<16xf32>,
      %parallel_loop3A_326 = vector.broadcast %parallel_loop3A_128 : f32 to vector<16xf32>
      %parallel_loop3A_327 = arith.divf %parallel_loop3A_325, %parallel_loop3A_326 : vector<16xf32>
      %parallel_loop3A_328 = arith.fptosi %parallel_loop3A_327 : vector<16xf32> to vector<16xi32>
      %parallel_loop3A_329 = arith.constant 20 : i32
      %parallel_loop3A_330 = vector.broadcast %parallel_loop3A_329 : i32 to vector<16xi32>
      %parallel_loop3A_331 = arith.minsi %parallel_loop3A_328, %parallel_loop3A_330 : vector<16xi32>
      %parallel_loop3A_332 = tpu.vector_load_idx %arg9[%parallel_loop3A_331] : memref<21xf32, #tpu.memory_space<vmem>>[vector<16xi32>], vector<16xf32>,
      %parallel_loop3A_333 = arith.index_cast %parallel_loop3A_166 : i32 to index
      %parallel_loop3A_334 = arith.constant 192 : index
      %parallel_loop3A_335 = tpu.vector_load %arg8[%parallel_loop3A_333, %parallel_loop3A_334] {strides = array<i32>} : memref<16x256xf32, #tpu.memory_space<vmem>>, vector<16xf32>,
      tpu.vector_store %arg8[%parallel_loop3A_333, %parallel_loop3A_334], %parallel_loop3A_332 {strides = array<i32>} : memref<16x256xf32, #tpu.memory_space<vmem>>, vector<16xf32>,
      %parallel_loop3A_336 = arith.index_cast %parallel_loop3A_166 : i32 to index
      %parallel_loop3A_337 = arith.constant 208 : index
      %parallel_loop3A_338 = tpu.vector_load %arg8[%parallel_loop3A_336, %parallel_loop3A_337] {strides = array<i32>} : memref<16x256xf32, #tpu.memory_space<vmem>>, vector<16xf32>,
      %parallel_loop3A_339 = vector.broadcast %parallel_loop3A_128 : f32 to vector<16xf32>
      %parallel_loop3A_340 = arith.divf %parallel_loop3A_338, %parallel_loop3A_339 : vector<16xf32>
      %parallel_loop3A_341 = arith.fptosi %parallel_loop3A_340 : vector<16xf32> to vector<16xi32>
      %parallel_loop3A_342 = arith.constant 20 : i32
      %parallel_loop3A_343 = vector.broadcast %parallel_loop3A_342 : i32 to vector<16xi32>
      %parallel_loop3A_344 = arith.minsi %parallel_loop3A_341, %parallel_loop3A_343 : vector<16xi32>
      %parallel_loop3A_345 = tpu.vector_load_idx %arg9[%parallel_loop3A_344] : memref<21xf32, #tpu.memory_space<vmem>>[vector<16xi32>], vector<16xf32>,
      %parallel_loop3A_346 = arith.index_cast %parallel_loop3A_166 : i32 to index
      %parallel_loop3A_347 = arith.constant 208 : index
      %parallel_loop3A_348 = tpu.vector_load %arg8[%parallel_loop3A_346, %parallel_loop3A_347] {strides = array<i32>} : memref<16x256xf32, #tpu.memory_space<vmem>>, vector<16xf32>,
      tpu.vector_store %arg8[%parallel_loop3A_346, %parallel_loop3A_347], %parallel_loop3A_345 {strides = array<i32>} : memref<16x256xf32, #tpu.memory_space<vmem>>, vector<16xf32>,
      %parallel_loop3A_349 = arith.index_cast %parallel_loop3A_166 : i32 to index
      %parallel_loop3A_350 = arith.constant 224 : index
      %parallel_loop3A_351 = tpu.vector_load %arg8[%parallel_loop3A_349, %parallel_loop3A_350] {strides = array<i32>} : memref<16x256xf32, #tpu.memory_space<vmem>>, vector<16xf32>,
      %parallel_loop3A_352 = vector.broadcast %parallel_loop3A_128 : f32 to vector<16xf32>
      %parallel_loop3A_353 = arith.divf %parallel_loop3A_351, %parallel_loop3A_352 : vector<16xf32>
      %parallel_loop3A_354 = arith.fptosi %parallel_loop3A_353 : vector<16xf32> to vector<16xi32>
      %parallel_loop3A_355 = arith.constant 20 : i32
      %parallel_loop3A_356 = vector.broadcast %parallel_loop3A_355 : i32 to vector<16xi32>
      %parallel_loop3A_357 = arith.minsi %parallel_loop3A_354, %parallel_loop3A_356 : vector<16xi32>
      %parallel_loop3A_358 = tpu.vector_load_idx %arg9[%parallel_loop3A_357] : memref<21xf32, #tpu.memory_space<vmem>>[vector<16xi32>], vector<16xf32>,
      %parallel_loop3A_359 = arith.index_cast %parallel_loop3A_166 : i32 to index
      %parallel_loop3A_360 = arith.constant 224 : index
      %parallel_loop3A_361 = tpu.vector_load %arg8[%parallel_loop3A_359, %parallel_loop3A_360] {strides = array<i32>} : memref<16x256xf32, #tpu.memory_space<vmem>>, vector<16xf32>,
      tpu.vector_store %arg8[%parallel_loop3A_359, %parallel_loop3A_360], %parallel_loop3A_358 {strides = array<i32>} : memref<16x256xf32, #tpu.memory_space<vmem>>, vector<16xf32>,
      %parallel_loop3A_362 = arith.index_cast %parallel_loop3A_166 : i32 to index
      %parallel_loop3A_363 = arith.constant 240 : index
      %parallel_loop3A_364 = tpu.vector_load %arg8[%parallel_loop3A_362, %parallel_loop3A_363] {strides = array<i32>} : memref<16x256xf32, #tpu.memory_space<vmem>>, vector<16xf32>,
      %parallel_loop3A_365 = vector.broadcast %parallel_loop3A_128 : f32 to vector<16xf32>
      %parallel_loop3A_366 = arith.divf %parallel_loop3A_364, %parallel_loop3A_365 : vector<16xf32>
      %parallel_loop3A_367 = arith.fptosi %parallel_loop3A_366 : vector<16xf32> to vector<16xi32>
      %parallel_loop3A_368 = arith.constant 20 : i32
      %parallel_loop3A_369 = vector.broadcast %parallel_loop3A_368 : i32 to vector<16xi32>
      %parallel_loop3A_370 = arith.minsi %parallel_loop3A_367, %parallel_loop3A_369 : vector<16xi32>
      %parallel_loop3A_371 = tpu.vector_load_idx %arg9[%parallel_loop3A_370] : memref<21xf32, #tpu.memory_space<vmem>>[vector<16xi32>], vector<16xf32>,
      %parallel_loop3A_372 = arith.index_cast %parallel_loop3A_166 : i32 to index
      %parallel_loop3A_373 = arith.constant 240 : index
      %parallel_loop3A_374 = tpu.vector_load %arg8[%parallel_loop3A_372, %parallel_loop3A_373] {strides = array<i32>} : memref<16x256xf32, #tpu.memory_space<vmem>>, vector<16xf32>,
      tpu.vector_store %arg8[%parallel_loop3A_372, %parallel_loop3A_373], %parallel_loop3A_371 {strides = array<i32>} : memref<16x256xf32, #tpu.memory_space<vmem>>, vector<16xf32>,
    } {sc.loop_unroll_factor = 1 : i64, sc.parallel_access}
    %add3A_129 = arith.constant 112 : i32
    %add3A_130 = arith.addi %mul3A_32, %add3A_129 : i32
    %dma_start3A_131 = arith.constant 0 : i32
    %dma_start3A_132 = arith.constant 0 : i32
    %dma_start3A_133 = tpu.memref_slice %arg4[%select_n3A, %dma_start3A_131, %add3A_130, %dma_start3A_132] : memref<16x1x256x256xf32, #tpu.memory_space<hbm>> -> memref<1x1x16x256xf32, #tpu.memory_space<hbm>>
    %dma_start3A_134 = tpu.memref_squeeze %dma_start3A_133 : memref<1x1x16x256xf32, #tpu.memory_space<hbm>> -> memref<16x256xf32, #tpu.memory_space<hbm>>
    %dma_start3A_135 = arith.constant 0 : i32
    %dma_start3A_136 = tpu.memref_slice %arg4[%select_n3A, %dma_start3A_131, %add3A_130, %dma_start3A_135] : memref<16x1x256x256xf32, #tpu.memory_space<hbm>> -> memref<1x1x16x256xf32, #tpu.memory_space<hbm>>
    %dma_start3A_137 = tpu.memref_squeeze %dma_start3A_136 : memref<1x1x16x256xf32, #tpu.memory_space<hbm>> -> memref<16x256xf32, #tpu.memory_space<hbm>>
    tpu.enqueue_dma source(%arg8 : memref<16x256xf32, #tpu.memory_space<vmem>>) target(%dma_start3A_137 : memref<16x256xf32, #tpu.memory_space<hbm>>) target_semaphore(%arg18 : memref<!tpu.dma_semaphore, #tpu.memory_space<semaphore_mem>>)
    %dma_wait3A_138 = arith.constant 0 : i32
    %dma_wait3A_139 = arith.constant 0 : i32
    %dma_wait3A_140 = tpu.memref_slice %arg4[%select_n3A, %dma_wait3A_138, %add3A_57, %dma_wait3A_139] : memref<16x1x256x256xf32, #tpu.memory_space<hbm>> -> memref<1x1x16x256xf32, #tpu.memory_space<hbm>>
    %dma_wait3A_141 = tpu.memref_squeeze %dma_wait3A_140 : memref<1x1x16x256xf32, #tpu.memory_space<hbm>> -> memref<16x256xf32, #tpu.memory_space<hbm>>
    %dma_wait3A_142 = arith.constant 0 : i32
    %dma_wait3A_143 = tpu.memref_slice %arg4[%select_n3A, %dma_wait3A_138, %add3A_57, %dma_wait3A_142] : memref<16x1x256x256xf32, #tpu.memory_space<hbm>> -> memref<1x1x16x256xf32, #tpu.memory_space<hbm>>
    %dma_wait3A_144 = tpu.memref_squeeze %dma_wait3A_143 : memref<1x1x16x256xf32, #tpu.memory_space<hbm>> -> memref<16x256xf32, #tpu.memory_space<hbm>>
    tpu.wait_dma2 semaphore(%arg15 : memref<!tpu.dma_semaphore, #tpu.memory_space<semaphore_mem>>) src(%arg5 : memref<16x256xf32, #tpu.memory_space<vmem>>) dst(%dma_wait3A_144 : memref<16x256xf32, #tpu.memory_space<hbm>>)
    %dma_wait3A_145 = arith.constant 0 : i32
    %dma_wait3A_146 = arith.constant 0 : i32
    %dma_wait3A_147 = tpu.memref_slice %arg4[%select_n3A, %dma_wait3A_145, %add3A_84, %dma_wait3A_146] : memref<16x1x256x256xf32, #tpu.memory_space<hbm>> -> memref<1x1x48x256xf32, #tpu.memory_space<hbm>>
    %dma_wait3A_148 = tpu.memref_squeeze %dma_wait3A_147 : memref<1x1x48x256xf32, #tpu.memory_space<hbm>> -> memref<48x256xf32, #tpu.memory_space<hbm>>
    %dma_wait3A_149 = arith.constant 0 : i32
    %dma_wait3A_150 = tpu.memref_slice %arg4[%select_n3A, %dma_wait3A_145, %add3A_84, %dma_wait3A_149] : memref<16x1x256x256xf32, #tpu.memory_space<hbm>> -> memref<1x1x48x256xf32, #tpu.memory_space<hbm>>
    %dma_wait3A_151 = tpu.memref_squeeze %dma_wait3A_150 : memref<1x1x48x256xf32, #tpu.memory_space<hbm>> -> memref<48x256xf32, #tpu.memory_space<hbm>>
    tpu.wait_dma2 semaphore(%arg16 : memref<!tpu.dma_semaphore, #tpu.memory_space<semaphore_mem>>) src(%arg6 : memref<48x256xf32, #tpu.memory_space<vmem>>) dst(%dma_wait3A_151 : memref<48x256xf32, #tpu.memory_space<hbm>>)
    %dma_wait3A_152 = arith.constant 0 : i32
    %dma_wait3A_153 = arith.constant 0 : i32
    %dma_wait3A_154 = tpu.memref_slice %arg4[%select_n3A, %dma_wait3A_152, %add3A_111, %dma_wait3A_153] : memref<16x1x256x256xf32, #tpu.memory_space<hbm>> -> memref<1x1x48x256xf32, #tpu.memory_space<hbm>>
    %dma_wait3A_155 = tpu.memref_squeeze %dma_wait3A_154 : memref<1x1x48x256xf32, #tpu.memory_space<hbm>> -> memref<48x256xf32, #tpu.memory_space<hbm>>
    %dma_wait3A_156 = arith.constant 0 : i32
    %dma_wait3A_157 = tpu.memref_slice %arg4[%select_n3A, %dma_wait3A_152, %add3A_111, %dma_wait3A_156] : memref<16x1x256x256xf32, #tpu.memory_space<hbm>> -> memref<1x1x48x256xf32, #tpu.memory_space<hbm>>
    %dma_wait3A_158 = tpu.memref_squeeze %dma_wait3A_157 : memref<1x1x48x256xf32, #tpu.memory_space<hbm>> -> memref<48x256xf32, #tpu.memory_space<hbm>>
    tpu.wait_dma2 semaphore(%arg17 : memref<!tpu.dma_semaphore, #tpu.memory_space<semaphore_mem>>) src(%arg7 : memref<48x256xf32, #tpu.memory_space<vmem>>) dst(%dma_wait3A_158 : memref<48x256xf32, #tpu.memory_space<hbm>>)
    %dma_wait3A_159 = arith.constant 0 : i32
    %dma_wait3A_160 = arith.constant 0 : i32
    %dma_wait3A_161 = tpu.memref_slice %arg4[%select_n3A, %dma_wait3A_159, %add3A_130, %dma_wait3A_160] : memref<16x1x256x256xf32, #tpu.memory_space<hbm>> -> memref<1x1x16x256xf32, #tpu.memory_space<hbm>>
    %dma_wait3A_162 = tpu.memref_squeeze %dma_wait3A_161 : memref<1x1x16x256xf32, #tpu.memory_space<hbm>> -> memref<16x256xf32, #tpu.memory_space<hbm>>
    %dma_wait3A_163 = arith.constant 0 : i32
    %dma_wait3A_164 = tpu.memref_slice %arg4[%select_n3A, %dma_wait3A_159, %add3A_130, %dma_wait3A_163] : memref<16x1x256x256xf32, #tpu.memory_space<hbm>> -> memref<1x1x16x256xf32, #tpu.memory_space<hbm>>
    %dma_wait3A_165 = tpu.memref_squeeze %dma_wait3A_164 : memref<1x1x16x256xf32, #tpu.memory_space<hbm>> -> memref<16x256xf32, #tpu.memory_space<hbm>>
    tpu.wait_dma2 semaphore(%arg18 : memref<!tpu.dma_semaphore, #tpu.memory_space<semaphore_mem>>) src(%arg8 : memref<16x256xf32, #tpu.memory_space<vmem>>) dst(%dma_wait3A_165 : memref<16x256xf32, #tpu.memory_space<hbm>>)
    return
  }
}

</mosaic_0001>

<sc_bundles>
// kernel: kernel.3.cloned.1.call-start
scs
__scs_entry_jumppad:
0x0: {  	(pc) =	sbr.rel $0x88, $3  }
0x1: {  	(tag) =	ssettag $0x0;
	lr =	simm.s32 $0x1  }
0x2: {  	[smem:$0x3F9F] =	sst lr;
	_ =	strace $0xD0000000  }
0x3: {  	_ = 	snop  }
0x4: {  	_ = 	snop  }
0x5: {  	_ = 	snop  }
0x6: {  	_ = 	snop  }
0x7: {  	_ = 	snop  }
__scs_overlays_trampoline_lowered:
0x8: {  	[smem:$0x3FAE] =	sst s0  }
0x9: {  	[smem:$0x3FAF] =	sst s1  }
0xa: {  	[smem:$0x3FB0] =	sst s2  }
0xb: {  	[smem:$0x3FB1] =	sst s3  }
0xc: {  	[smem:$0x3FB2] =	sst s4  }
0xd: {  	[smem:$0x3FB3] =	sst s5  }
0xe: {  	[smem:$0x3FB4] =	sst s6  }
0xf: {  	[smem:$0x3FB5] =	sst s7  }
0x10: {  	[smem:$0x3FB6] =	sst s8  }
0x11: {  	[smem:$0x3FB7] =	sst s9;
	s0 =	simm.s32 @!p0 $0x0  }
0x12: {  	s1 =	sld [smem:$0x3F9D];
	s0 =	simm.s32 @p0 $0x1  }
0x13: {  	[smem:$0x3FB8] =	sst s0;
	s0 =	simm.s32 @!p1 $0x0  }
0x14: {  	s2 =	sld [smem:$0x3F9C];
	s0 =	simm.s32 @p1 $0x1  }
0x15: {  	[smem:$0x3FB9] =	sst s0;
	s0 =	simm.s32 @!p2 $0x0  }
0x16: {  	s3 =	sld [smem:$0x3FDB];
	s0 =	simm.s32 @p2 $0x1  }
0x17: {  	s4 =	simm.s32 $0x1BF5;
	[smem:$0x3FBB] =	sst s0  }
0x18: {  	s0 =	sld [smem:$0x3F9E];
	_ =	swait.ge [sflag:s4], $0x0  }
0x19: {  	s7 =	sld [smem:$0x3F9F]  }
0x1a: {  	s8 =	sadd.s32 $0xFFFFE003, lr  }
0x1b: {  	s9 =	sadd.s32 $0xFFFFFEF7, lr;
	s5 =	simm.s32 $0xFFFFFFFF;
	p2 =	slt.u32 s8, $0xFFFFF086  }
0x1c: {  	p1 =	slt.u32 s9, $0xF7A;
	s5 =	simm.s32 @!p2 $0x0  }
0x1d: {  	s5 =	simm.s32 @p1 $0x1;
	p0 =	seq.s32 s7, s2  }
0x1e: {  	s7 =	smul.u32 @!p0 $0xF7A, s2;
	p2 =	seq.s32 @!p0 s5, $0x0  }
0x1f: {  	s9 =	smul.u32 $0xF7A, s1;
	s8 =	simm.s32 @!p0 $0x1BF5;
	p2 =	por !p2, p0  }
0x20: {  	[sflag:s8] =	ssyncset.s32 @!p0 $0xFFFFF086;
	s6 =	sadd.s32 @!p0 s3, s7;
	s7 =	simm.s32 @!p0 $0x108  }
0x21: {  	s3 =	sadd.s32 s3, s9;
	s6 =	sadd.s32 @!p0 $0x88, s6;
	s7 =	simm.s32 @p2 $0x1082  }
0x22: {  	[simem:s7], [sflag:s8] =	dma.local @!p0 [hbm:s6], $0xF7A  }
0x23: {  	s9 =	sor.u32 $0xD0000000, s2;
	s6 =	simm.s32 $0x108;
	_ =	swait.ge @!p0 [sflag:s8], $0x0  }
0x24: {  	s3 =	sadd.s32 $0x88, s3;
	s6 =	simm.s32 @!p1 $0x1082;
	[sflag:s4] =	ssyncset.s32 $0xFFFFF086  }
0x25: {  	[simem:s6], [sflag:s4] =	dma.local [hbm:s3], $0xF7A  }
0x26: {  	[smem:$0x3F9F] =	sst s1;
	(tag) =	ssettag s2;
	_ =	strace s9  }
0x27: {  	s1 =	sld [smem:$0x3FAF]  }
0x28: {  	s2 =	sld [smem:$0x3FB0]  }
0x29: {  	s4 =	sld [smem:$0x3FB2]  }
0x2a: {  	p0 =	seq.s32 s5, $0x0;
	s5 =	sld [smem:$0x3FB3]  }
0x2b: {  	s6 =	sld [smem:$0x3FB4]  }
0x2c: {  	s7 =	sld [smem:$0x3FB5]  }
0x2d: {  	s3 =	simm.s32 $0x108;
	s8 =	sld [smem:$0x3FB6]  }
0x2e: {  	s3 =	simm.s32 @!p0 $0x1082;
	s9 =	sld [smem:$0x3FB7]  }
0x2f: {  	lr =	sadd.s32 s0, s3;
	s0 =	sld [smem:$0x3FAE]  }
0x30: {  	s3 =	sld [smem:$0x3FB1]  }
0x31: {  	[smem:$0x3FBA] =	sst s10  }
0x32: {  	s10 =	sld [smem:$0x3FB8];
	_ =	sdelay $0x3  }
0x33: {  	p0 =	seq.s32 s10, $0x1;
	s10 =	sld [smem:$0x3FBA];
	_ =	sdelay $0x3  }
0x34: {  	[smem:$0x3FBA] =	sst s10  }
0x35: {  	s10 =	sld [smem:$0x3FB9];
	_ =	sdelay $0x3  }
0x36: {  	p1 =	seq.s32 s10, $0x1;
	s10 =	sld [smem:$0x3FBA];
	_ =	sdelay $0x3  }
0x37: {  	[smem:$0x3FBA] =	sst s10  }
0x38: {  	s10 =	sld [smem:$0x3FBB]  }
0x39: {  	_ = 	snop;
	(pc) =	sbr.ind lr, $3  }
0x3a: {  	_ = 	snop  }
0x3b: {  	_ = 	snop  }
0x3c: {  	p2 =	seq.s32 s10, $0x1;
	s10 =	sld [smem:$0x3FBA]  }
0x3d: {  	_ =	shalt  }
0x3e: {  	_ =	shalt  }
0x3f: {  	_ =	shalt  }
0x40: {  	_ =	shalt  }
0x41: {  	_ =	shalt  }
0x42: {  	_ =	shalt  }
0x43: {  	_ =	shalt  }
0x44: {  	_ =	shalt  }
0x45: {  	_ =	shalt  }
0x46: {  	_ =	shalt  }
0x47: {  	_ =	shalt  }
0x48: {  	_ =	shalt  }
0x49: {  	_ =	shalt  }
0x4a: {  	_ =	shalt  }
0x4b: {  	_ =	shalt  }
0x4c: {  	_ =	shalt  }
0x4d: {  	_ =	shalt  }
0x4e: {  	_ =	shalt  }
0x4f: {  	_ =	shalt  }
0x50: {  	_ =	shalt  }
0x51: {  	_ =	shalt  }
0x52: {  	_ =	shalt  }
0x53: {  	_ =	shalt  }
0x54: {  	_ =	shalt  }
0x55: {  	_ =	shalt  }
0x56: {  	_ =	shalt  }
0x57: {  	_ =	shalt  }
0x58: {  	_ =	shalt  }
0x59: {  	_ =	shalt  }
0x5a: {  	_ =	shalt  }
0x5b: {  	_ =	shalt  }
0x5c: {  	_ =	shalt  }
0x5d: {  	_ =	shalt  }
0x5e: {  	_ =	shalt  }
0x5f: {  	_ =	shalt  }
0x60: {  	_ =	shalt  }
0x61: {  	_ =	shalt  }
0x62: {  	_ =	shalt  }
0x63: {  	_ =	shalt  }
0x64: {  	_ =	shalt  }
0x65: {  	_ =	shalt  }
0x66: {  	_ =	shalt  }
0x67: {  	_ =	shalt  }
0x68: {  	_ =	shalt  }
0x69: {  	_ =	shalt  }
0x6a: {  	_ =	shalt  }
0x6b: {  	_ =	shalt  }
0x6c: {  	_ =	shalt  }
0x6d: {  	_ =	shalt  }
0x6e: {  	_ =	shalt  }
0x6f: {  	_ =	shalt  }
0x70: {  	_ =	shalt  }
0x71: {  	_ =	shalt  }
0x72: {  	_ =	shalt  }
0x73: {  	_ =	shalt  }
0x74: {  	_ =	shalt  }
0x75: {  	_ =	shalt  }
0x76: {  	_ =	shalt  }
0x77: {  	_ =	shalt  }
0x78: {  	_ =	shalt  }
0x79: {  	_ =	shalt  }
0x7a: {  	_ =	shalt  }
0x7b: {  	_ =	shalt  }
0x7c: {  	_ =	shalt  }
0x7d: {  	_ =	shalt  }
0x7e: {  	_ =	shalt  }
0x7f: {  	_ =	shalt  }
0x80: {  	_ =	shalt  }
0x81: {  	_ =	shalt  }
0x82: {  	_ =	shalt  }
0x83: {  	_ =	shalt  }
0x84: {  	_ =	shalt  }
0x85: {  	_ =	shalt  }
0x86: {  	_ =	shalt  }
0x87: {  	_ =	shalt  }
.Lfunc_end0:
.L_simem_size_0:
called_computation_lowered:
.L_overlay_start_0:
0x88: {  	s2 =	sld [smem:$0x3FD9]  }
0x89: {  	s3 =	sld [smem:$0x3FFE];
	_ =	sdelay $0x1  }
0x8a: {  	s1 =	srdreg.scid  }
0x8b: {  	s0 =	sand.u32 $0x1, s1  }
0x8c: {  	s18 =	sshll.u32 s0, $0xA;
	s2 =	sadd.s32 s3, s2  }
0x8d: {  	s2 =	sadd.s32 s2, s18  }
0x8e: {  	[smem:$0x3FC6] =	sst s2  }
0x8f: {  	_ = 	snop  }
0x90: {  	s2 =	sld [smem:$0x3FC9]  }
0x91: {  	s19 =	sld [smem:$0x3FC8]  }
0x92: {  	s4 =	sld [smem:$0x3FD0];
	(tm) =	ssettm $0x1  }
0x93: {  	s5 =	sld [smem:$0x3FFB];
	_ =	sdelay $0x3  }
0x94: {  	_ =	strace s5  }
0x95: {  	s5 =	sld [smem:$0x3FFC];
	_ =	sdelay $0x3  }
0x96: {  	_ =	strace s5  }
0x97: {  	s5 =	sld [smem:$0x3FFD];
	_ =	sdelay $0x3  }
0x98: {  	_ =	strace s5  }
0x99: {  	_ =	strace $0x8FFFFFFF  }
0x9a: {  	s20 =	sld [smem:$0x3FDB];
	_ =	sdelay $0x1  }
0x9b: {  	s6 =	simm.s32 $_scs_section_size  }
0x9c: {  	s7 =	simm.s32 $_size__tile_overlayer_lowered;
	s8 =	simm.s32 $_tile_overlayer_lowered  }
0x9d: {  	s23 =	simm.s32 $0x1BFF;
	s22 =	sshll.u32 s8, $0x1;
	s5 =	sadd.s32 s6, s20  }
0x9e: {  	s9 =	simm.s32 $0x0;
	s21 =	sshll.u32 s7, $0x1;
	s7 =	sadd.s32 s22, s5  }
0x9f: {  	[timem:s9], [sflag:s23] =	dma.local [hbm:s7], s21  }
0xa0: {  	_ =	swait.ge [sflag:s23], s21  }
0xa1: {  	s6 =	ssub.s32 $0x0, s21;
	[sflag:s23] =	ssyncset.done $0x0  }
0xa2: {  	[sflag:s23] =	ssyncadd.s32 s6;
	_ =	sdelay $0x1  }
0xa3: {  	s24 =	simm.s32 $0x1B8B  }
0xa4: {  	_ =	swait.ge [sflag:s24], $0x1  }
0xa5: {  	[sflag:s24] =	ssyncset.done $0x0  }
0xa6: {  	s25 =	simm.s32 $0x1B8E;
	[sflag:s24] =	ssyncadd.s32 $0xFFFFFFFF  }
0xa7: {  	s26 =	simm.s32 $execute0_lowered;
	[smem:$0x3FD2] =	sst s25  }
0xa8: {  	s6 =	sshll.u32 s26, $0x1;
	_ =	strace $0x80000046;
	[dreg:$0x1] =	wrdreg $0xFFFFFFFF  }
0xa9: {  	s28 =	simm.s32 $_size_execute0_lowered;
	s5 =	sadd.s32 s5, s6;
	[dreg:$0x0] =	wrdreg $0x0  }
0xaa: {  	s6 =	sshll.u32 s28, $0x1;
	[dreg:$0x2] =	wrdreg s5  }
0xab: {  	[dreg:$0x3] =	wrdreg s6  }
0xac: {  	[dreg:$0x4] =	wrdreg $0xC0  }
0xad: {  	_ =	task [dreg:s9], $0x5FFFF  }
0xae: {  	[dreg:$0x1] =	wrdreg $0xFFFFFFFF  }
0xaf: {  	[dreg:$0x0] =	wrdreg $0x60  }
0xb0: {  	[dreg:$0x2] =	wrdreg s2  }
0xb1: {  	[dreg:$0x3] =	wrdreg s19  }
0xb2: {  	[dreg:$0x4] =	wrdreg s4  }
0xb3: {  	[dreg:$0x5] =	wrdreg $0x9  }
0xb4: {  	_ =	task.clear_ibuf [dreg:s9], $0x6FFFF;
	_ =	strace $0x90000046  }
0xb5: {  	s29 =	simm.s32 $0x9;
	_ =	strace $0x80000048  }
0xb6: {  	_ =	swait.ge [sflag:s29], $0x1  }
0xb7: {  	[sflag:s29] =	ssyncadd.s32 $0xFFFFFFFF  }
0xb8: {  	_ =	strace $0x90000048  }
0xb9: {  	_ =	sfence  }
0xba: {  	s30 =	sld [smem:$0x0];
	_ =	sdelay $0x2  }
0xbb: {  	s31 =	sshll.u32 s1, $0xD;
	s1 =	sshrl.u32 s1, $0x2  }
0xbc: {  	s3 =	sand.u32 $0x4000, s31;
	s1 =	sadd.s32 s1, s30  }
0xbd: {  	s0 =	sor.u32 s3, s0;
	s1 =	sshll.u32 s1, $0x11  }
0xbe: {  	s0 =	sor.u32 s1, s0  }
0xbf: {  	s0 =	sadd.s32 $0x8F2B, s0  }
0xc0: {  	[sflag:s0] =	ssyncadd.remote.s32 $0x1  }
0xc1: {  	_ =	sfence.sel $0xFFFF  }
0xc2: {  	[dreg:$0x0] =	wrdreg $0xFFFFFFFF;
	(pc) =	sbr.abs _section_cstart, $3  }
0xc3: {  	[dreg:$0x1] =	wrdreg $0xFFFFFFFF  }
0xc4: {  	_ =	task.clear_ibuf [dreg:s9], $0x2FFFF;
	_ =	strace $0x9FFFFFFF  }
0xc5: {  	(tm) =	ssettm $0x7FFFFFFF  }
tec
execute0_lowered:
.L_overlay_start_1:
0x0: {  	(tag) =	ssettag $0x1  }
0x1: {  	s0 =	srdreg.scid  }
0x2: {  	s4 =	stileid.u32;
	s29 =	rddreg [dreg:$0x0]  }
0x3: {  	s2 =	simm.s32 $0x1;
	s12 =	rddreg [dreg:$0x2];
	s3 =	simm.s32 $0x0  }
0x4: {  	s14 =	simm.s32 $0x8000;
	s16 =	simm.s32 $0x2;
	s0 =	sand.u32 $0x1, s0  }
0x5: {  	s17 =	simm.s32 $0x4000;
	s18 =	simm.s32 $0x3;
	s1 =	sor.u32 s0, s4  }
0x6: {  	[smem:$0x7FF] =	sst s3;
	p1 =	seq.s32 s0, $0x1;
	p0 =	seq.s32 s1, $0x0  }
0x7: {  	v0 =	vimm.f32 $5.000000000e+00;
	s19 =	simm.s32 $0x7000;
	_ =	strace $0x80000047;
	p0 =	por !p0, !p1  }
0x8: {  	s20 =	simm.s32 $0x4;
	s21 =	simm.s32 $0x5;
	(erf) = vrcp.f32 v0;
	p0 =	por !p0, !p0  }
0x9: {  	s22 =	simm.s32 $0x6;
	s23 =	simm.s32 $0x7;
	s2 =	simm.s32 @!p0 $0x0  }
0xa: {  	s30 =	sshll.u32 s0, $0xF;
	s0 =	ssub.s32 $0x2, s0;
	s2 =	ssub.s32 s4, s2  }
0xb: {  	s24 =	simm.s32 $0x8;
	s31 =	sshrl.u32 s0, $0x1;
	s2 =	sshll.u32 s2, $0x10  }
0xc: {  	s25 =	simm.s32 $0x9;
	s0 =	ssub.s32 s0, s31;
	s2 =	sor.u32 s30, s2  }
0xd: {  	s26 =	simm.s32 $0x0;
	s13 =	smax.u32 s0, $0x1;
	s2 =	sshrl.u32 s2, $0x3  }
0xe: {  	s4 =	simm.s32 $0x1;
	s9 =	sor.u32 $0x200, s2;
	s5 =	sadd.s32 s29, s2  }
0xf: {  	s11 =	sor.u32 $0x800, s2;
	s7 =	sadd.s32 s12, s2;
	s2 =	sor.u32 $0xE00, s2  }
0x10: {  	s6 =	sadd.s32 s29, s9;
	s8 =	sadd.s32 s29, s11;
	s9 =	sadd.s32 s12, s9  }
0x11: {  	s10 =	sadd.s32 s29, s2;
	s11 =	sadd.s32 s12, s11;
	s12 =	sadd.s32 s12, s2;
	v0 =	vpop (erf)  }
.LBB2_1:
0x12: {  	s0 =	rddreg [dreg:$0x1]  }
0x13: {  	[tilespmem:s14], [sflag:$0x1] =	stream.linear.gather [hbm4b:s0+s3], $0x80, $0x38;
	[tilespmem:$0x8080] =	vst v63  }
0x14: {  	_ = 	snop  }
0x15: {  	[tilespmem:s3], [sflag:$0x2] =	stream.linear.gather [hbm4b:s5+s3], $0x1000, $0x38;
	[tilespmem:$0x8080] =	vst v63  }
0x16: {  	s2 =	simm.s32 $0x1000  }
0x17: {  	[tilespmem:s2], [sflag:$0x3] =	stream.linear.gather [hbm4b:s6+s3], $0x3000, $0x38;
	[tilespmem:$0x8080] =	vst v63  }
0x18: {  	_ =	swait.ge [sflag:s4], $0x80  }
0x19: {  	[sflag:s4] =	ssyncset.done $0x0  }
0x1a: {  	[sflag:s4] =	ssyncadd.s32 $0xFFFFFF80  }
0x1b: {  	_ =	swait.ge [sflag:s16], $0x1000  }
0x1c: {  	s15 =	sand.u32 $0x800, s3;
	s1 =	sand.u32 $0x380, s3;
	[sflag:s16] =	ssyncset.done $0x0  }
0x1d: {  	s28 =	sor.u32 s1, s15;
	[sflag:s16] =	ssyncadd.s32 $0xFFFFF000  }
0x1e: {  	v1 =	vld [tilespmem:s28+$0x0];
	_ =	sdelay $0x4  }
0x1f: {  	v1 =	vmul.f32 v1, v0  }
0x20: {  	v2 =	vld [tilespmem:s28+$0x10]  }
0x21: {  	v1 =	vtrunc.f32 v1  }
0x22: {  	v1 =	vcvt.f32.s32 v1;
	_ =	sdelay $0x1  }
0x23: {  	vm0 =	vlt.s32 v1, $0x14  }
0x24: {  	v2 =	vmul.f32 v2, v0;
	v1 =	vnsel vm0, $0x14, v1  }
0x25: {  	v3 =	vld [tilespmem:s28+$0x20]  }
0x26: {  	v2 =	vtrunc.f32 v2  }
0x27: {  	v2 =	vcvt.f32.s32 v2;
	_ =	sdelay $0x1  }
0x28: {  	vm0 =	vlt.s32 v2, $0x14;
	v1 =	vld.idx.msk [tilespmem:v1+s14+$0x0], $0xffff  }
0x29: {  	v3 =	vmul.f32 v3, v0;
	v2 =	vnsel vm0, $0x14, v2  }
0x2a: {  	v4 =	vld [tilespmem:s28+$0x30]  }
0x2b: {  	v3 =	vtrunc.f32 v3  }
0x2c: {  	v3 =	vcvt.f32.s32 v3  }
0x2d: {  	[tilespmem:s28+$0x0] =	vst v1  }
0x2e: {  	vm0 =	vlt.s32 v3, $0x14;
	v1 =	vld.idx.msk [tilespmem:v2+s14+$0x0], $0xffff  }
0x2f: {  	s15 =	simm.s32 $0x80;
	s2 =	simm.s32 $0x100;
	v2 =	vnsel vm0, $0x14, v3;
	v3 =	vmul.f32 v4, v0  }
0x30: {  	s1 =	sand.u32 $0x380, s15;
	s0 =	sand.u32 $0x800, s2;
	v4 =	vld [tilespmem:s28+$0x40]  }
0x31: {  	s29 =	sor.u32 s1, s0;
	v3 =	vtrunc.f32 v3  }
0x32: {  	v5 =	vld [tilespmem:s29+$0x0];
	v3 =	vcvt.f32.s32 v3  }
0x33: {  	[tilespmem:s28+$0x10] =	vst v1  }
0x34: {  	vm0 =	vlt.s32 v3, $0x14;
	v1 =	vld.idx.msk [tilespmem:v2+s14+$0x0], $0xffff  }
0x35: {  	v2 =	vnsel vm0, $0x14, v3;
	v3 =	vmul.f32 v4, v0  }
0x36: {  	v4 =	vld [tilespmem:s28+$0x50]  }
0x37: {  	v5 =	vmul.f32 v5, v0;
	v3 =	vtrunc.f32 v3  }
0x38: {  	v6 =	vld [tilespmem:s29+$0x10];
	v3 =	vcvt.f32.s32 v3  }
0x39: {  	v5 =	vtrunc.f32 v5;
	[tilespmem:s28+$0x20] =	vst v1  }
0x3a: {  	v1 =	vcvt.f32.s32 v5;
	vm0 =	vlt.s32 v3, $0x14;
	v2 =	vld.idx.msk [tilespmem:v2+s14+$0x0], $0xffff  }
0x3b: {  	v4 =	vmul.f32 v4, v0;
	v3 =	vnsel vm0, $0x14, v3  }
0x3c: {  	v5 =	vld [tilespmem:s28+$0x60];
	vm0 =	vlt.s32 v1, $0x14  }
0x3d: {  	v6 =	vmul.f32 v6, v0;
	v4 =	vtrunc.f32 v4;
	v1 =	vnsel vm0, $0x14, v1  }
0x3e: {  	v7 =	vld [tilespmem:s29+$0x20];
	v4 =	vcvt.f32.s32 v4  }
0x3f: {  	v6 =	vtrunc.f32 v6;
	[tilespmem:s28+$0x30] =	vst v2  }
0x40: {  	vm0 =	vlt.s32 v4, $0x14;
	v2 =	vcvt.f32.s32 v6;
	v3 =	vld.idx.msk [tilespmem:v3+s14+$0x0], $0xffff  }
0x41: {  	v5 =	vmul.f32 v5, v0;
	v4 =	vnsel vm0, $0x14, v4;
	v6 =	vld [tilespmem:s28+$0x70]  }
0x42: {  	v1 =	vld.idx.msk [tilespmem:v1+s14+$0x0], $0xffff;
	vm0 =	vlt.s32 v2, $0x14  }
0x43: {  	v7 =	vmul.f32 v7, v0;
	v5 =	vtrunc.f32 v5;
	v2 =	vnsel vm0, $0x14, v2  }
0x44: {  	v5 =	vcvt.f32.s32 v5  }
0x45: {  	[tilespmem:s28+$0x40] =	vst v3;
	v3 =	vtrunc.f32 v7;
	v7 =	vld [tilespmem:s29+$0x30]  }
0x46: {  	vm0 =	vlt.s32 v5, $0x14;
	v4 =	vld.idx.msk [tilespmem:v4+s14+$0x0], $0xffff  }
0x47: {  	[tilespmem:s29+$0x0] =	vst v1;
	v1 =	vcvt.f32.s32 v3;
	v3 =	vnsel vm0, $0x14, v5;
	v5 =	vmul.f32 v6, v0;
	v6 =	vld [tilespmem:s28+$0x400]  }
0x48: {  	v2 =	vld.idx.msk [tilespmem:v2+s14+$0x0], $0xffff  }
0x49: {  	vm0 =	vlt.s32 v1, $0x14;
	v5 =	vtrunc.f32 v5  }
0x4a: {  	v1 =	vnsel vm0, $0x14, v1;
	v5 =	vcvt.f32.s32 v5;
	v7 =	vmul.f32 v7, v0  }
0x4b: {  	s15 =	simm.s32 $0x100;
	s2 =	simm.s32 $0x200;
	[tilespmem:s28+$0x50] =	vst v4;
	v4 =	vld [tilespmem:s29+$0x40]  }
0x4c: {  	s0 =	sand.u32 $0x800, s2;
	s1 =	sand.u32 $0x380, s15;
	vm0 =	vlt.s32 v5, $0x14;
	v3 =	vld.idx.msk [tilespmem:v3+s14+$0x0], $0xffff;
	v7 =	vtrunc.f32 v7  }
0x4d: {  	s30 =	sor.u32 s1, s0;
	v8 =	vld [tilespmem:s28+$0x410];
	v6 =	vmul.f32 v6, v0;
	v5 =	vnsel vm0, $0x14, v5;
	[tilespmem:s29+$0x10] =	vst v2;
	v2 =	vcvt.f32.s32 v7  }
0x4e: {  	v7 =	vld [tilespmem:s30+$0x0]  }
0x4f: {  	v6 =	vtrunc.f32 v6;
	v1 =	vld.idx.msk [tilespmem:v1+s14+$0x0], $0xffff;
	vm0 =	vlt.s32 v2, $0x14  }
0x50: {  	v9 =	vld [tilespmem:s29+$0x50];
	v6 =	vcvt.f32.s32 v6;
	v2 =	vnsel vm0, $0x14, v2;
	v4 =	vmul.f32 v4, v0  }
0x51: {  	[tilespmem:s28+$0x60] =	vst v3  }
0x52: {  	vm0 =	vlt.s32 v6, $0x14;
	v3 =	vld.idx.msk [tilespmem:v5+s14+$0x0], $0xffff;
	v4 =	vtrunc.f32 v4  }
0x53: {  	v5 =	vnsel vm0, $0x14, v6;
	v6 =	vmul.f32 v8, v0;
	v8 =	vld [tilespmem:s28+$0x420];
	v4 =	vcvt.f32.s32 v4  }
0x54: {  	[tilespmem:s29+$0x20] =	vst v1;
	v1 =	vmul.f32 v7, v0;
	v7 =	vld [tilespmem:s30+$0x10]  }
0x55: {  	v9 =	vmul.f32 v9, v0;
	v6 =	vtrunc.f32 v6;
	v2 =	vld.idx.msk [tilespmem:v2+s14+$0x0], $0xffff;
	vm0 =	vlt.s32 v4, $0x14  }
0x56: {  	v1 =	vtrunc.f32 v1;
	v6 =	vcvt.f32.s32 v6;
	v4 =	vnsel vm0, $0x14, v4  }
0x57: {  	v10 =	vld [tilespmem:s29+$0x60];
	v1 =	vcvt.f32.s32 v1;
	[tilespmem:s28+$0x70] =	vst v3  }
0x58: {  	vm0 =	vlt.s32 v6, $0x14;
	v3 =	vld.idx.msk [tilespmem:v5+s14+$0x0], $0xffff;
	v5 =	vtrunc.f32 v9  }
0x59: {  	vm1 =	vlt.s32 v1, $0x14;
	v6 =	vnsel vm0, $0x14, v6;
	v7 =	vmul.f32 v7, v0  }
0x5a: {  	v1 =	vnsel vm1, $0x14, v1;
	[tilespmem:s29+$0x30] =	vst v2;
	v2 =	vcvt.f32.s32 v5;
	v5 =	vmul.f32 v8, v0;
	v8 =	vld [tilespmem:s28+$0x430]  }
0x5b: {  	v7 =	vtrunc.f32 v7;
	v4 =	vld.idx.msk [tilespmem:v4+s14+$0x0], $0xffff  }
0x5c: {  	v12 =	vld [tilespmem:s30+$0x20];
	v7 =	vcvt.f32.s32 v7;
	vm0 =	vlt.s32 v2, $0x14;
	v5 =	vtrunc.f32 v5  }
0x5d: {  	v2 =	vnsel vm0, $0x14, v2;
	[tilespmem:s28+$0x400] =	vst v3;
	v3 =	vcvt.f32.s32 v5;
	v5 =	vmul.f32 v10, v0;
	v10 =	vld [tilespmem:s29+$0x70]  }
0x5e: {  	v6 =	vld.idx.msk [tilespmem:v6+s14+$0x0], $0xffff  }
0x5f: {  	vm1 =	vlt.s32 v7, $0x14;
	v1 =	vld.idx.msk [tilespmem:v1+s14+$0x0], $0xffff;
	vm0 =	vlt.s32 v3, $0x14;
	v5 =	vtrunc.f32 v5  }
0x60: {  	v11 =	vld [tilespmem:s28+$0x450];
	v3 =	vnsel vm0, $0x14, v3;
	[tilespmem:s29+$0x40] =	vst v4;
	v4 =	vcvt.f32.s32 v5;
	v5 =	vmul.f32 v8, v0  }
0x61: {  	v7 =	vnsel vm1, $0x14, v7;
	v8 =	vmul.f32 v12, v0;
	v12 =	vld [tilespmem:s28+$0x440]  }
0x62: {  	v2 =	vld.idx.msk [tilespmem:v2+s14+$0x0], $0xffff;
	v5 =	vtrunc.f32 v5  }
0x63: {  	v13 =	vld [tilespmem:s30+$0x30];
	vm0 =	vlt.s32 v4, $0x14;
	v8 =	vtrunc.f32 v8;
	[tilespmem:s28+$0x410] =	vst v6;
	v5 =	vcvt.f32.s32 v5  }
0x64: {  	v4 =	vnsel vm0, $0x14, v4;
	[tilespmem:s30+$0x0] =	vst v1;
	v1 =	vcvt.f32.s32 v8;
	v6 =	vmul.f32 v10, v0;
	v8 =	vld [tilespmem:s29+$0x400]  }
0x65: {  	v3 =	vld.idx.msk [tilespmem:v3+s14+$0x0], $0xffff  }
0x66: {  	v7 =	vld.idx.msk [tilespmem:v7+s14+$0x0], $0xffff;
	vm0 =	vlt.s32 v5, $0x14;
	vm1 =	vlt.s32 v1, $0x14;
	v6 =	vtrunc.f32 v6  }
0x67: {  	v14 =	vld [tilespmem:s29+$0x420];
	v5 =	vnsel vm0, $0x14, v5;
	[tilespmem:s29+$0x50] =	vst v2;
	v2 =	vcvt.f32.s32 v6;
	v6 =	vmul.f32 v12, v0  }
0x68: {  	v9 =	vld [tilespmem:s28+$0x460];
	v10 =	vmul.f32 v13, v0;
	v1 =	vnsel vm1, $0x14, v1  }
0x69: {  	v4 =	vld.idx.msk [tilespmem:v4+s14+$0x0], $0xffff;
	v6 =	vtrunc.f32 v6  }
0x6a: {  	v13 =	vld [tilespmem:s30+$0x40];
	v10 =	vtrunc.f32 v10;
	[tilespmem:s28+$0x420] =	vst v3;
	v3 =	vcvt.f32.s32 v6  }
0x6b: {  	v12 =	vld [tilespmem:s29+$0x410];
	vm0 =	vlt.s32 v2, $0x14;
	[tilespmem:s30+$0x10] =	vst v7;
	v7 =	vmul.f32 v8, v0;
	v6 =	vcvt.f32.s32 v10  }
0x6c: {  	s2 =	simm.s32 $0x180;
	s1 =	simm.s32 $0x300;
	v2 =	vnsel vm0, $0x14, v2;
	v5 =	vld.idx.msk [tilespmem:v5+s14+$0x0], $0xffff;
	vm0 =	vlt.s32 v3, $0x14  }
0x6d: {  	s0 =	sand.u32 $0x800, s1;
	s1 =	sand.u32 $0x380, s2;
	v1 =	vld.idx.msk [tilespmem:v1+s14+$0x0], $0xffff;
	v7 =	vtrunc.f32 v7;
	vm1 =	vlt.s32 v6, $0x14;
	v3 =	vnsel vm0, $0x14, v3  }
0x6e: {  	s31 =	sor.u32 s1, s0;
	v8 =	vld [tilespmem:s30+$0x50];
	v6 =	vnsel vm1, $0x14, v6;
	[tilespmem:s29+$0x60] =	vst v4;
	v4 =	vcvt.f32.s32 v7;
	v7 =	vmul.f32 v11, v0  }
0x6f: {  	v10 =	vld [tilespmem:s31+$0x0];
	v11 =	vmul.f32 v13, v0  }
0x70: {  	v9 =	vmul.f32 v9, v0;
	v13 =	vld [tilespmem:s28+$0x470];
	v7 =	vtrunc.f32 v7  }
0x71: {  	v2 =	vld.idx.msk [tilespmem:v2+s14+$0x0], $0xffff;
	vm0 =	vlt.s32 v4, $0x14;
	v11 =	vtrunc.f32 v11;
	[tilespmem:s28+$0x430] =	vst v5;
	v5 =	vcvt.f32.s32 v7  }
0x72: {  	v9 =	vtrunc.f32 v9;
	v4 =	vnsel vm0, $0x14, v4;
	[tilespmem:s30+$0x20] =	vst v1;
	v1 =	vcvt.f32.s32 v11;
	v11 =	vld.idx.msk [tilespmem:v3+s14+$0x0], $0xffff  }
0x73: {  	v9 =	vcvt.f32.s32 v9;
	v7 =	vmul.f32 v12, v0;
	v6 =	vld.idx.msk [tilespmem:v6+s14+$0x0], $0xffff;
	vm0 =	vlt.s32 v5, $0x14  }
0x74: {  	v12 =	vld [tilespmem:s31+$0x10];
	v3 =	vmul.f32 v10, v0;
	vm1 =	vlt.s32 v1, $0x14;
	v5 =	vnsel vm0, $0x14, v5  }
0x75: {  	v8 =	vmul.f32 v8, v0;
	v10 =	vld [tilespmem:s30+$0x60];
	v7 =	vtrunc.f32 v7;
	v1 =	vnsel vm1, $0x14, v1  }
0x76: {  	v7 =	vcvt.f32.s32 v7;
	v3 =	vtrunc.f32 v3;
	[tilespmem:s29+$0x70] =	vst v2;
	v2 =	vld [tilespmem:s29+$0x460]  }
0x77: {  	v8 =	vtrunc.f32 v8;
	v15 =	vcvt.f32.s32 v3;
	v4 =	vld.idx.msk [tilespmem:v4+s14+$0x0], $0xffff;
	[tilespmem:s28+$0x440] =	vst v11  }
0x78: {  	vm0 =	vlt.s32 v7, $0x14;
	[tilespmem:s30+$0x30] =	vst v6;
	v6 =	vcvt.f32.s32 v8;
	v8 =	vmul.f32 v14, v0;
	v14 =	vld [tilespmem:s29+$0x430]  }
0x79: {  	v13 =	vmul.f32 v13, v0;
	v7 =	vnsel vm0, $0x14, v7;
	vm1 =	vlt.s32 v15, $0x14;
	v5 =	vld.idx.msk [tilespmem:v5+s14+$0x0], $0xffff  }
0x7a: {  	v12 =	vmul.f32 v12, v0;
	vm0 =	vlt.s32 v9, $0x14;
	v11 =	vnsel vm1, $0x14, v15;
	v1 =	vld.idx.msk [tilespmem:v1+s14+$0x0], $0xffff  }
0x7b: {  	v10 =	vmul.f32 v10, v0;
	v9 =	vnsel vm0, $0x14, v9;
	v15 =	vld [tilespmem:s31+$0x20];
	v8 =	vtrunc.f32 v8  }
0x7c: {  	v3 =	vld [tilespmem:s29+$0x450];
	v12 =	vtrunc.f32 v12;
	vm1 =	vlt.s32 v6, $0x14;
	[tilespmem:s29+$0x400] =	vst v4;
	v4 =	vcvt.f32.s32 v8  }
0x7d: {  	v6 =	vnsel vm1, $0x14, v6;
	v8 =	vcvt.f32.s32 v12;
	v12 =	vtrunc.f32 v13;
	v13 =	vld [tilespmem:s30+$0x70]  }
0x7e: {  	v10 =	vtrunc.f32 v10;
	v7 =	vld.idx.msk [tilespmem:v7+s14+$0x0], $0xffff;
	vm0 =	vlt.s32 v4, $0x14;
	[tilespmem:s28+$0x450] =	vst v5  }
0x7f: {  	vm1 =	vlt.s32 v8, $0x14;
	v11 =	vld.idx.msk [tilespmem:v11+s14+$0x0], $0xffff;
	v5 =	vcvt.f32.s32 v12;
	[tilespmem:s30+$0x40] =	vst v1;
	v1 =	vcvt.f32.s32 v10  }
0x80: {  	v4 =	vnsel vm0, $0x14, v4;
	v10 =	vmul.f32 v14, v0;
	v12 =	vmul.f32 v15, v0;
	v14 =	vld [tilespmem:s29+$0x440]  }
0x81: {  	v8 =	vnsel vm1, $0x14, v8;
	v9 =	vld.idx.msk [tilespmem:v9+s14+$0x0], $0xffff;
	vm0 =	vlt.s32 v5, $0x14  }
0x82: {  	v6 =	vld.idx.msk [tilespmem:v6+s14+$0x0], $0xffff;
	vm1 =	vlt.s32 v1, $0x14;
	v10 =	vtrunc.f32 v10;
	v12 =	vtrunc.f32 v12  }
0x83: {  	v15 =	vld [tilespmem:s31+$0x30];
	v5 =	vnsel vm0, $0x14, v5;
	v16 =	vnsel vm1, $0x14, v1;
	v1 =	vcvt.f32.s32 v10  }
0x84: {  	[tilespmem:s29+$0x410] =	vst v7;
	v7 =	vcvt.f32.s32 v12;
	v10 =	vmul.f32 v13, v0;
	v13 =	vld [tilespmem:s30+$0x400]  }
0x85: {  	[tilespmem:s31+$0x0] =	vst v11;
	v4 =	vld.idx.msk [tilespmem:v4+s14+$0x0], $0xffff;
	vm0 =	vlt.s32 v1, $0x14  }
0x86: {  	vm1 =	vlt.s32 v7, $0x14;
	v11 =	vld.idx.msk [tilespmem:v8+s14+$0x0], $0xffff;
	v12 =	vnsel vm0, $0x14, v1;
	[tilespmem:s28+$0x460] =	vst v9;
	v8 =	vtrunc.f32 v10  }
0x87: {  	v17 =	vnsel vm1, $0x14, v7;
	v9 =	vmul.f32 v14, v0;
	[tilespmem:s30+$0x50] =	vst v6;
	v8 =	vcvt.f32.s32 v8;
	v6 =	vld [tilespmem:s30+$0x410]  }
0x88: {  	v10 =	vmul.f32 v15, v0;
	v1 =	vld.idx.msk [tilespmem:v5+s14+$0x0], $0xffff  }
0x89: {  	v7 =	vld.idx.msk [tilespmem:v16+s14+$0x0], $0xffff;
	v5 =	vtrunc.f32 v9;
	vm0 =	vlt.s32 v8, $0x14  }
0x8a: {  	v9 =	vld [tilespmem:s31+$0x40];
	v10 =	vtrunc.f32 v10;
	v5 =	vcvt.f32.s32 v5;
	[tilespmem:s29+$0x420] =	vst v4;
	v8 =	vnsel vm0, $0x14, v8  }
0x8b: {  	s15 =	simm.s32 $0x400;
	s1 =	simm.s32 $0x200;
	[tilespmem:s31+$0x10] =	vst v11;
	v4 =	vld.idx.msk [tilespmem:v12+s14+$0x0], $0xffff;
	v12 =	vcvt.f32.s32 v10;
	v10 =	vmul.f32 v13, v0  }
0x8c: {  	s2 =	sand.u32 $0x800, s15;
	s0 =	simm.s32 $0x500;
	s15 =	sand.u32 $0x380, s1;
	vm0 =	vlt.s32 v5, $0x14;
	v11 =	vld.idx.msk [tilespmem:v17+s14+$0x0], $0xffff  }
.LBB2_2:
0x8d: {  	p0 =	sne.s32 s0, $0xF00;
	s2 =	sor.u32 s15, s2;
	vm1 =	vlt.s32 v12, $0x14;
	v13 =	vld [tilespmem:s31+$0x50];
	v10 =	vtrunc.f32 v10;
	v5 =	vnsel vm0, $0x14, v5;
	[tilespmem:s28+$0x470] =	vst v1;
	s28 =	smov.u32 s29  }
0x8e: {  	v3 =	vmul.f32 v3, v0;
	s29 =	smov.u32 s30;
	v1 =	vld [tilespmem:s2+$0x0];
	v12 =	vnsel vm1, $0x14, v12;
	[tilespmem:s30+$0x60] =	vst v7;
	v7 =	vcvt.f32.s32 v10;
	s30 =	smov.u32 s31;
	s31 =	smov.u32 s2  }
0x8f: {  	v9 =	vmul.f32 v9, v0;
	v8 =	vld.idx.msk [tilespmem:v8+s14+$0x0], $0xffff  }
0x90: {  	v10 =	vmul.f32 v2, v0;
	v3 =	vtrunc.f32 v3;
	vm0 =	vlt.s32 v7, $0x14;
	v2 =	vld [tilespmem:s28+$0x470]  }
0x91: {  	v3 =	vcvt.f32.s32 v3;
	v9 =	vtrunc.f32 v9;
	v7 =	vnsel vm0, $0x14, v7;
	v14 =	vld [tilespmem:s29+$0x420];
	[tilespmem:s28+$0x430] =	vst v4  }
0x92: {  	v6 =	vmul.f32 v6, v0;
	[tilespmem:s30+$0x20] =	vst v11;
	v4 =	vcvt.f32.s32 v9;
	v5 =	vld.idx.msk [tilespmem:v5+s14+$0x0], $0xffff  }
0x93: {  	v11 =	vmul.f32 v13, v0;
	vm0 =	vlt.s32 v3, $0x14;
	v1 =	vmul.f32 v1, v0;
	v9 =	vld.idx.msk [tilespmem:v12+s14+$0x0], $0xffff  }
0x94: {  	v6 =	vtrunc.f32 v6;
	v13 =	vnsel vm0, $0x14, v3;
	vm1 =	vlt.s32 v4, $0x14;
	v12 =	vld [tilespmem:s30+$0x60]  }
0x95: {  	v3 =	vcvt.f32.s32 v6;
	v1 =	vtrunc.f32 v1;
	v15 =	vld [tilespmem:s31+$0x10];
	v4 =	vnsel vm1, $0x14, v4;
	[tilespmem:s29+$0x70] =	vst v8  }
0x96: {  	v1 =	vcvt.f32.s32 v1;
	v6 =	vld.idx.msk [tilespmem:v7+s14+$0x0], $0xffff;
	v7 =	vmul.f32 v2, v0  }
0x97: {  	v10 =	vtrunc.f32 v10;
	v8 =	vtrunc.f32 v11;
	vm0 =	vlt.s32 v3, $0x14;
	v2 =	vld [tilespmem:s29+$0x460]  }
0x98: {  	v11 =	vnsel vm0, $0x14, v3;
	vm1 =	vlt.s32 v1, $0x14;
	v3 =	vld [tilespmem:s29+$0x450];
	[tilespmem:s28+$0x440] =	vst v5;
	v5 =	vcvt.f32.s32 v10  }
0x99: {  	v8 =	vcvt.f32.s32 v8;
	v1 =	vnsel vm1, $0x14, v1;
	[tilespmem:s30+$0x30] =	vst v9;
	v9 =	vmul.f32 v14, v0;
	v10 =	vld.idx.msk [tilespmem:v13+s14+$0x0], $0xffff  }
0x9a: {  	v12 =	vmul.f32 v12, v0;
	v13 =	vmul.f32 v15, v0;
	v4 =	vld.idx.msk [tilespmem:v4+s14+$0x0], $0xffff;
	vm0 =	vlt.s32 v5, $0x14  }
0x9b: {  	vm1 =	vlt.s32 v8, $0x14;
	v9 =	vtrunc.f32 v9;
	v14 =	vld [tilespmem:s29+$0x430];
	v5 =	vnsel vm0, $0x14, v5  }
0x9c: {  	v8 =	vnsel vm1, $0x14, v8;
	v13 =	vtrunc.f32 v13;
	v15 =	vld [tilespmem:s31+$0x20];
	[tilespmem:s29+$0x400] =	vst v6;
	v6 =	vcvt.f32.s32 v9  }
0x9d: {  	v9 =	vcvt.f32.s32 v13;
	v11 =	vld.idx.msk [tilespmem:v11+s14+$0x0], $0xffff  }
0x9e: {  	v7 =	vtrunc.f32 v7;
	v12 =	vtrunc.f32 v12;
	v1 =	vld.idx.msk [tilespmem:v1+s14+$0x0], $0xffff;
	vm0 =	vlt.s32 v6, $0x14  }
0x9f: {  	v7 =	vcvt.f32.s32 v7;
	vm1 =	vlt.s32 v9, $0x14;
	v13 =	vld [tilespmem:s30+$0x70];
	v6 =	vnsel vm0, $0x14, v6;
	[tilespmem:s28+$0x450] =	vst v10  }
0xa0: {  	v9 =	vnsel vm1, $0x14, v9;
	[tilespmem:s30+$0x40] =	vst v4;
	v4 =	vcvt.f32.s32 v12;
	v10 =	vmul.f32 v14, v0;
	v5 =	vld.idx.msk [tilespmem:v5+s14+$0x0], $0xffff  }
0xa1: {  	vm0 =	vlt.s32 v7, $0x14;
	v12 =	vmul.f32 v15, v0;
	v8 =	vld.idx.msk [tilespmem:v8+s14+$0x0], $0xffff  }
0xa2: {  	v7 =	vnsel vm0, $0x14, v7;
	vm1 =	vlt.s32 v4, $0x14;
	v10 =	vtrunc.f32 v10;
	v14 =	vld [tilespmem:s29+$0x440]  }
0xa3: {  	v12 =	vtrunc.f32 v12;
	v15 =	vld [tilespmem:s31+$0x30];
	v4 =	vnsel vm1, $0x14, v4;
	[tilespmem:s29+$0x410] =	vst v11;
	v10 =	vcvt.f32.s32 v10  }
0xa4: {  	[tilespmem:s31+$0x0] =	vst v1;
	v1 =	vcvt.f32.s32 v12;
	v11 =	vmul.f32 v13, v0;
	v12 =	vld.idx.msk [tilespmem:v6+s14+$0x0], $0xffff  }
0xa5: {  	v13 =	vld.idx.msk [tilespmem:v9+s14+$0x0], $0xffff;
	vm0 =	vlt.s32 v10, $0x14  }
0xa6: {  	vm1 =	vlt.s32 v1, $0x14;
	v6 =	vtrunc.f32 v11;
	v11 =	vld [tilespmem:s30+$0x400];
	v16 =	vnsel vm0, $0x14, v10;
	[tilespmem:s28+$0x460] =	vst v5  }
0xa7: {  	v17 =	vnsel vm1, $0x14, v1;
	[tilespmem:s30+$0x50] =	vst v8;
	v5 =	vcvt.f32.s32 v6;
	v8 =	vmul.f32 v14, v0;
	v1 =	vld.idx.msk [tilespmem:v7+s14+$0x0], $0xffff  }
.Ltmp0:
0xa8: {  	v9 =	vmul.f32 v15, v0;
	v7 =	vld.idx.msk [tilespmem:v4+s14+$0x0], $0xffff;
	(pc) =	sbr.rel @p0 .LBB2_2-.Ltmp0, $4  }
0xa9: {  	vm0 =	vlt.s32 v5, $0x14;
	v6 =	vld [tilespmem:s30+$0x410];
	v4 =	vtrunc.f32 v8  }
0xaa: {  	v10 =	vtrunc.f32 v9;
	v9 =	vld [tilespmem:s31+$0x40];
	v8 =	vnsel vm0, $0x14, v5;
	[tilespmem:s29+$0x420] =	vst v12;
	v5 =	vcvt.f32.s32 v4  }
0xab: {  	s1 =	sadd.s32 $0x80, s1;
	[tilespmem:s31+$0x10] =	vst v13;
	v12 =	vcvt.f32.s32 v10;
	v10 =	vmul.f32 v11, v0;
	v4 =	vld.idx.msk [tilespmem:v16+s14+$0x0], $0xffff  }
0xac: {  	s2 =	sand.u32 $0x800, s0;
	s15 =	sand.u32 $0x380, s1;
	s0 =	sadd.s32 $0x100, s0;
	v11 =	vld.idx.msk [tilespmem:v17+s14+$0x0], $0xffff;
	vm0 =	vlt.s32 v5, $0x14  }
0xad: {  	s1 =	sor.u32 s15, s2  }
0xae: {  	v13 =	vld [tilespmem:s1+$0x0];
	_ =	sdelay $0x4  }
0xaf: {  	v13 =	vmul.f32 v13, v0  }
0xb0: {  	v14 =	vld [tilespmem:s1+$0x10]  }
0xb1: {  	v13 =	vtrunc.f32 v13  }
0xb2: {  	v13 =	vcvt.f32.s32 v13;
	_ =	sdelay $0x1  }
0xb3: {  	vm1 =	vlt.s32 v13, $0x14  }
0xb4: {  	v14 =	vmul.f32 v14, v0;
	v13 =	vnsel vm1, $0x14, v13  }
0xb5: {  	v15 =	vld [tilespmem:s1+$0x20]  }
0xb6: {  	v14 =	vtrunc.f32 v14  }
0xb7: {  	v14 =	vcvt.f32.s32 v14;
	_ =	sdelay $0x1  }
0xb8: {  	vm1 =	vlt.s32 v14, $0x14;
	v13 =	vld.idx.msk [tilespmem:v13+s14+$0x0], $0xffff  }
0xb9: {  	v15 =	vmul.f32 v15, v0;
	v14 =	vnsel vm1, $0x14, v14  }
0xba: {  	v16 =	vld [tilespmem:s1+$0x30]  }
0xbb: {  	v15 =	vtrunc.f32 v15  }
0xbc: {  	v15 =	vcvt.f32.s32 v15  }
0xbd: {  	[tilespmem:s1+$0x0] =	vst v13  }
0xbe: {  	vm1 =	vlt.s32 v15, $0x14;
	v13 =	vld.idx.msk [tilespmem:v14+s14+$0x0], $0xffff  }
0xbf: {  	v14 =	vnsel vm1, $0x14, v15;
	v15 =	vmul.f32 v16, v0  }
0xc0: {  	v51 =	vld [tilespmem:s1+$0x40]  }
0xc1: {  	v15 =	vtrunc.f32 v15  }
0xc2: {  	vm1 =	vlt.s32 v12, $0x14;
	v15 =	vcvt.f32.s32 v15  }
0xc3: {  	v17 =	vld [tilespmem:s31+$0x50];
	v9 =	vmul.f32 v9, v0;
	v12 =	vnsel vm1, $0x14, v12;
	[tilespmem:s1+$0x10] =	vst v13  }
0xc4: {  	vm1 =	vlt.s32 v15, $0x14;
	v13 =	vld.idx.msk [tilespmem:v14+s14+$0x0], $0xffff  }
0xc5: {  	v9 =	vtrunc.f32 v9;
	v14 =	vnsel vm1, $0x14, v15;
	v15 =	vmul.f32 v51, v0  }
0xc6: {  	v52 =	vld [tilespmem:s1+$0x50];
	v9 =	vcvt.f32.s32 v9  }
0xc7: {  	[tilespmem:s31+$0x20] =	vst v11;
	v11 =	vtrunc.f32 v15  }
0xc8: {  	v12 =	vld.idx.msk [tilespmem:v12+s14+$0x0], $0xffff;
	vm1 =	vlt.s32 v9, $0x14;
	v11 =	vcvt.f32.s32 v11  }
0xc9: {  	v53 =	vld [tilespmem:s31+$0x60];
	v9 =	vnsel vm1, $0x14, v9;
	v15 =	vmul.f32 v17, v0;
	[tilespmem:s1+$0x20] =	vst v13  }
0xca: {  	vm1 =	vlt.s32 v11, $0x14;
	v13 =	vld.idx.msk [tilespmem:v14+s14+$0x0], $0xffff  }
0xcb: {  	v14 =	vtrunc.f32 v15;
	v15 =	vmul.f32 v52, v0;
	v11 =	vnsel vm1, $0x14, v11  }
0xcc: {  	v54 =	vld [tilespmem:s1+$0x60];
	v14 =	vcvt.f32.s32 v14  }
0xcd: {  	[tilespmem:s31+$0x30] =	vst v12;
	v12 =	vtrunc.f32 v15  }
0xce: {  	v9 =	vld.idx.msk [tilespmem:v9+s14+$0x0], $0xffff;
	vm1 =	vlt.s32 v14, $0x14;
	v12 =	vcvt.f32.s32 v12  }
0xcf: {  	v10 =	vtrunc.f32 v10;
	v55 =	vld [tilespmem:s31+$0x70];
	v15 =	vmul.f32 v53, v0;
	v14 =	vnsel vm1, $0x14, v14;
	[tilespmem:s1+$0x30] =	vst v13  }
0xd0: {  	[tilespmem:s30+$0x60] =	vst v7;
	v7 =	vcvt.f32.s32 v10;
	vm1 =	vlt.s32 v12, $0x14;
	v10 =	vld.idx.msk [tilespmem:v11+s14+$0x0], $0xffff  }
0xd1: {  	v13 =	vmul.f32 v54, v0;
	v11 =	vtrunc.f32 v15;
	v12 =	vnsel vm1, $0x14, v12  }
0xd2: {  	v15 =	vld [tilespmem:s1+$0x70];
	v11 =	vcvt.f32.s32 v11  }
0xd3: {  	v8 =	vld.idx.msk [tilespmem:v8+s14+$0x0], $0xffff;
	[tilespmem:s31+$0x40] =	vst v9;
	vm1 =	vlt.s32 v7, $0x14;
	v9 =	vtrunc.f32 v13  }
0xd4: {  	v7 =	vnsel vm1, $0x14, v7;
	v9 =	vcvt.f32.s32 v9;
	v13 =	vld.idx.msk [tilespmem:v14+s14+$0x0], $0xffff;
	vm1 =	vlt.s32 v11, $0x14  }
0xd5: {  	v14 =	vmul.f32 v55, v0;
	v11 =	vnsel vm1, $0x14, v11;
	[tilespmem:s1+$0x40] =	vst v10  }
0xd6: {  	vm1 =	vlt.s32 v9, $0x14;
	v10 =	vld.idx.msk [tilespmem:v12+s14+$0x0], $0xffff  }
0xd7: {  	v57 =	vld [tilespmem:s31+$0x400];
	v14 =	vtrunc.f32 v14;
	v9 =	vnsel vm1, $0x14, v9;
	v15 =	vmul.f32 v15, v0  }
0xd8: {  	[tilespmem:s30+$0x70] =	vst v8;
	v8 =	vcvt.f32.s32 v14;
	v14 =	vld [tilespmem:s1+$0x400]  }
0xd9: {  	v56 =	vld [tilespmem:s29+$0x470];
	[tilespmem:s31+$0x50] =	vst v13;
	v13 =	vtrunc.f32 v15  }
0xda: {  	v6 =	vmul.f32 v6, v0;
	vm1 =	vlt.s32 v8, $0x14;
	v11 =	vld.idx.msk [tilespmem:v11+s14+$0x0], $0xffff;
	v13 =	vcvt.f32.s32 v13  }
0xdb: {  	v19 =	vld [tilespmem:s30+$0x450];
	v8 =	vnsel vm1, $0x14, v8;
	[tilespmem:s1+$0x50] =	vst v10  }
0xdc: {  	v17 =	vmul.f32 v57, v0;
	v15 =	vtrunc.f32 v6;
	vm1 =	vlt.s32 v13, $0x14;
	v9 =	vld.idx.msk [tilespmem:v9+s14+$0x0], $0xffff  }
0xdd: {  	v10 =	vcvt.f32.s32 v15;
	v15 =	vld [tilespmem:s31+$0x410];
	v14 =	vmul.f32 v14, v0;
	v13 =	vnsel vm1, $0x14, v13  }
0xde: {  	v18 =	vld [tilespmem:s1+$0x410];
	v17 =	vtrunc.f32 v17  }
0xdf: {  	v17 =	vcvt.f32.s32 v17;
	v7 =	vld.idx.msk [tilespmem:v7+s14+$0x0], $0xffff;
	[tilespmem:s31+$0x60] =	vst v11;
	v11 =	vtrunc.f32 v14  }
0xe0: {  	v3 =	vmul.f32 v3, v0;
	vm1 =	vlt.s32 v10, $0x14;
	v8 =	vld.idx.msk [tilespmem:v8+s14+$0x0], $0xffff;
	v11 =	vcvt.f32.s32 v11  }
0xe1: {  	v2 =	vmul.f32 v2, v0;
	v12 =	vld [tilespmem:s30+$0x420];
	v10 =	vnsel vm1, $0x14, v10;
	vm1 =	vlt.s32 v17, $0x14;
	[tilespmem:s1+$0x60] =	vst v9  }
0xe2: {  	v17 =	vnsel vm1, $0x14, v17;
	v9 =	vmul.f32 v15, v0;
	vm1 =	vlt.s32 v11, $0x14;
	v13 =	vld.idx.msk [tilespmem:v13+s14+$0x0], $0xffff  }
0xe3: {  	v3 =	vtrunc.f32 v3;
	v18 =	vmul.f32 v18, v0;
	v15 =	vld [tilespmem:s31+$0x420];
	v11 =	vnsel vm1, $0x14, v11  }
0xe4: {  	v2 =	vtrunc.f32 v2;
	[tilespmem:s30+$0x400] =	vst v7;
	v7 =	vtrunc.f32 v9;
	v9 =	vld [tilespmem:s1+$0x420]  }
0xe5: {  	v20 =	vld [tilespmem:s1+$0x430];
	[tilespmem:s31+$0x70] =	vst v8;
	v7 =	vcvt.f32.s32 v7;
	v8 =	vtrunc.f32 v18  }
0xe6: {  	v3 =	vcvt.f32.s32 v3;
	v14 =	vld [tilespmem:s30+$0x430];
	v8 =	vcvt.f32.s32 v8  }
0xe7: {  	v2 =	vcvt.f32.s32 v2;
	v12 =	vmul.f32 v12, v0;
	v17 =	vld.idx.msk [tilespmem:v17+s14+$0x0], $0xffff;
	vm1 =	vlt.s32 v7, $0x14;
	[tilespmem:s1+$0x70] =	vst v13  }
0xe8: {  	v7 =	vnsel vm1, $0x14, v7;
	v13 =	vmul.f32 v15, v0;
	vm1 =	vlt.s32 v8, $0x14;
	v11 =	vld.idx.msk [tilespmem:v11+s14+$0x0], $0xffff  }
0xe9: {  	v12 =	vtrunc.f32 v12;
	v15 =	vld [tilespmem:s31+$0x430];
	v8 =	vnsel vm1, $0x14, v8;
	v9 =	vmul.f32 v9, v0  }
0xea: {  	v60 =	vld [tilespmem:s1+$0x460];
	v12 =	vcvt.f32.s32 v12;
	v13 =	vtrunc.f32 v13  }
0xeb: {  	v59 =	vld [tilespmem:s30+$0x440];
	v13 =	vcvt.f32.s32 v13;
	v9 =	vtrunc.f32 v9  }
0xec: {  	v20 =	vmul.f32 v20, v0;
	v10 =	vld.idx.msk [tilespmem:v10+s14+$0x0], $0xffff;
	vm1 =	vlt.s32 v12, $0x14;
	[tilespmem:s31+$0x400] =	vst v17;
	v9 =	vcvt.f32.s32 v9  }
0xed: {  	v14 =	vmul.f32 v14, v0;
	v12 =	vnsel vm1, $0x14, v12;
	v7 =	vld.idx.msk [tilespmem:v7+s14+$0x0], $0xffff;
	vm1 =	vlt.s32 v13, $0x14;
	[tilespmem:s1+$0x400] =	vst v11  }
0xee: {  	v11 =	vnsel vm1, $0x14, v13;
	v13 =	vmul.f32 v15, v0;
	vm1 =	vlt.s32 v9, $0x14;
	v8 =	vld.idx.msk [tilespmem:v8+s14+$0x0], $0xffff  }
0xef: {  	v61 =	vmul.f32 v60, v0;
	v14 =	vtrunc.f32 v14;
	v15 =	vld [tilespmem:s31+$0x440];
	v9 =	vnsel vm1, $0x14, v9  }
0xf0: {  	v22 =	vld [tilespmem:s1+$0x440];
	v14 =	vcvt.f32.s32 v14;
	v13 =	vtrunc.f32 v13  }
0xf1: {  	v5 =	vnsel vm0, $0x14, v5;
	v6 =	vld [tilespmem:s30+$0x460];
	[tilespmem:s30+$0x410] =	vst v10;
	v10 =	vcvt.f32.s32 v13;
	v13 =	vtrunc.f32 v20  }
0xf2: {  	v16 =	vmul.f32 v56, v0;
	vm0 =	vlt.s32 v14, $0x14;
	[tilespmem:s31+$0x410] =	vst v7;
	v7 =	vld.idx.msk [tilespmem:v12+s14+$0x0], $0xffff;
	v12 =	vcvt.f32.s32 v13  }
0xf3: {  	v13 =	vmul.f32 v59, v0;
	v11 =	vld.idx.msk [tilespmem:v11+s14+$0x0], $0xffff;
	[tilespmem:s1+$0x410] =	vst v8;
	v8 =	vnsel vm0, $0x14, v14;
	vm0 =	vlt.s32 v10, $0x14  }
0xf4: {  	v14 =	vmul.f32 v15, v0;
	v10 =	vnsel vm0, $0x14, v10;
	v9 =	vld.idx.msk [tilespmem:v9+s14+$0x0], $0xffff;
	vm0 =	vlt.s32 v12, $0x14  }
0xf5: {  	v21 =	vld [tilespmem:s31+$0x450];
	v13 =	vtrunc.f32 v13;
	v15 =	vmul.f32 v22, v0;
	v12 =	vnsel vm0, $0x14, v12  }
0xf6: {  	[tilespmem:s29+$0x430] =	vst v4;
	v4 =	vcvt.f32.s32 v13;
	v13 =	vtrunc.f32 v14;
	v14 =	vld [tilespmem:s1+$0x450]  }
0xf7: {  	[tilespmem:s30+$0x420] =	vst v7;
	v7 =	vcvt.f32.s32 v13;
	v13 =	vtrunc.f32 v15  }
0xf8: {  	v6 =	vmul.f32 v6, v0;
	vm0 =	vlt.s32 v4, $0x14;
	[tilespmem:s31+$0x420] =	vst v11;
	v11 =	vcvt.f32.s32 v13;
	v8 =	vld.idx.msk [tilespmem:v8+s14+$0x0], $0xffff  }
0xf9: {  	v4 =	vnsel vm0, $0x14, v4;
	v13 =	vmul.f32 v19, v0;
	vm0 =	vlt.s32 v7, $0x14;
	v10 =	vld.idx.msk [tilespmem:v10+s14+$0x0], $0xffff;
	[tilespmem:s1+$0x420] =	vst v9  }
0xfa: {  	v7 =	vnsel vm0, $0x14, v7;
	v9 =	vmul.f32 v21, v0;
	vm0 =	vlt.s32 v11, $0x14;
	v12 =	vld.idx.msk [tilespmem:v12+s14+$0x0], $0xffff  }
0xfb: {  	v58 =	vld [tilespmem:s31+$0x460];
	v13 =	vtrunc.f32 v13;
	v11 =	vnsel vm0, $0x14, v11;
	v14 =	vmul.f32 v14, v0  }
0xfc: {  	v5 =	vld.idx.msk [tilespmem:v5+s14+$0x0], $0xffff;
	v13 =	vcvt.f32.s32 v13;
	v9 =	vtrunc.f32 v9  }
0xfd: {  	v15 =	vld [tilespmem:s30+$0x470];
	vm0 =	vlt.s32 v3, $0x14;
	v9 =	vcvt.f32.s32 v9;
	v14 =	vtrunc.f32 v14;
	[tilespmem:s30+$0x430] =	vst v8  }
0xfe: {  	v3 =	vnsel vm0, $0x14, v3;
	vm0 =	vlt.s32 v13, $0x14;
	v14 =	vcvt.f32.s32 v14;
	[tilespmem:s31+$0x430] =	vst v10;
	v4 =	vld.idx.msk [tilespmem:v4+s14+$0x0], $0xffff  }
0xff: {  	v6 =	vtrunc.f32 v6;
	[tilespmem:s1+$0x430] =	vst v12;
	v12 =	vnsel vm0, $0x14, v13;
	v7 =	vld.idx.msk [tilespmem:v7+s14+$0x0], $0xffff;
	vm0 =	vlt.s32 v9, $0x14  }
0x100: {  	v13 =	vmul.f32 v58, v0;
	v9 =	vnsel vm0, $0x14, v9;
	v11 =	vld.idx.msk [tilespmem:v11+s14+$0x0], $0xffff;
	vm0 =	vlt.s32 v14, $0x14  }
0x101: {  	[tilespmem:s29+$0x440] =	vst v5;
	v5 =	vcvt.f32.s32 v6;
	v8 =	vld [tilespmem:s31+$0x470];
	v10 =	vtrunc.f32 v16;
	v14 =	vnsel vm0, $0x14, v14  }
0x102: {  	v10 =	vcvt.f32.s32 v10;
	v6 =	vtrunc.f32 v13;
	v13 =	vld [tilespmem:s1+$0x470]  }
0x103: {  	v3 =	vld.idx.msk [tilespmem:v3+s14+$0x0], $0xffff;
	vm0 =	vlt.s32 v2, $0x14;
	[tilespmem:s30+$0x440] =	vst v4;
	v4 =	vcvt.f32.s32 v6;
	v6 =	vtrunc.f32 v61  }
0x104: {  	v2 =	vnsel vm0, $0x14, v2;
	vm0 =	vlt.s32 v5, $0x14;
	v12 =	vld.idx.msk [tilespmem:v12+s14+$0x0], $0xffff;
	[tilespmem:s31+$0x440] =	vst v7;
	v6 =	vcvt.f32.s32 v6  }
0x105: {  	v5 =	vnsel vm0, $0x14, v5;
	v7 =	vmul.f32 v15, v0;
	v9 =	vld.idx.msk [tilespmem:v9+s14+$0x0], $0xffff;
	vm0 =	vlt.s32 v4, $0x14;
	[tilespmem:s1+$0x440] =	vst v11  }
0x106: {  	v8 =	vmul.f32 v8, v0;
	v4 =	vnsel vm0, $0x14, v4;
	v11 =	vld.idx.msk [tilespmem:v14+s14+$0x0], $0xffff;
	vm0 =	vlt.s32 v6, $0x14  }
0x107: {  	v7 =	vtrunc.f32 v7;
	v13 =	vmul.f32 v13, v0;
	v6 =	vnsel vm0, $0x14, v6  }
0x108: {  	[tilespmem:s29+$0x450] =	vst v3;
	v3 =	vcvt.f32.s32 v7;
	v7 =	vtrunc.f32 v8  }
0x109: {  	v2 =	vld.idx.msk [tilespmem:v2+s14+$0x0], $0xffff;
	vm0 =	vlt.s32 v10, $0x14;
	v7 =	vcvt.f32.s32 v7;
	v8 =	vtrunc.f32 v13;
	[tilespmem:s30+$0x450] =	vst v12  }
0x10a: {  	v10 =	vnsel vm0, $0x14, v10;
	vm0 =	vlt.s32 v3, $0x14;
	v8 =	vcvt.f32.s32 v8;
	v5 =	vld.idx.msk [tilespmem:v5+s14+$0x0], $0xffff;
	[tilespmem:s31+$0x450] =	vst v9  }
0x10b: {  	v3 =	vnsel vm0, $0x14, v3;
	vm0 =	vlt.s32 v7, $0x14;
	v4 =	vld.idx.msk [tilespmem:v4+s14+$0x0], $0xffff;
	[tilespmem:s1+$0x450] =	vst v11  }
0x10c: {  	v7 =	vnsel vm0, $0x14, v7;
	vm0 =	vlt.s32 v8, $0x14;
	v6 =	vld.idx.msk [tilespmem:v6+s14+$0x0], $0xffff  }
0x10d: {  	v8 =	vnsel vm0, $0x14, v8  }
0x10e: {  	[tilespmem:s29+$0x460] =	vst v2  }
0x10f: {  	v2 =	vld.idx.msk [tilespmem:v10+s14+$0x0], $0xffff;
	[tilespmem:s30+$0x460] =	vst v5  }
0x110: {  	v3 =	vld.idx.msk [tilespmem:v3+s14+$0x0], $0xffff;
	[tilespmem:s31+$0x460] =	vst v4  }
0x111: {  	v4 =	vld.idx.msk [tilespmem:v7+s14+$0x0], $0xffff;
	[tilespmem:s1+$0x460] =	vst v6  }
0x112: {  	v5 =	vld.idx.msk [tilespmem:v8+s14+$0x0], $0xffff  }
0x113: {  	[tilespmem:s28+$0x470] =	vst v1  }
0x114: {  	[tilespmem:s29+$0x470] =	vst v2  }
0x115: {  	[tilespmem:s30+$0x470] =	vst v3  }
0x116: {  	[tilespmem:s31+$0x470] =	vst v4  }
0x117: {  	s0 =	simm.s32 $0x0;
	[tilespmem:s1+$0x470] =	vst v5  }
0x118: {  	[hbm4b:s7+s0] =	stream.linear.scatter [tilespmem:s0], [sflag:$0x6], $0x1000, $0x38;
	[tilespmem:$0x8080] =	vst v63  }
0x119: {  	_ = 	snop  }
0x11a: {  	[tilespmem:s17], [sflag:$0x4] =	stream.linear.gather [hbm4b:s8+s0], $0x3000, $0x38;
	[tilespmem:$0x8080] =	vst v63  }
0x11b: {  	_ =	swait.ge [sflag:s18], $0x3000  }
0x11c: {  	s15 =	sand.u32 $0x3800, s0;
	s0 =	sand.u32 $0x380, s0;
	[sflag:s18] =	ssyncset.done $0x0  }
0x11d: {  	s28 =	sor.u32 s0, s15;
	[sflag:s18] =	ssyncadd.s32 $0xFFFFD000  }
0x11e: {  	v1 =	vld [tilespmem:s28+$0x1000];
	_ =	sdelay $0x4  }
0x11f: {  	v1 =	vmul.f32 v1, v0  }
0x120: {  	v2 =	vld [tilespmem:s28+$0x1010]  }
0x121: {  	v1 =	vtrunc.f32 v1  }
0x122: {  	v1 =	vcvt.f32.s32 v1;
	_ =	sdelay $0x1  }
0x123: {  	vm0 =	vlt.s32 v1, $0x14  }
0x124: {  	v2 =	vmul.f32 v2, v0;
	v1 =	vnsel vm0, $0x14, v1  }
0x125: {  	v3 =	vld [tilespmem:s28+$0x1020]  }
0x126: {  	v2 =	vtrunc.f32 v2  }
0x127: {  	v2 =	vcvt.f32.s32 v2;
	_ =	sdelay $0x1  }
0x128: {  	vm0 =	vlt.s32 v2, $0x14;
	v1 =	vld.idx.msk [tilespmem:v1+s14+$0x0], $0xffff  }
0x129: {  	v3 =	vmul.f32 v3, v0;
	v2 =	vnsel vm0, $0x14, v2  }
0x12a: {  	v4 =	vld [tilespmem:s28+$0x1030]  }
0x12b: {  	v3 =	vtrunc.f32 v3  }
0x12c: {  	v3 =	vcvt.f32.s32 v3  }
0x12d: {  	[tilespmem:s28+$0x1000] =	vst v1  }
0x12e: {  	vm0 =	vlt.s32 v3, $0x14;
	v1 =	vld.idx.msk [tilespmem:v2+s14+$0x0], $0xffff  }
0x12f: {  	s2 =	simm.s32 $0x100;
	s15 =	simm.s32 $0x80;
	v2 =	vnsel vm0, $0x14, v3;
	v3 =	vmul.f32 v4, v0  }
0x130: {  	s0 =	sand.u32 $0x3800, s2;
	s1 =	sand.u32 $0x380, s15;
	v4 =	vld [tilespmem:s28+$0x1040]  }
0x131: {  	s29 =	sor.u32 s1, s0;
	v3 =	vtrunc.f32 v3  }
0x132: {  	v5 =	vld [tilespmem:s29+$0x1000];
	v3 =	vcvt.f32.s32 v3  }
0x133: {  	[tilespmem:s28+$0x1010] =	vst v1  }
0x134: {  	vm0 =	vlt.s32 v3, $0x14;
	v1 =	vld.idx.msk [tilespmem:v2+s14+$0x0], $0xffff  }
0x135: {  	v2 =	vnsel vm0, $0x14, v3;
	v3 =	vmul.f32 v4, v0  }
0x136: {  	v4 =	vld [tilespmem:s28+$0x1050]  }
0x137: {  	v5 =	vmul.f32 v5, v0;
	v3 =	vtrunc.f32 v3  }
0x138: {  	v6 =	vld [tilespmem:s29+$0x1010];
	v3 =	vcvt.f32.s32 v3  }
0x139: {  	v5 =	vtrunc.f32 v5;
	[tilespmem:s28+$0x1020] =	vst v1  }
0x13a: {  	v1 =	vcvt.f32.s32 v5;
	vm0 =	vlt.s32 v3, $0x14;
	v2 =	vld.idx.msk [tilespmem:v2+s14+$0x0], $0xffff  }
0x13b: {  	v4 =	vmul.f32 v4, v0;
	v3 =	vnsel vm0, $0x14, v3  }
0x13c: {  	v5 =	vld [tilespmem:s28+$0x1060];
	vm0 =	vlt.s32 v1, $0x14  }
0x13d: {  	v6 =	vmul.f32 v6, v0;
	v4 =	vtrunc.f32 v4;
	v1 =	vnsel vm0, $0x14, v1  }
0x13e: {  	v7 =	vld [tilespmem:s29+$0x1020];
	v4 =	vcvt.f32.s32 v4  }
0x13f: {  	v6 =	vtrunc.f32 v6;
	[tilespmem:s28+$0x1030] =	vst v2  }
0x140: {  	vm0 =	vlt.s32 v4, $0x14;
	v2 =	vcvt.f32.s32 v6;
	v3 =	vld.idx.msk [tilespmem:v3+s14+$0x0], $0xffff  }
0x141: {  	v5 =	vmul.f32 v5, v0;
	v4 =	vnsel vm0, $0x14, v4;
	v6 =	vld [tilespmem:s28+$0x1070]  }
0x142: {  	v1 =	vld.idx.msk [tilespmem:v1+s14+$0x0], $0xffff;
	vm0 =	vlt.s32 v2, $0x14  }
0x143: {  	v7 =	vmul.f32 v7, v0;
	v5 =	vtrunc.f32 v5;
	v2 =	vnsel vm0, $0x14, v2  }
0x144: {  	v5 =	vcvt.f32.s32 v5  }
0x145: {  	[tilespmem:s28+$0x1040] =	vst v3;
	v3 =	vtrunc.f32 v7;
	v7 =	vld [tilespmem:s29+$0x1030]  }
0x146: {  	vm0 =	vlt.s32 v5, $0x14;
	v4 =	vld.idx.msk [tilespmem:v4+s14+$0x0], $0xffff  }
0x147: {  	[tilespmem:s29+$0x1000] =	vst v1;
	v1 =	vcvt.f32.s32 v3;
	v3 =	vnsel vm0, $0x14, v5;
	v5 =	vmul.f32 v6, v0;
	v6 =	vld [tilespmem:s28+$0x1400]  }
0x148: {  	v2 =	vld.idx.msk [tilespmem:v2+s14+$0x0], $0xffff  }
0x149: {  	vm0 =	vlt.s32 v1, $0x14;
	v5 =	vtrunc.f32 v5  }
0x14a: {  	v1 =	vnsel vm0, $0x14, v1;
	v5 =	vcvt.f32.s32 v5;
	v7 =	vmul.f32 v7, v0  }
0x14b: {  	s2 =	simm.s32 $0x200;
	s15 =	simm.s32 $0x100;
	[tilespmem:s28+$0x1050] =	vst v4;
	v4 =	vld [tilespmem:s29+$0x1040]  }
0x14c: {  	s0 =	sand.u32 $0x3800, s2;
	s1 =	sand.u32 $0x380, s15;
	vm0 =	vlt.s32 v5, $0x14;
	v3 =	vld.idx.msk [tilespmem:v3+s14+$0x0], $0xffff;
	v7 =	vtrunc.f32 v7  }
0x14d: {  	v8 =	vld [tilespmem:s28+$0x1410];
	s30 =	sor.u32 s1, s0;
	v6 =	vmul.f32 v6, v0;
	v5 =	vnsel vm0, $0x14, v5;
	[tilespmem:s29+$0x1010] =	vst v2;
	v2 =	vcvt.f32.s32 v7  }
0x14e: {  	v7 =	vld [tilespmem:s30+$0x1000]  }
0x14f: {  	v6 =	vtrunc.f32 v6;
	v1 =	vld.idx.msk [tilespmem:v1+s14+$0x0], $0xffff;
	vm0 =	vlt.s32 v2, $0x14  }
0x150: {  	v9 =	vld [tilespmem:s29+$0x1050];
	v6 =	vcvt.f32.s32 v6;
	v2 =	vnsel vm0, $0x14, v2;
	v4 =	vmul.f32 v4, v0  }
0x151: {  	[tilespmem:s28+$0x1060] =	vst v3  }
0x152: {  	vm0 =	vlt.s32 v6, $0x14;
	v3 =	vld.idx.msk [tilespmem:v5+s14+$0x0], $0xffff;
	v4 =	vtrunc.f32 v4  }
0x153: {  	v5 =	vnsel vm0, $0x14, v6;
	v6 =	vmul.f32 v8, v0;
	v8 =	vld [tilespmem:s28+$0x1420];
	v4 =	vcvt.f32.s32 v4  }
0x154: {  	[tilespmem:s29+$0x1020] =	vst v1;
	v1 =	vmul.f32 v7, v0;
	v7 =	vld [tilespmem:s30+$0x1010]  }
0x155: {  	v9 =	vmul.f32 v9, v0;
	v6 =	vtrunc.f32 v6;
	v2 =	vld.idx.msk [tilespmem:v2+s14+$0x0], $0xffff;
	vm0 =	vlt.s32 v4, $0x14  }
0x156: {  	v1 =	vtrunc.f32 v1;
	v6 =	vcvt.f32.s32 v6;
	v4 =	vnsel vm0, $0x14, v4  }
0x157: {  	v10 =	vld [tilespmem:s29+$0x1060];
	v1 =	vcvt.f32.s32 v1;
	[tilespmem:s28+$0x1070] =	vst v3  }
0x158: {  	vm0 =	vlt.s32 v6, $0x14;
	v3 =	vld.idx.msk [tilespmem:v5+s14+$0x0], $0xffff;
	v5 =	vtrunc.f32 v9  }
0x159: {  	vm1 =	vlt.s32 v1, $0x14;
	v6 =	vnsel vm0, $0x14, v6;
	v7 =	vmul.f32 v7, v0  }
0x15a: {  	v1 =	vnsel vm1, $0x14, v1;
	[tilespmem:s29+$0x1030] =	vst v2;
	v2 =	vcvt.f32.s32 v5;
	v5 =	vmul.f32 v8, v0;
	v8 =	vld [tilespmem:s28+$0x1430]  }
0x15b: {  	v7 =	vtrunc.f32 v7;
	v4 =	vld.idx.msk [tilespmem:v4+s14+$0x0], $0xffff  }
0x15c: {  	v12 =	vld [tilespmem:s30+$0x1020];
	v7 =	vcvt.f32.s32 v7;
	vm0 =	vlt.s32 v2, $0x14;
	v5 =	vtrunc.f32 v5  }
0x15d: {  	v2 =	vnsel vm0, $0x14, v2;
	[tilespmem:s28+$0x1400] =	vst v3;
	v3 =	vcvt.f32.s32 v5;
	v5 =	vmul.f32 v10, v0;
	v10 =	vld [tilespmem:s29+$0x1070]  }
0x15e: {  	v6 =	vld.idx.msk [tilespmem:v6+s14+$0x0], $0xffff  }
0x15f: {  	vm1 =	vlt.s32 v7, $0x14;
	v1 =	vld.idx.msk [tilespmem:v1+s14+$0x0], $0xffff;
	vm0 =	vlt.s32 v3, $0x14;
	v5 =	vtrunc.f32 v5  }
0x160: {  	v11 =	vld [tilespmem:s28+$0x1450];
	v3 =	vnsel vm0, $0x14, v3;
	[tilespmem:s29+$0x1040] =	vst v4;
	v4 =	vcvt.f32.s32 v5;
	v5 =	vmul.f32 v8, v0  }
0x161: {  	v7 =	vnsel vm1, $0x14, v7;
	v8 =	vmul.f32 v12, v0;
	v12 =	vld [tilespmem:s28+$0x1440]  }
0x162: {  	v2 =	vld.idx.msk [tilespmem:v2+s14+$0x0], $0xffff;
	v5 =	vtrunc.f32 v5  }
0x163: {  	v13 =	vld [tilespmem:s30+$0x1030];
	vm0 =	vlt.s32 v4, $0x14;
	v8 =	vtrunc.f32 v8;
	[tilespmem:s28+$0x1410] =	vst v6;
	v5 =	vcvt.f32.s32 v5  }
0x164: {  	v4 =	vnsel vm0, $0x14, v4;
	[tilespmem:s30+$0x1000] =	vst v1;
	v1 =	vcvt.f32.s32 v8;
	v6 =	vmul.f32 v10, v0;
	v8 =	vld [tilespmem:s29+$0x1400]  }
0x165: {  	v3 =	vld.idx.msk [tilespmem:v3+s14+$0x0], $0xffff  }
0x166: {  	v7 =	vld.idx.msk [tilespmem:v7+s14+$0x0], $0xffff;
	vm0 =	vlt.s32 v5, $0x14;
	vm1 =	vlt.s32 v1, $0x14;
	v6 =	vtrunc.f32 v6  }
0x167: {  	v14 =	vld [tilespmem:s29+$0x1420];
	v5 =	vnsel vm0, $0x14, v5;
	[tilespmem:s29+$0x1050] =	vst v2;
	v2 =	vcvt.f32.s32 v6;
	v6 =	vmul.f32 v12, v0  }
0x168: {  	v9 =	vld [tilespmem:s28+$0x1460];
	v10 =	vmul.f32 v13, v0;
	v1 =	vnsel vm1, $0x14, v1  }
0x169: {  	v4 =	vld.idx.msk [tilespmem:v4+s14+$0x0], $0xffff;
	v6 =	vtrunc.f32 v6  }
0x16a: {  	v13 =	vld [tilespmem:s30+$0x1040];
	v10 =	vtrunc.f32 v10;
	[tilespmem:s28+$0x1420] =	vst v3;
	v3 =	vcvt.f32.s32 v6  }
0x16b: {  	v12 =	vld [tilespmem:s29+$0x1410];
	vm0 =	vlt.s32 v2, $0x14;
	[tilespmem:s30+$0x1010] =	vst v7;
	v7 =	vmul.f32 v8, v0;
	v6 =	vcvt.f32.s32 v10  }
0x16c: {  	s2 =	simm.s32 $0x180;
	s1 =	simm.s32 $0x300;
	v2 =	vnsel vm0, $0x14, v2;
	v5 =	vld.idx.msk [tilespmem:v5+s14+$0x0], $0xffff;
	vm0 =	vlt.s32 v3, $0x14  }
0x16d: {  	s0 =	sand.u32 $0x3800, s1;
	s1 =	sand.u32 $0x380, s2;
	v1 =	vld.idx.msk [tilespmem:v1+s14+$0x0], $0xffff;
	v7 =	vtrunc.f32 v7;
	vm1 =	vlt.s32 v6, $0x14;
	v3 =	vnsel vm0, $0x14, v3  }
0x16e: {  	s31 =	sor.u32 s1, s0;
	v8 =	vld [tilespmem:s30+$0x1050];
	v6 =	vnsel vm1, $0x14, v6;
	[tilespmem:s29+$0x1060] =	vst v4;
	v4 =	vcvt.f32.s32 v7;
	v7 =	vmul.f32 v11, v0  }
0x16f: {  	v10 =	vld [tilespmem:s31+$0x1000];
	v11 =	vmul.f32 v13, v0  }
0x170: {  	v9 =	vmul.f32 v9, v0;
	v13 =	vld [tilespmem:s28+$0x1470];
	v7 =	vtrunc.f32 v7  }
0x171: {  	v2 =	vld.idx.msk [tilespmem:v2+s14+$0x0], $0xffff;
	vm0 =	vlt.s32 v4, $0x14;
	v11 =	vtrunc.f32 v11;
	[tilespmem:s28+$0x1430] =	vst v5;
	v5 =	vcvt.f32.s32 v7  }
0x172: {  	v9 =	vtrunc.f32 v9;
	v4 =	vnsel vm0, $0x14, v4;
	[tilespmem:s30+$0x1020] =	vst v1;
	v1 =	vcvt.f32.s32 v11;
	v11 =	vld.idx.msk [tilespmem:v3+s14+$0x0], $0xffff  }
0x173: {  	v9 =	vcvt.f32.s32 v9;
	v7 =	vmul.f32 v12, v0;
	v6 =	vld.idx.msk [tilespmem:v6+s14+$0x0], $0xffff;
	vm0 =	vlt.s32 v5, $0x14  }
0x174: {  	v12 =	vld [tilespmem:s31+$0x1010];
	v3 =	vmul.f32 v10, v0;
	vm1 =	vlt.s32 v1, $0x14;
	v5 =	vnsel vm0, $0x14, v5  }
0x175: {  	v8 =	vmul.f32 v8, v0;
	v10 =	vld [tilespmem:s30+$0x1060];
	v7 =	vtrunc.f32 v7;
	v1 =	vnsel vm1, $0x14, v1  }
0x176: {  	v7 =	vcvt.f32.s32 v7;
	v3 =	vtrunc.f32 v3;
	[tilespmem:s29+$0x1070] =	vst v2;
	v2 =	vld [tilespmem:s29+$0x1460]  }
0x177: {  	v8 =	vtrunc.f32 v8;
	v15 =	vcvt.f32.s32 v3;
	v4 =	vld.idx.msk [tilespmem:v4+s14+$0x0], $0xffff;
	[tilespmem:s28+$0x1440] =	vst v11  }
0x178: {  	vm0 =	vlt.s32 v7, $0x14;
	[tilespmem:s30+$0x1030] =	vst v6;
	v6 =	vcvt.f32.s32 v8;
	v8 =	vmul.f32 v14, v0;
	v14 =	vld [tilespmem:s29+$0x1430]  }
0x179: {  	v13 =	vmul.f32 v13, v0;
	v7 =	vnsel vm0, $0x14, v7;
	vm1 =	vlt.s32 v15, $0x14;
	v5 =	vld.idx.msk [tilespmem:v5+s14+$0x0], $0xffff  }
0x17a: {  	v12 =	vmul.f32 v12, v0;
	vm0 =	vlt.s32 v9, $0x14;
	v11 =	vnsel vm1, $0x14, v15;
	v1 =	vld.idx.msk [tilespmem:v1+s14+$0x0], $0xffff  }
0x17b: {  	v10 =	vmul.f32 v10, v0;
	v9 =	vnsel vm0, $0x14, v9;
	v15 =	vld [tilespmem:s31+$0x1020];
	v8 =	vtrunc.f32 v8  }
0x17c: {  	v3 =	vld [tilespmem:s29+$0x1450];
	v12 =	vtrunc.f32 v12;
	vm1 =	vlt.s32 v6, $0x14;
	[tilespmem:s29+$0x1400] =	vst v4;
	v4 =	vcvt.f32.s32 v8  }
0x17d: {  	v6 =	vnsel vm1, $0x14, v6;
	v8 =	vcvt.f32.s32 v12;
	v12 =	vtrunc.f32 v13;
	v13 =	vld [tilespmem:s30+$0x1070]  }
0x17e: {  	v10 =	vtrunc.f32 v10;
	v7 =	vld.idx.msk [tilespmem:v7+s14+$0x0], $0xffff;
	vm0 =	vlt.s32 v4, $0x14;
	[tilespmem:s28+$0x1450] =	vst v5  }
0x17f: {  	vm1 =	vlt.s32 v8, $0x14;
	v11 =	vld.idx.msk [tilespmem:v11+s14+$0x0], $0xffff;
	v5 =	vcvt.f32.s32 v12;
	[tilespmem:s30+$0x1040] =	vst v1;
	v1 =	vcvt.f32.s32 v10  }
0x180: {  	v4 =	vnsel vm0, $0x14, v4;
	v10 =	vmul.f32 v14, v0;
	v12 =	vmul.f32 v15, v0;
	v14 =	vld [tilespmem:s29+$0x1440]  }
0x181: {  	v8 =	vnsel vm1, $0x14, v8;
	v9 =	vld.idx.msk [tilespmem:v9+s14+$0x0], $0xffff;
	vm0 =	vlt.s32 v5, $0x14  }
0x182: {  	v6 =	vld.idx.msk [tilespmem:v6+s14+$0x0], $0xffff;
	vm1 =	vlt.s32 v1, $0x14;
	v10 =	vtrunc.f32 v10;
	v12 =	vtrunc.f32 v12  }
0x183: {  	v15 =	vld [tilespmem:s31+$0x1030];
	v5 =	vnsel vm0, $0x14, v5;
	v62 =	vnsel vm1, $0x14, v1;
	v1 =	vcvt.f32.s32 v10  }
0x184: {  	[tilespmem:s29+$0x1410] =	vst v7;
	v7 =	vcvt.f32.s32 v12;
	v10 =	vmul.f32 v13, v0;
	v13 =	vld [tilespmem:s30+$0x1400]  }
0x185: {  	[tilespmem:s31+$0x1000] =	vst v11;
	v4 =	vld.idx.msk [tilespmem:v4+s14+$0x0], $0xffff;
	vm0 =	vlt.s32 v1, $0x14  }
0x186: {  	vm1 =	vlt.s32 v7, $0x14;
	v11 =	vld.idx.msk [tilespmem:v8+s14+$0x0], $0xffff;
	v12 =	vnsel vm0, $0x14, v1;
	[tilespmem:s28+$0x1460] =	vst v9;
	v8 =	vtrunc.f32 v10  }
0x187: {  	v63 =	vnsel vm1, $0x14, v7;
	v9 =	vmul.f32 v14, v0;
	[tilespmem:s30+$0x1050] =	vst v6;
	v8 =	vcvt.f32.s32 v8;
	v6 =	vld [tilespmem:s30+$0x1410]  }
0x188: {  	v10 =	vmul.f32 v15, v0;
	v1 =	vld.idx.msk [tilespmem:v5+s14+$0x0], $0xffff  }
0x189: {  	v7 =	vld.idx.msk [tilespmem:v62+s14+$0x0], $0xffff;
	v5 =	vtrunc.f32 v9;
	vm0 =	vlt.s32 v8, $0x14  }
0x18a: {  	v9 =	vld [tilespmem:s31+$0x1040];
	v10 =	vtrunc.f32 v10;
	v5 =	vcvt.f32.s32 v5;
	[tilespmem:s29+$0x1420] =	vst v4;
	v8 =	vnsel vm0, $0x14, v8  }
0x18b: {  	s15 =	simm.s32 $0x400;
	s1 =	simm.s32 $0x200;
	[tilespmem:s31+$0x1010] =	vst v11;
	v4 =	vld.idx.msk [tilespmem:v12+s14+$0x0], $0xffff;
	v12 =	vcvt.f32.s32 v10;
	v10 =	vmul.f32 v13, v0  }
0x18c: {  	s2 =	sand.u32 $0x3800, s15;
	s0 =	simm.s32 $0x500;
	s15 =	sand.u32 $0x380, s1;
	vm0 =	vlt.s32 v5, $0x14;
	v11 =	vld.idx.msk [tilespmem:v63+s14+$0x0], $0xffff  }
.LBB2_4:
0x18d: {  	p0 =	sne.s32 s0, $0x2F00;
	s2 =	sor.u32 s15, s2;
	vm1 =	vlt.s32 v12, $0x14;
	v13 =	vld [tilespmem:s31+$0x1050];
	v10 =	vtrunc.f32 v10;
	v5 =	vnsel vm0, $0x14, v5;
	[tilespmem:s28+$0x1470] =	vst v1;
	s28 =	smov.u32 s29  }
0x18e: {  	v3 =	vmul.f32 v3, v0;
	s29 =	smov.u32 s30;
	v1 =	vld [tilespmem:s2+$0x1000];
	v12 =	vnsel vm1, $0x14, v12;
	[tilespmem:s30+$0x1060] =	vst v7;
	v7 =	vcvt.f32.s32 v10;
	s30 =	smov.u32 s31;
	s31 =	smov.u32 s2  }
0x18f: {  	v9 =	vmul.f32 v9, v0;
	v8 =	vld.idx.msk [tilespmem:v8+s14+$0x0], $0xffff  }
0x190: {  	v10 =	vmul.f32 v2, v0;
	v3 =	vtrunc.f32 v3;
	vm0 =	vlt.s32 v7, $0x14;
	v2 =	vld [tilespmem:s28+$0x1470]  }
0x191: {  	v3 =	vcvt.f32.s32 v3;
	v9 =	vtrunc.f32 v9;
	v7 =	vnsel vm0, $0x14, v7;
	v14 =	vld [tilespmem:s29+$0x1420];
	[tilespmem:s28+$0x1430] =	vst v4  }
0x192: {  	v6 =	vmul.f32 v6, v0;
	[tilespmem:s30+$0x1020] =	vst v11;
	v4 =	vcvt.f32.s32 v9;
	v5 =	vld.idx.msk [tilespmem:v5+s14+$0x0], $0xffff  }
0x193: {  	v11 =	vmul.f32 v13, v0;
	vm0 =	vlt.s32 v3, $0x14;
	v1 =	vmul.f32 v1, v0;
	v9 =	vld.idx.msk [tilespmem:v12+s14+$0x0], $0xffff  }
0x194: {  	v6 =	vtrunc.f32 v6;
	v13 =	vnsel vm0, $0x14, v3;
	vm1 =	vlt.s32 v4, $0x14;
	v12 =	vld [tilespmem:s30+$0x1060]  }
0x195: {  	v3 =	vcvt.f32.s32 v6;
	v1 =	vtrunc.f32 v1;
	v15 =	vld [tilespmem:s31+$0x1010];
	v4 =	vnsel vm1, $0x14, v4;
	[tilespmem:s29+$0x1070] =	vst v8  }
0x196: {  	v1 =	vcvt.f32.s32 v1;
	v6 =	vld.idx.msk [tilespmem:v7+s14+$0x0], $0xffff;
	v7 =	vmul.f32 v2, v0  }
0x197: {  	v10 =	vtrunc.f32 v10;
	v8 =	vtrunc.f32 v11;
	vm0 =	vlt.s32 v3, $0x14;
	v2 =	vld [tilespmem:s29+$0x1460]  }
0x198: {  	v11 =	vnsel vm0, $0x14, v3;
	vm1 =	vlt.s32 v1, $0x14;
	v3 =	vld [tilespmem:s29+$0x1450];
	[tilespmem:s28+$0x1440] =	vst v5;
	v5 =	vcvt.f32.s32 v10  }
0x199: {  	v8 =	vcvt.f32.s32 v8;
	v1 =	vnsel vm1, $0x14, v1;
	[tilespmem:s30+$0x1030] =	vst v9;
	v9 =	vmul.f32 v14, v0;
	v10 =	vld.idx.msk [tilespmem:v13+s14+$0x0], $0xffff  }
0x19a: {  	v12 =	vmul.f32 v12, v0;
	v13 =	vmul.f32 v15, v0;
	v4 =	vld.idx.msk [tilespmem:v4+s14+$0x0], $0xffff;
	vm0 =	vlt.s32 v5, $0x14  }
0x19b: {  	vm1 =	vlt.s32 v8, $0x14;
	v9 =	vtrunc.f32 v9;
	v14 =	vld [tilespmem:s29+$0x1430];
	v5 =	vnsel vm0, $0x14, v5  }
0x19c: {  	v8 =	vnsel vm1, $0x14, v8;
	v13 =	vtrunc.f32 v13;
	v15 =	vld [tilespmem:s31+$0x1020];
	[tilespmem:s29+$0x1400] =	vst v6;
	v6 =	vcvt.f32.s32 v9  }
0x19d: {  	v9 =	vcvt.f32.s32 v13;
	v11 =	vld.idx.msk [tilespmem:v11+s14+$0x0], $0xffff  }
0x19e: {  	v7 =	vtrunc.f32 v7;
	v12 =	vtrunc.f32 v12;
	v1 =	vld.idx.msk [tilespmem:v1+s14+$0x0], $0xffff;
	vm0 =	vlt.s32 v6, $0x14  }
0x19f: {  	v7 =	vcvt.f32.s32 v7;
	vm1 =	vlt.s32 v9, $0x14;
	v13 =	vld [tilespmem:s30+$0x1070];
	v6 =	vnsel vm0, $0x14, v6;
	[tilespmem:s28+$0x1450] =	vst v10  }
0x1a0: {  	v9 =	vnsel vm1, $0x14, v9;
	[tilespmem:s30+$0x1040] =	vst v4;
	v4 =	vcvt.f32.s32 v12;
	v10 =	vmul.f32 v14, v0;
	v5 =	vld.idx.msk [tilespmem:v5+s14+$0x0], $0xffff  }
0x1a1: {  	vm0 =	vlt.s32 v7, $0x14;
	v12 =	vmul.f32 v15, v0;
	v8 =	vld.idx.msk [tilespmem:v8+s14+$0x0], $0xffff  }
0x1a2: {  	v7 =	vnsel vm0, $0x14, v7;
	vm1 =	vlt.s32 v4, $0x14;
	v10 =	vtrunc.f32 v10;
	v14 =	vld [tilespmem:s29+$0x1440]  }
0x1a3: {  	v12 =	vtrunc.f32 v12;
	v15 =	vld [tilespmem:s31+$0x1030];
	v4 =	vnsel vm1, $0x14, v4;
	[tilespmem:s29+$0x1410] =	vst v11;
	v10 =	vcvt.f32.s32 v10  }
0x1a4: {  	[tilespmem:s31+$0x1000] =	vst v1;
	v1 =	vcvt.f32.s32 v12;
	v11 =	vmul.f32 v13, v0;
	v12 =	vld.idx.msk [tilespmem:v6+s14+$0x0], $0xffff  }
0x1a5: {  	v13 =	vld.idx.msk [tilespmem:v9+s14+$0x0], $0xffff;
	vm0 =	vlt.s32 v10, $0x14  }
0x1a6: {  	vm1 =	vlt.s32 v1, $0x14;
	v6 =	vtrunc.f32 v11;
	v11 =	vld [tilespmem:s30+$0x1400];
	v16 =	vnsel vm0, $0x14, v10;
	[tilespmem:s28+$0x1460] =	vst v5  }
0x1a7: {  	v17 =	vnsel vm1, $0x14, v1;
	[tilespmem:s30+$0x1050] =	vst v8;
	v5 =	vcvt.f32.s32 v6;
	v8 =	vmul.f32 v14, v0;
	v1 =	vld.idx.msk [tilespmem:v7+s14+$0x0], $0xffff  }
.Ltmp1:
0x1a8: {  	v9 =	vmul.f32 v15, v0;
	v7 =	vld.idx.msk [tilespmem:v4+s14+$0x0], $0xffff;
	(pc) =	sbr.rel @p0 .LBB2_4-.Ltmp1, $4  }
0x1a9: {  	vm0 =	vlt.s32 v5, $0x14;
	v6 =	vld [tilespmem:s30+$0x1410];
	v4 =	vtrunc.f32 v8  }
0x1aa: {  	v10 =	vtrunc.f32 v9;
	v9 =	vld [tilespmem:s31+$0x1040];
	v8 =	vnsel vm0, $0x14, v5;
	[tilespmem:s29+$0x1420] =	vst v12;
	v5 =	vcvt.f32.s32 v4  }
0x1ab: {  	s1 =	sadd.s32 $0x80, s1;
	[tilespmem:s31+$0x1010] =	vst v13;
	v12 =	vcvt.f32.s32 v10;
	v10 =	vmul.f32 v11, v0;
	v4 =	vld.idx.msk [tilespmem:v16+s14+$0x0], $0xffff  }
0x1ac: {  	s2 =	sand.u32 $0x3800, s0;
	s15 =	sand.u32 $0x380, s1;
	s0 =	sadd.s32 $0x100, s0;
	v11 =	vld.idx.msk [tilespmem:v17+s14+$0x0], $0xffff;
	vm0 =	vlt.s32 v5, $0x14  }
0x1ad: {  	s1 =	sor.u32 s15, s2  }
0x1ae: {  	v13 =	vld [tilespmem:s1+$0x1000];
	_ =	sdelay $0x4  }
0x1af: {  	v13 =	vmul.f32 v13, v0  }
0x1b0: {  	v14 =	vld [tilespmem:s1+$0x1010]  }
0x1b1: {  	v13 =	vtrunc.f32 v13  }
0x1b2: {  	v13 =	vcvt.f32.s32 v13;
	_ =	sdelay $0x1  }
0x1b3: {  	vm1 =	vlt.s32 v13, $0x14  }
0x1b4: {  	v14 =	vmul.f32 v14, v0;
	v13 =	vnsel vm1, $0x14, v13  }
0x1b5: {  	v15 =	vld [tilespmem:s1+$0x1020]  }
0x1b6: {  	v14 =	vtrunc.f32 v14  }
0x1b7: {  	v14 =	vcvt.f32.s32 v14;
	_ =	sdelay $0x1  }
0x1b8: {  	vm1 =	vlt.s32 v14, $0x14;
	v13 =	vld.idx.msk [tilespmem:v13+s14+$0x0], $0xffff  }
0x1b9: {  	v15 =	vmul.f32 v15, v0;
	v14 =	vnsel vm1, $0x14, v14  }
0x1ba: {  	v16 =	vld [tilespmem:s1+$0x1030]  }
0x1bb: {  	v15 =	vtrunc.f32 v15  }
0x1bc: {  	v15 =	vcvt.f32.s32 v15  }
0x1bd: {  	[tilespmem:s1+$0x1000] =	vst v13  }
0x1be: {  	vm1 =	vlt.s32 v15, $0x14;
	v13 =	vld.idx.msk [tilespmem:v14+s14+$0x0], $0xffff  }
0x1bf: {  	v14 =	vnsel vm1, $0x14, v15;
	v15 =	vmul.f32 v16, v0  }
0x1c0: {  	v51 =	vld [tilespmem:s1+$0x1040]  }
0x1c1: {  	v15 =	vtrunc.f32 v15  }
0x1c2: {  	vm1 =	vlt.s32 v12, $0x14;
	v15 =	vcvt.f32.s32 v15  }
0x1c3: {  	v17 =	vld [tilespmem:s31+$0x1050];
	v9 =	vmul.f32 v9, v0;
	v12 =	vnsel vm1, $0x14, v12;
	[tilespmem:s1+$0x1010] =	vst v13  }
0x1c4: {  	vm1 =	vlt.s32 v15, $0x14;
	v13 =	vld.idx.msk [tilespmem:v14+s14+$0x0], $0xffff  }
0x1c5: {  	v9 =	vtrunc.f32 v9;
	v14 =	vnsel vm1, $0x14, v15;
	v15 =	vmul.f32 v51, v0  }
0x1c6: {  	v52 =	vld [tilespmem:s1+$0x1050];
	v9 =	vcvt.f32.s32 v9  }
0x1c7: {  	[tilespmem:s31+$0x1020] =	vst v11;
	v11 =	vtrunc.f32 v15  }
0x1c8: {  	v12 =	vld.idx.msk [tilespmem:v12+s14+$0x0], $0xffff;
	vm1 =	vlt.s32 v9, $0x14;
	v11 =	vcvt.f32.s32 v11  }
0x1c9: {  	v53 =	vld [tilespmem:s31+$0x1060];
	v9 =	vnsel vm1, $0x14, v9;
	v15 =	vmul.f32 v17, v0;
	[tilespmem:s1+$0x1020] =	vst v13  }
0x1ca: {  	vm1 =	vlt.s32 v11, $0x14;
	v13 =	vld.idx.msk [tilespmem:v14+s14+$0x0], $0xffff  }
0x1cb: {  	v14 =	vtrunc.f32 v15;
	v15 =	vmul.f32 v52, v0;
	v11 =	vnsel vm1, $0x14, v11  }
0x1cc: {  	v54 =	vld [tilespmem:s1+$0x1060];
	v14 =	vcvt.f32.s32 v14  }
0x1cd: {  	[tilespmem:s31+$0x1030] =	vst v12;
	v12 =	vtrunc.f32 v15  }
0x1ce: {  	v9 =	vld.idx.msk [tilespmem:v9+s14+$0x0], $0xffff;
	vm1 =	vlt.s32 v14, $0x14;
	v12 =	vcvt.f32.s32 v12  }
0x1cf: {  	v10 =	vtrunc.f32 v10;
	v55 =	vld [tilespmem:s31+$0x1070];
	v15 =	vmul.f32 v53, v0;
	v14 =	vnsel vm1, $0x14, v14;
	[tilespmem:s1+$0x1030] =	vst v13  }
0x1d0: {  	[tilespmem:s30+$0x1060] =	vst v7;
	v7 =	vcvt.f32.s32 v10;
	vm1 =	vlt.s32 v12, $0x14;
	v10 =	vld.idx.msk [tilespmem:v11+s14+$0x0], $0xffff  }
0x1d1: {  	v13 =	vmul.f32 v54, v0;
	v11 =	vtrunc.f32 v15;
	v12 =	vnsel vm1, $0x14, v12  }
0x1d2: {  	v15 =	vld [tilespmem:s1+$0x1070];
	v11 =	vcvt.f32.s32 v11  }
0x1d3: {  	v8 =	vld.idx.msk [tilespmem:v8+s14+$0x0], $0xffff;
	[tilespmem:s31+$0x1040] =	vst v9;
	vm1 =	vlt.s32 v7, $0x14;
	v9 =	vtrunc.f32 v13  }
0x1d4: {  	v7 =	vnsel vm1, $0x14, v7;
	v9 =	vcvt.f32.s32 v9;
	v13 =	vld.idx.msk [tilespmem:v14+s14+$0x0], $0xffff;
	vm1 =	vlt.s32 v11, $0x14  }
0x1d5: {  	v14 =	vmul.f32 v55, v0;
	v11 =	vnsel vm1, $0x14, v11;
	[tilespmem:s1+$0x1040] =	vst v10  }
0x1d6: {  	vm1 =	vlt.s32 v9, $0x14;
	v10 =	vld.idx.msk [tilespmem:v12+s14+$0x0], $0xffff  }
0x1d7: {  	v57 =	vld [tilespmem:s31+$0x1400];
	v14 =	vtrunc.f32 v14;
	v9 =	vnsel vm1, $0x14, v9;
	v15 =	vmul.f32 v15, v0  }
0x1d8: {  	[tilespmem:s30+$0x1070] =	vst v8;
	v8 =	vcvt.f32.s32 v14;
	v14 =	vld [tilespmem:s1+$0x1400]  }
0x1d9: {  	v56 =	vld [tilespmem:s29+$0x1470];
	[tilespmem:s31+$0x1050] =	vst v13;
	v13 =	vtrunc.f32 v15  }
0x1da: {  	v6 =	vmul.f32 v6, v0;
	vm1 =	vlt.s32 v8, $0x14;
	v11 =	vld.idx.msk [tilespmem:v11+s14+$0x0], $0xffff;
	v13 =	vcvt.f32.s32 v13  }
0x1db: {  	v19 =	vld [tilespmem:s30+$0x1450];
	v8 =	vnsel vm1, $0x14, v8;
	[tilespmem:s1+$0x1050] =	vst v10  }
0x1dc: {  	v17 =	vmul.f32 v57, v0;
	v15 =	vtrunc.f32 v6;
	vm1 =	vlt.s32 v13, $0x14;
	v9 =	vld.idx.msk [tilespmem:v9+s14+$0x0], $0xffff  }
0x1dd: {  	v10 =	vcvt.f32.s32 v15;
	v15 =	vld [tilespmem:s31+$0x1410];
	v14 =	vmul.f32 v14, v0;
	v13 =	vnsel vm1, $0x14, v13  }
0x1de: {  	v18 =	vld [tilespmem:s1+$0x1410];
	v17 =	vtrunc.f32 v17  }
0x1df: {  	v17 =	vcvt.f32.s32 v17;
	v7 =	vld.idx.msk [tilespmem:v7+s14+$0x0], $0xffff;
	[tilespmem:s31+$0x1060] =	vst v11;
	v11 =	vtrunc.f32 v14  }
0x1e0: {  	v3 =	vmul.f32 v3, v0;
	vm1 =	vlt.s32 v10, $0x14;
	v8 =	vld.idx.msk [tilespmem:v8+s14+$0x0], $0xffff;
	v11 =	vcvt.f32.s32 v11  }
0x1e1: {  	v2 =	vmul.f32 v2, v0;
	v12 =	vld [tilespmem:s30+$0x1420];
	v10 =	vnsel vm1, $0x14, v10;
	vm1 =	vlt.s32 v17, $0x14;
	[tilespmem:s1+$0x1060] =	vst v9  }
0x1e2: {  	v17 =	vnsel vm1, $0x14, v17;
	v9 =	vmul.f32 v15, v0;
	vm1 =	vlt.s32 v11, $0x14;
	v13 =	vld.idx.msk [tilespmem:v13+s14+$0x0], $0xffff  }
0x1e3: {  	v3 =	vtrunc.f32 v3;
	v18 =	vmul.f32 v18, v0;
	v15 =	vld [tilespmem:s31+$0x1420];
	v11 =	vnsel vm1, $0x14, v11  }
0x1e4: {  	v2 =	vtrunc.f32 v2;
	[tilespmem:s30+$0x1400] =	vst v7;
	v7 =	vtrunc.f32 v9;
	v9 =	vld [tilespmem:s1+$0x1420]  }
0x1e5: {  	v20 =	vld [tilespmem:s1+$0x1430];
	[tilespmem:s31+$0x1070] =	vst v8;
	v7 =	vcvt.f32.s32 v7;
	v8 =	vtrunc.f32 v18  }
0x1e6: {  	v3 =	vcvt.f32.s32 v3;
	v14 =	vld [tilespmem:s30+$0x1430];
	v8 =	vcvt.f32.s32 v8  }
0x1e7: {  	v2 =	vcvt.f32.s32 v2;
	v12 =	vmul.f32 v12, v0;
	v17 =	vld.idx.msk [tilespmem:v17+s14+$0x0], $0xffff;
	vm1 =	vlt.s32 v7, $0x14;
	[tilespmem:s1+$0x1070] =	vst v13  }
0x1e8: {  	v7 =	vnsel vm1, $0x14, v7;
	v13 =	vmul.f32 v15, v0;
	vm1 =	vlt.s32 v8, $0x14;
	v11 =	vld.idx.msk [tilespmem:v11+s14+$0x0], $0xffff  }
0x1e9: {  	v12 =	vtrunc.f32 v12;
	v15 =	vld [tilespmem:s31+$0x1430];
	v8 =	vnsel vm1, $0x14, v8;
	v9 =	vmul.f32 v9, v0  }
0x1ea: {  	v60 =	vld [tilespmem:s1+$0x1460];
	v12 =	vcvt.f32.s32 v12;
	v13 =	vtrunc.f32 v13  }
0x1eb: {  	v59 =	vld [tilespmem:s30+$0x1440];
	v13 =	vcvt.f32.s32 v13;
	v9 =	vtrunc.f32 v9  }
0x1ec: {  	v20 =	vmul.f32 v20, v0;
	v10 =	vld.idx.msk [tilespmem:v10+s14+$0x0], $0xffff;
	vm1 =	vlt.s32 v12, $0x14;
	[tilespmem:s31+$0x1400] =	vst v17;
	v9 =	vcvt.f32.s32 v9  }
0x1ed: {  	v14 =	vmul.f32 v14, v0;
	v12 =	vnsel vm1, $0x14, v12;
	v7 =	vld.idx.msk [tilespmem:v7+s14+$0x0], $0xffff;
	vm1 =	vlt.s32 v13, $0x14;
	[tilespmem:s1+$0x1400] =	vst v11  }
0x1ee: {  	v11 =	vnsel vm1, $0x14, v13;
	v13 =	vmul.f32 v15, v0;
	vm1 =	vlt.s32 v9, $0x14;
	v8 =	vld.idx.msk [tilespmem:v8+s14+$0x0], $0xffff  }
0x1ef: {  	v61 =	vmul.f32 v60, v0;
	v14 =	vtrunc.f32 v14;
	v15 =	vld [tilespmem:s31+$0x1440];
	v9 =	vnsel vm1, $0x14, v9  }
0x1f0: {  	v22 =	vld [tilespmem:s1+$0x1440];
	v14 =	vcvt.f32.s32 v14;
	v13 =	vtrunc.f32 v13  }
0x1f1: {  	v5 =	vnsel vm0, $0x14, v5;
	v6 =	vld [tilespmem:s30+$0x1460];
	[tilespmem:s30+$0x1410] =	vst v10;
	v10 =	vcvt.f32.s32 v13;
	v13 =	vtrunc.f32 v20  }
0x1f2: {  	v16 =	vmul.f32 v56, v0;
	vm0 =	vlt.s32 v14, $0x14;
	[tilespmem:s31+$0x1410] =	vst v7;
	v7 =	vld.idx.msk [tilespmem:v12+s14+$0x0], $0xffff;
	v12 =	vcvt.f32.s32 v13  }
0x1f3: {  	v13 =	vmul.f32 v59, v0;
	v11 =	vld.idx.msk [tilespmem:v11+s14+$0x0], $0xffff;
	[tilespmem:s1+$0x1410] =	vst v8;
	v8 =	vnsel vm0, $0x14, v14;
	vm0 =	vlt.s32 v10, $0x14  }
0x1f4: {  	v14 =	vmul.f32 v15, v0;
	v10 =	vnsel vm0, $0x14, v10;
	v9 =	vld.idx.msk [tilespmem:v9+s14+$0x0], $0xffff;
	vm0 =	vlt.s32 v12, $0x14  }
0x1f5: {  	v21 =	vld [tilespmem:s31+$0x1450];
	v13 =	vtrunc.f32 v13;
	v15 =	vmul.f32 v22, v0;
	v12 =	vnsel vm0, $0x14, v12  }
0x1f6: {  	[tilespmem:s29+$0x1430] =	vst v4;
	v4 =	vcvt.f32.s32 v13;
	v13 =	vtrunc.f32 v14;
	v14 =	vld [tilespmem:s1+$0x1450]  }
0x1f7: {  	[tilespmem:s30+$0x1420] =	vst v7;
	v7 =	vcvt.f32.s32 v13;
	v13 =	vtrunc.f32 v15  }
0x1f8: {  	v6 =	vmul.f32 v6, v0;
	vm0 =	vlt.s32 v4, $0x14;
	[tilespmem:s31+$0x1420] =	vst v11;
	v11 =	vcvt.f32.s32 v13;
	v8 =	vld.idx.msk [tilespmem:v8+s14+$0x0], $0xffff  }
0x1f9: {  	v4 =	vnsel vm0, $0x14, v4;
	v13 =	vmul.f32 v19, v0;
	vm0 =	vlt.s32 v7, $0x14;
	v10 =	vld.idx.msk [tilespmem:v10+s14+$0x0], $0xffff;
	[tilespmem:s1+$0x1420] =	vst v9  }
0x1fa: {  	v7 =	vnsel vm0, $0x14, v7;
	v9 =	vmul.f32 v21, v0;
	vm0 =	vlt.s32 v11, $0x14;
	v12 =	vld.idx.msk [tilespmem:v12+s14+$0x0], $0xffff  }
0x1fb: {  	v58 =	vld [tilespmem:s31+$0x1460];
	v13 =	vtrunc.f32 v13;
	v11 =	vnsel vm0, $0x14, v11;
	v14 =	vmul.f32 v14, v0  }
0x1fc: {  	v5 =	vld.idx.msk [tilespmem:v5+s14+$0x0], $0xffff;
	v13 =	vcvt.f32.s32 v13;
	v9 =	vtrunc.f32 v9  }
0x1fd: {  	v15 =	vld [tilespmem:s30+$0x1470];
	vm0 =	vlt.s32 v3, $0x14;
	v9 =	vcvt.f32.s32 v9;
	v14 =	vtrunc.f32 v14;
	[tilespmem:s30+$0x1430] =	vst v8  }
0x1fe: {  	v3 =	vnsel vm0, $0x14, v3;
	vm0 =	vlt.s32 v13, $0x14;
	v14 =	vcvt.f32.s32 v14;
	[tilespmem:s31+$0x1430] =	vst v10;
	v4 =	vld.idx.msk [tilespmem:v4+s14+$0x0], $0xffff  }
0x1ff: {  	v6 =	vtrunc.f32 v6;
	[tilespmem:s1+$0x1430] =	vst v12;
	v12 =	vnsel vm0, $0x14, v13;
	v7 =	vld.idx.msk [tilespmem:v7+s14+$0x0], $0xffff;
	vm0 =	vlt.s32 v9, $0x14  }
0x200: {  	v13 =	vmul.f32 v58, v0;
	v9 =	vnsel vm0, $0x14, v9;
	v11 =	vld.idx.msk [tilespmem:v11+s14+$0x0], $0xffff;
	vm0 =	vlt.s32 v14, $0x14  }
0x201: {  	[tilespmem:s29+$0x1440] =	vst v5;
	v5 =	vcvt.f32.s32 v6;
	v8 =	vld [tilespmem:s31+$0x1470];
	v10 =	vtrunc.f32 v16;
	v14 =	vnsel vm0, $0x14, v14  }
0x202: {  	v10 =	vcvt.f32.s32 v10;
	v6 =	vtrunc.f32 v13;
	v13 =	vld [tilespmem:s1+$0x1470]  }
0x203: {  	v3 =	vld.idx.msk [tilespmem:v3+s14+$0x0], $0xffff;
	vm0 =	vlt.s32 v2, $0x14;
	[tilespmem:s30+$0x1440] =	vst v4;
	v4 =	vcvt.f32.s32 v6;
	v6 =	vtrunc.f32 v61  }
0x204: {  	v2 =	vnsel vm0, $0x14, v2;
	vm0 =	vlt.s32 v5, $0x14;
	v12 =	vld.idx.msk [tilespmem:v12+s14+$0x0], $0xffff;
	[tilespmem:s31+$0x1440] =	vst v7;
	v6 =	vcvt.f32.s32 v6  }
0x205: {  	v5 =	vnsel vm0, $0x14, v5;
	v7 =	vmul.f32 v15, v0;
	v9 =	vld.idx.msk [tilespmem:v9+s14+$0x0], $0xffff;
	vm0 =	vlt.s32 v4, $0x14;
	[tilespmem:s1+$0x1440] =	vst v11  }
0x206: {  	v8 =	vmul.f32 v8, v0;
	v4 =	vnsel vm0, $0x14, v4;
	v11 =	vld.idx.msk [tilespmem:v14+s14+$0x0], $0xffff;
	vm0 =	vlt.s32 v6, $0x14  }
0x207: {  	v7 =	vtrunc.f32 v7;
	v13 =	vmul.f32 v13, v0;
	v6 =	vnsel vm0, $0x14, v6  }
0x208: {  	[tilespmem:s29+$0x1450] =	vst v3;
	v3 =	vcvt.f32.s32 v7;
	v7 =	vtrunc.f32 v8  }
0x209: {  	v2 =	vld.idx.msk [tilespmem:v2+s14+$0x0], $0xffff;
	vm0 =	vlt.s32 v10, $0x14;
	v7 =	vcvt.f32.s32 v7;
	v8 =	vtrunc.f32 v13;
	[tilespmem:s30+$0x1450] =	vst v12  }
0x20a: {  	v10 =	vnsel vm0, $0x14, v10;
	vm0 =	vlt.s32 v3, $0x14;
	v8 =	vcvt.f32.s32 v8;
	v5 =	vld.idx.msk [tilespmem:v5+s14+$0x0], $0xffff;
	[tilespmem:s31+$0x1450] =	vst v9  }
0x20b: {  	v3 =	vnsel vm0, $0x14, v3;
	vm0 =	vlt.s32 v7, $0x14;
	v4 =	vld.idx.msk [tilespmem:v4+s14+$0x0], $0xffff;
	[tilespmem:s1+$0x1450] =	vst v11  }
0x20c: {  	v7 =	vnsel vm0, $0x14, v7;
	vm0 =	vlt.s32 v8, $0x14;
	v6 =	vld.idx.msk [tilespmem:v6+s14+$0x0], $0xffff  }
0x20d: {  	v8 =	vnsel vm0, $0x14, v8  }
0x20e: {  	[tilespmem:s29+$0x1460] =	vst v2  }
0x20f: {  	v2 =	vld.idx.msk [tilespmem:v10+s14+$0x0], $0xffff;
	[tilespmem:s30+$0x1460] =	vst v5  }
0x210: {  	v3 =	vld.idx.msk [tilespmem:v3+s14+$0x0], $0xffff;
	[tilespmem:s31+$0x1460] =	vst v4  }
0x211: {  	v4 =	vld.idx.msk [tilespmem:v7+s14+$0x0], $0xffff;
	[tilespmem:s1+$0x1460] =	vst v6  }
0x212: {  	v5 =	vld.idx.msk [tilespmem:v8+s14+$0x0], $0xffff  }
0x213: {  	[tilespmem:s28+$0x1470] =	vst v1  }
0x214: {  	[tilespmem:s29+$0x1470] =	vst v2  }
0x215: {  	[tilespmem:s30+$0x1470] =	vst v3  }
0x216: {  	[tilespmem:s31+$0x1470] =	vst v4  }
0x217: {  	s0 =	simm.s32 $0x0;
	s2 =	simm.s32 $0x1000;
	[tilespmem:s1+$0x1470] =	vst v5  }
0x218: {  	[hbm4b:s9+s0] =	stream.linear.scatter [tilespmem:s2], [sflag:$0x7], $0x3000, $0x38;
	[tilespmem:$0x8080] =	vst v63  }
0x219: {  	_ = 	snop  }
0x21a: {  	[tilespmem:s19], [sflag:$0x5] =	stream.linear.gather [hbm4b:s10+s0], $0x1000, $0x38;
	[tilespmem:$0x8080] =	vst v63  }
0x21b: {  	_ =	swait.ge [sflag:s20], $0x3000  }
0x21c: {  	s15 =	sand.u32 $0x3800, s0;
	s0 =	sand.u32 $0x380, s0;
	[sflag:s20] =	ssyncset.done $0x0  }
0x21d: {  	s28 =	sor.u32 s0, s15;
	[sflag:s20] =	ssyncadd.s32 $0xFFFFD000  }
0x21e: {  	v1 =	vld [tilespmem:s28+$0x4000];
	_ =	sdelay $0x4  }
0x21f: {  	v1 =	vmul.f32 v1, v0  }
0x220: {  	v2 =	vld [tilespmem:s28+$0x4010]  }
0x221: {  	v1 =	vtrunc.f32 v1  }
0x222: {  	v1 =	vcvt.f32.s32 v1;
	_ =	sdelay $0x1  }
0x223: {  	vm0 =	vlt.s32 v1, $0x14  }
0x224: {  	v2 =	vmul.f32 v2, v0;
	v1 =	vnsel vm0, $0x14, v1  }
0x225: {  	v3 =	vld [tilespmem:s28+$0x4020]  }
0x226: {  	v2 =	vtrunc.f32 v2  }
0x227: {  	v2 =	vcvt.f32.s32 v2;
	_ =	sdelay $0x1  }
0x228: {  	vm0 =	vlt.s32 v2, $0x14;
	v1 =	vld.idx.msk [tilespmem:v1+s14+$0x0], $0xffff  }
0x229: {  	v3 =	vmul.f32 v3, v0;
	v2 =	vnsel vm0, $0x14, v2  }
0x22a: {  	v4 =	vld [tilespmem:s28+$0x4030]  }
0x22b: {  	v3 =	vtrunc.f32 v3  }
0x22c: {  	v3 =	vcvt.f32.s32 v3  }
0x22d: {  	[tilespmem:s28+$0x4000] =	vst v1  }
0x22e: {  	vm0 =	vlt.s32 v3, $0x14;
	v1 =	vld.idx.msk [tilespmem:v2+s14+$0x0], $0xffff  }
0x22f: {  	s2 =	simm.s32 $0x100;
	s15 =	simm.s32 $0x80;
	v2 =	vnsel vm0, $0x14, v3;
	v3 =	vmul.f32 v4, v0  }
0x230: {  	s0 =	sand.u32 $0x3800, s2;
	s1 =	sand.u32 $0x380, s15;
	v4 =	vld [tilespmem:s28+$0x4040]  }
0x231: {  	s29 =	sor.u32 s1, s0;
	v3 =	vtrunc.f32 v3  }
0x232: {  	v5 =	vld [tilespmem:s29+$0x4000];
	v3 =	vcvt.f32.s32 v3  }
0x233: {  	[tilespmem:s28+$0x4010] =	vst v1  }
0x234: {  	vm0 =	vlt.s32 v3, $0x14;
	v1 =	vld.idx.msk [tilespmem:v2+s14+$0x0], $0xffff  }
0x235: {  	v2 =	vnsel vm0, $0x14, v3;
	v3 =	vmul.f32 v4, v0  }
0x236: {  	v4 =	vld [tilespmem:s28+$0x4050]  }
0x237: {  	v5 =	vmul.f32 v5, v0;
	v3 =	vtrunc.f32 v3  }
0x238: {  	v6 =	vld [tilespmem:s29+$0x4010];
	v3 =	vcvt.f32.s32 v3  }
0x239: {  	v5 =	vtrunc.f32 v5;
	[tilespmem:s28+$0x4020] =	vst v1  }
0x23a: {  	v1 =	vcvt.f32.s32 v5;
	vm0 =	vlt.s32 v3, $0x14;
	v2 =	vld.idx.msk [tilespmem:v2+s14+$0x0], $0xffff  }
0x23b: {  	v4 =	vmul.f32 v4, v0;
	v3 =	vnsel vm0, $0x14, v3  }
0x23c: {  	v5 =	vld [tilespmem:s28+$0x4060];
	vm0 =	vlt.s32 v1, $0x14  }
0x23d: {  	v6 =	vmul.f32 v6, v0;
	v4 =	vtrunc.f32 v4;
	v1 =	vnsel vm0, $0x14, v1  }
0x23e: {  	v7 =	vld [tilespmem:s29+$0x4020];
	v4 =	vcvt.f32.s32 v4  }
0x23f: {  	v6 =	vtrunc.f32 v6;
	[tilespmem:s28+$0x4030] =	vst v2  }
0x240: {  	vm0 =	vlt.s32 v4, $0x14;
	v2 =	vcvt.f32.s32 v6;
	v3 =	vld.idx.msk [tilespmem:v3+s14+$0x0], $0xffff  }
0x241: {  	v5 =	vmul.f32 v5, v0;
	v4 =	vnsel vm0, $0x14, v4;
	v6 =	vld [tilespmem:s28+$0x4070]  }
0x242: {  	v1 =	vld.idx.msk [tilespmem:v1+s14+$0x0], $0xffff;
	vm0 =	vlt.s32 v2, $0x14  }
0x243: {  	v7 =	vmul.f32 v7, v0;
	v5 =	vtrunc.f32 v5;
	v2 =	vnsel vm0, $0x14, v2  }
0x244: {  	v5 =	vcvt.f32.s32 v5  }
0x245: {  	[tilespmem:s28+$0x4040] =	vst v3;
	v3 =	vtrunc.f32 v7;
	v7 =	vld [tilespmem:s29+$0x4030]  }
0x246: {  	vm0 =	vlt.s32 v5, $0x14;
	v4 =	vld.idx.msk [tilespmem:v4+s14+$0x0], $0xffff  }
0x247: {  	[tilespmem:s29+$0x4000] =	vst v1;
	v1 =	vcvt.f32.s32 v3;
	v3 =	vnsel vm0, $0x14, v5;
	v5 =	vmul.f32 v6, v0;
	v6 =	vld [tilespmem:s28+$0x4400]  }
0x248: {  	v2 =	vld.idx.msk [tilespmem:v2+s14+$0x0], $0xffff  }
0x249: {  	vm0 =	vlt.s32 v1, $0x14;
	v5 =	vtrunc.f32 v5  }
0x24a: {  	v1 =	vnsel vm0, $0x14, v1;
	v5 =	vcvt.f32.s32 v5;
	v7 =	vmul.f32 v7, v0  }
0x24b: {  	s2 =	simm.s32 $0x200;
	s15 =	simm.s32 $0x100;
	[tilespmem:s28+$0x4050] =	vst v4;
	v4 =	vld [tilespmem:s29+$0x4040]  }
0x24c: {  	s0 =	sand.u32 $0x3800, s2;
	s1 =	sand.u32 $0x380, s15;
	vm0 =	vlt.s32 v5, $0x14;
	v3 =	vld.idx.msk [tilespmem:v3+s14+$0x0], $0xffff;
	v7 =	vtrunc.f32 v7  }
0x24d: {  	v8 =	vld [tilespmem:s28+$0x4410];
	s30 =	sor.u32 s1, s0;
	v6 =	vmul.f32 v6, v0;
	v5 =	vnsel vm0, $0x14, v5;
	[tilespmem:s29+$0x4010] =	vst v2;
	v2 =	vcvt.f32.s32 v7  }
0x24e: {  	v7 =	vld [tilespmem:s30+$0x4000]  }
0x24f: {  	v6 =	vtrunc.f32 v6;
	v1 =	vld.idx.msk [tilespmem:v1+s14+$0x0], $0xffff;
	vm0 =	vlt.s32 v2, $0x14  }
0x250: {  	v9 =	vld [tilespmem:s29+$0x4050];
	v6 =	vcvt.f32.s32 v6;
	v2 =	vnsel vm0, $0x14, v2;
	v4 =	vmul.f32 v4, v0  }
0x251: {  	[tilespmem:s28+$0x4060] =	vst v3  }
0x252: {  	vm0 =	vlt.s32 v6, $0x14;
	v3 =	vld.idx.msk [tilespmem:v5+s14+$0x0], $0xffff;
	v4 =	vtrunc.f32 v4  }
0x253: {  	v5 =	vnsel vm0, $0x14, v6;
	v6 =	vmul.f32 v8, v0;
	v8 =	vld [tilespmem:s28+$0x4420];
	v4 =	vcvt.f32.s32 v4  }
0x254: {  	[tilespmem:s29+$0x4020] =	vst v1;
	v1 =	vmul.f32 v7, v0;
	v7 =	vld [tilespmem:s30+$0x4010]  }
0x255: {  	v9 =	vmul.f32 v9, v0;
	v6 =	vtrunc.f32 v6;
	v2 =	vld.idx.msk [tilespmem:v2+s14+$0x0], $0xffff;
	vm0 =	vlt.s32 v4, $0x14  }
0x256: {  	v1 =	vtrunc.f32 v1;
	v6 =	vcvt.f32.s32 v6;
	v4 =	vnsel vm0, $0x14, v4  }
0x257: {  	v10 =	vld [tilespmem:s29+$0x4060];
	v1 =	vcvt.f32.s32 v1;
	[tilespmem:s28+$0x4070] =	vst v3  }
0x258: {  	vm0 =	vlt.s32 v6, $0x14;
	v3 =	vld.idx.msk [tilespmem:v5+s14+$0x0], $0xffff;
	v5 =	vtrunc.f32 v9  }
0x259: {  	vm1 =	vlt.s32 v1, $0x14;
	v6 =	vnsel vm0, $0x14, v6;
	v7 =	vmul.f32 v7, v0  }
0x25a: {  	v1 =	vnsel vm1, $0x14, v1;
	[tilespmem:s29+$0x4030] =	vst v2;
	v2 =	vcvt.f32.s32 v5;
	v5 =	vmul.f32 v8, v0;
	v8 =	vld [tilespmem:s28+$0x4430]  }
0x25b: {  	v7 =	vtrunc.f32 v7;
	v4 =	vld.idx.msk [tilespmem:v4+s14+$0x0], $0xffff  }
0x25c: {  	v12 =	vld [tilespmem:s30+$0x4020];
	v7 =	vcvt.f32.s32 v7;
	vm0 =	vlt.s32 v2, $0x14;
	v5 =	vtrunc.f32 v5  }
0x25d: {  	v2 =	vnsel vm0, $0x14, v2;
	[tilespmem:s28+$0x4400] =	vst v3;
	v3 =	vcvt.f32.s32 v5;
	v5 =	vmul.f32 v10, v0;
	v10 =	vld [tilespmem:s29+$0x4070]  }
0x25e: {  	v6 =	vld.idx.msk [tilespmem:v6+s14+$0x0], $0xffff  }
0x25f: {  	vm1 =	vlt.s32 v7, $0x14;
	v1 =	vld.idx.msk [tilespmem:v1+s14+$0x0], $0xffff;
	vm0 =	vlt.s32 v3, $0x14;
	v5 =	vtrunc.f32 v5  }
0x260: {  	v11 =	vld [tilespmem:s28+$0x4450];
	v3 =	vnsel vm0, $0x14, v3;
	[tilespmem:s29+$0x4040] =	vst v4;
	v4 =	vcvt.f32.s32 v5;
	v5 =	vmul.f32 v8, v0  }
0x261: {  	v7 =	vnsel vm1, $0x14, v7;
	v8 =	vmul.f32 v12, v0;
	v12 =	vld [tilespmem:s28+$0x4440]  }
0x262: {  	v2 =	vld.idx.msk [tilespmem:v2+s14+$0x0], $0xffff;
	v5 =	vtrunc.f32 v5  }
0x263: {  	v13 =	vld [tilespmem:s30+$0x4030];
	vm0 =	vlt.s32 v4, $0x14;
	v8 =	vtrunc.f32 v8;
	[tilespmem:s28+$0x4410] =	vst v6;
	v5 =	vcvt.f32.s32 v5  }
0x264: {  	v4 =	vnsel vm0, $0x14, v4;
	[tilespmem:s30+$0x4000] =	vst v1;
	v1 =	vcvt.f32.s32 v8;
	v6 =	vmul.f32 v10, v0;
	v8 =	vld [tilespmem:s29+$0x4400]  }
0x265: {  	v3 =	vld.idx.msk [tilespmem:v3+s14+$0x0], $0xffff  }
0x266: {  	v7 =	vld.idx.msk [tilespmem:v7+s14+$0x0], $0xffff;
	vm0 =	vlt.s32 v5, $0x14;
	vm1 =	vlt.s32 v1, $0x14;
	v6 =	vtrunc.f32 v6  }
0x267: {  	v14 =	vld [tilespmem:s29+$0x4420];
	v5 =	vnsel vm0, $0x14, v5;
	[tilespmem:s29+$0x4050] =	vst v2;
	v2 =	vcvt.f32.s32 v6;
	v6 =	vmul.f32 v12, v0  }
0x268: {  	v9 =	vld [tilespmem:s28+$0x4460];
	v10 =	vmul.f32 v13, v0;
	v1 =	vnsel vm1, $0x14, v1  }
0x269: {  	v4 =	vld.idx.msk [tilespmem:v4+s14+$0x0], $0xffff;
	v6 =	vtrunc.f32 v6  }
0x26a: {  	v13 =	vld [tilespmem:s30+$0x4040];
	v10 =	vtrunc.f32 v10;
	[tilespmem:s28+$0x4420] =	vst v3;
	v3 =	vcvt.f32.s32 v6  }
0x26b: {  	v12 =	vld [tilespmem:s29+$0x4410];
	vm0 =	vlt.s32 v2, $0x14;
	[tilespmem:s30+$0x4010] =	vst v7;
	v7 =	vmul.f32 v8, v0;
	v6 =	vcvt.f32.s32 v10  }
0x26c: {  	s2 =	simm.s32 $0x180;
	s1 =	simm.s32 $0x300;
	v2 =	vnsel vm0, $0x14, v2;
	v5 =	vld.idx.msk [tilespmem:v5+s14+$0x0], $0xffff;
	vm0 =	vlt.s32 v3, $0x14  }
0x26d: {  	s0 =	sand.u32 $0x3800, s1;
	s1 =	sand.u32 $0x380, s2;
	v1 =	vld.idx.msk [tilespmem:v1+s14+$0x0], $0xffff;
	v7 =	vtrunc.f32 v7;
	vm1 =	vlt.s32 v6, $0x14;
	v3 =	vnsel vm0, $0x14, v3  }
0x26e: {  	s31 =	sor.u32 s1, s0;
	v8 =	vld [tilespmem:s30+$0x4050];
	v6 =	vnsel vm1, $0x14, v6;
	[tilespmem:s29+$0x4060] =	vst v4;
	v4 =	vcvt.f32.s32 v7;
	v7 =	vmul.f32 v11, v0  }
0x26f: {  	v10 =	vld [tilespmem:s31+$0x4000];
	v11 =	vmul.f32 v13, v0  }
0x270: {  	v9 =	vmul.f32 v9, v0;
	v13 =	vld [tilespmem:s28+$0x4470];
	v7 =	vtrunc.f32 v7  }
0x271: {  	v2 =	vld.idx.msk [tilespmem:v2+s14+$0x0], $0xffff;
	vm0 =	vlt.s32 v4, $0x14;
	v11 =	vtrunc.f32 v11;
	[tilespmem:s28+$0x4430] =	vst v5;
	v5 =	vcvt.f32.s32 v7  }
0x272: {  	v9 =	vtrunc.f32 v9;
	v4 =	vnsel vm0, $0x14, v4;
	[tilespmem:s30+$0x4020] =	vst v1;
	v1 =	vcvt.f32.s32 v11;
	v11 =	vld.idx.msk [tilespmem:v3+s14+$0x0], $0xffff  }
0x273: {  	v9 =	vcvt.f32.s32 v9;
	v7 =	vmul.f32 v12, v0;
	v6 =	vld.idx.msk [tilespmem:v6+s14+$0x0], $0xffff;
	vm0 =	vlt.s32 v5, $0x14  }
0x274: {  	v12 =	vld [tilespmem:s31+$0x4010];
	v3 =	vmul.f32 v10, v0;
	vm1 =	vlt.s32 v1, $0x14;
	v5 =	vnsel vm0, $0x14, v5  }
0x275: {  	v8 =	vmul.f32 v8, v0;
	v10 =	vld [tilespmem:s30+$0x4060];
	v7 =	vtrunc.f32 v7;
	v1 =	vnsel vm1, $0x14, v1  }
0x276: {  	v7 =	vcvt.f32.s32 v7;
	v3 =	vtrunc.f32 v3;
	[tilespmem:s29+$0x4070] =	vst v2;
	v2 =	vld [tilespmem:s29+$0x4460]  }
0x277: {  	v8 =	vtrunc.f32 v8;
	v15 =	vcvt.f32.s32 v3;
	v4 =	vld.idx.msk [tilespmem:v4+s14+$0x0], $0xffff;
	[tilespmem:s28+$0x4440] =	vst v11  }
0x278: {  	vm0 =	vlt.s32 v7, $0x14;
	[tilespmem:s30+$0x4030] =	vst v6;
	v6 =	vcvt.f32.s32 v8;
	v8 =	vmul.f32 v14, v0;
	v14 =	vld [tilespmem:s29+$0x4430]  }
0x279: {  	v13 =	vmul.f32 v13, v0;
	v7 =	vnsel vm0, $0x14, v7;
	vm1 =	vlt.s32 v15, $0x14;
	v5 =	vld.idx.msk [tilespmem:v5+s14+$0x0], $0xffff  }
0x27a: {  	v12 =	vmul.f32 v12, v0;
	vm0 =	vlt.s32 v9, $0x14;
	v11 =	vnsel vm1, $0x14, v15;
	v1 =	vld.idx.msk [tilespmem:v1+s14+$0x0], $0xffff  }
0x27b: {  	v10 =	vmul.f32 v10, v0;
	v9 =	vnsel vm0, $0x14, v9;
	v15 =	vld [tilespmem:s31+$0x4020];
	v8 =	vtrunc.f32 v8  }
0x27c: {  	v3 =	vld [tilespmem:s29+$0x4450];
	v12 =	vtrunc.f32 v12;
	vm1 =	vlt.s32 v6, $0x14;
	[tilespmem:s29+$0x4400] =	vst v4;
	v4 =	vcvt.f32.s32 v8  }
0x27d: {  	v6 =	vnsel vm1, $0x14, v6;
	v8 =	vcvt.f32.s32 v12;
	v12 =	vtrunc.f32 v13;
	v13 =	vld [tilespmem:s30+$0x4070]  }
0x27e: {  	v10 =	vtrunc.f32 v10;
	v7 =	vld.idx.msk [tilespmem:v7+s14+$0x0], $0xffff;
	vm0 =	vlt.s32 v4, $0x14;
	[tilespmem:s28+$0x4450] =	vst v5  }
0x27f: {  	vm1 =	vlt.s32 v8, $0x14;
	v11 =	vld.idx.msk [tilespmem:v11+s14+$0x0], $0xffff;
	v5 =	vcvt.f32.s32 v12;
	[tilespmem:s30+$0x4040] =	vst v1;
	v1 =	vcvt.f32.s32 v10  }
0x280: {  	v4 =	vnsel vm0, $0x14, v4;
	v10 =	vmul.f32 v14, v0;
	v12 =	vmul.f32 v15, v0;
	v14 =	vld [tilespmem:s29+$0x4440]  }
0x281: {  	v8 =	vnsel vm1, $0x14, v8;
	v9 =	vld.idx.msk [tilespmem:v9+s14+$0x0], $0xffff;
	vm0 =	vlt.s32 v5, $0x14  }
0x282: {  	v6 =	vld.idx.msk [tilespmem:v6+s14+$0x0], $0xffff;
	vm1 =	vlt.s32 v1, $0x14;
	v10 =	vtrunc.f32 v10;
	v12 =	vtrunc.f32 v12  }
0x283: {  	v15 =	vld [tilespmem:s31+$0x4030];
	v5 =	vnsel vm0, $0x14, v5;
	v62 =	vnsel vm1, $0x14, v1;
	v1 =	vcvt.f32.s32 v10  }
0x284: {  	[tilespmem:s29+$0x4410] =	vst v7;
	v7 =	vcvt.f32.s32 v12;
	v10 =	vmul.f32 v13, v0;
	v13 =	vld [tilespmem:s30+$0x4400]  }
0x285: {  	[tilespmem:s31+$0x4000] =	vst v11;
	v4 =	vld.idx.msk [tilespmem:v4+s14+$0x0], $0xffff;
	vm0 =	vlt.s32 v1, $0x14  }
0x286: {  	vm1 =	vlt.s32 v7, $0x14;
	v11 =	vld.idx.msk [tilespmem:v8+s14+$0x0], $0xffff;
	v12 =	vnsel vm0, $0x14, v1;
	[tilespmem:s28+$0x4460] =	vst v9;
	v8 =	vtrunc.f32 v10  }
0x287: {  	v63 =	vnsel vm1, $0x14, v7;
	v9 =	vmul.f32 v14, v0;
	[tilespmem:s30+$0x4050] =	vst v6;
	v8 =	vcvt.f32.s32 v8;
	v6 =	vld [tilespmem:s30+$0x4410]  }
0x288: {  	v10 =	vmul.f32 v15, v0;
	v1 =	vld.idx.msk [tilespmem:v5+s14+$0x0], $0xffff  }
0x289: {  	v7 =	vld.idx.msk [tilespmem:v62+s14+$0x0], $0xffff;
	v5 =	vtrunc.f32 v9;
	vm0 =	vlt.s32 v8, $0x14  }
0x28a: {  	v9 =	vld [tilespmem:s31+$0x4040];
	v10 =	vtrunc.f32 v10;
	v5 =	vcvt.f32.s32 v5;
	[tilespmem:s29+$0x4420] =	vst v4;
	v8 =	vnsel vm0, $0x14, v8  }
0x28b: {  	s15 =	simm.s32 $0x400;
	s1 =	simm.s32 $0x200;
	[tilespmem:s31+$0x4010] =	vst v11;
	v4 =	vld.idx.msk [tilespmem:v12+s14+$0x0], $0xffff;
	v12 =	vcvt.f32.s32 v10;
	v10 =	vmul.f32 v13, v0  }
0x28c: {  	s2 =	sand.u32 $0x3800, s15;
	s0 =	simm.s32 $0x500;
	s15 =	sand.u32 $0x380, s1;
	vm0 =	vlt.s32 v5, $0x14;
	v11 =	vld.idx.msk [tilespmem:v63+s14+$0x0], $0xffff  }
.LBB2_6:
0x28d: {  	p0 =	sne.s32 s0, $0x2F00;
	s2 =	sor.u32 s15, s2;
	vm1 =	vlt.s32 v12, $0x14;
	v13 =	vld [tilespmem:s31+$0x4050];
	v10 =	vtrunc.f32 v10;
	v5 =	vnsel vm0, $0x14, v5;
	[tilespmem:s28+$0x4470] =	vst v1;
	s28 =	smov.u32 s29  }
0x28e: {  	v3 =	vmul.f32 v3, v0;
	s29 =	smov.u32 s30;
	v1 =	vld [tilespmem:s2+$0x4000];
	v12 =	vnsel vm1, $0x14, v12;
	[tilespmem:s30+$0x4060] =	vst v7;
	v7 =	vcvt.f32.s32 v10;
	s30 =	smov.u32 s31;
	s31 =	smov.u32 s2  }
0x28f: {  	v9 =	vmul.f32 v9, v0;
	v8 =	vld.idx.msk [tilespmem:v8+s14+$0x0], $0xffff  }
0x290: {  	v10 =	vmul.f32 v2, v0;
	v3 =	vtrunc.f32 v3;
	vm0 =	vlt.s32 v7, $0x14;
	v2 =	vld [tilespmem:s28+$0x4470]  }
0x291: {  	v3 =	vcvt.f32.s32 v3;
	v9 =	vtrunc.f32 v9;
	v7 =	vnsel vm0, $0x14, v7;
	v14 =	vld [tilespmem:s29+$0x4420];
	[tilespmem:s28+$0x4430] =	vst v4  }
0x292: {  	v6 =	vmul.f32 v6, v0;
	[tilespmem:s30+$0x4020] =	vst v11;
	v4 =	vcvt.f32.s32 v9;
	v5 =	vld.idx.msk [tilespmem:v5+s14+$0x0], $0xffff  }
0x293: {  	v11 =	vmul.f32 v13, v0;
	vm0 =	vlt.s32 v3, $0x14;
	v1 =	vmul.f32 v1, v0;
	v9 =	vld.idx.msk [tilespmem:v12+s14+$0x0], $0xffff  }
0x294: {  	v6 =	vtrunc.f32 v6;
	v13 =	vnsel vm0, $0x14, v3;
	vm1 =	vlt.s32 v4, $0x14;
	v12 =	vld [tilespmem:s30+$0x4060]  }
0x295: {  	v3 =	vcvt.f32.s32 v6;
	v1 =	vtrunc.f32 v1;
	v15 =	vld [tilespmem:s31+$0x4010];
	v4 =	vnsel vm1, $0x14, v4;
	[tilespmem:s29+$0x4070] =	vst v8  }
0x296: {  	v1 =	vcvt.f32.s32 v1;
	v6 =	vld.idx.msk [tilespmem:v7+s14+$0x0], $0xffff;
	v7 =	vmul.f32 v2, v0  }
0x297: {  	v10 =	vtrunc.f32 v10;
	v8 =	vtrunc.f32 v11;
	vm0 =	vlt.s32 v3, $0x14;
	v2 =	vld [tilespmem:s29+$0x4460]  }
0x298: {  	v11 =	vnsel vm0, $0x14, v3;
	vm1 =	vlt.s32 v1, $0x14;
	v3 =	vld [tilespmem:s29+$0x4450];
	[tilespmem:s28+$0x4440] =	vst v5;
	v5 =	vcvt.f32.s32 v10  }
0x299: {  	v8 =	vcvt.f32.s32 v8;
	v1 =	vnsel vm1, $0x14, v1;
	[tilespmem:s30+$0x4030] =	vst v9;
	v9 =	vmul.f32 v14, v0;
	v10 =	vld.idx.msk [tilespmem:v13+s14+$0x0], $0xffff  }
0x29a: {  	v12 =	vmul.f32 v12, v0;
	v13 =	vmul.f32 v15, v0;
	v4 =	vld.idx.msk [tilespmem:v4+s14+$0x0], $0xffff;
	vm0 =	vlt.s32 v5, $0x14  }
0x29b: {  	vm1 =	vlt.s32 v8, $0x14;
	v9 =	vtrunc.f32 v9;
	v14 =	vld [tilespmem:s29+$0x4430];
	v5 =	vnsel vm0, $0x14, v5  }
0x29c: {  	v8 =	vnsel vm1, $0x14, v8;
	v13 =	vtrunc.f32 v13;
	v15 =	vld [tilespmem:s31+$0x4020];
	[tilespmem:s29+$0x4400] =	vst v6;
	v6 =	vcvt.f32.s32 v9  }
0x29d: {  	v9 =	vcvt.f32.s32 v13;
	v11 =	vld.idx.msk [tilespmem:v11+s14+$0x0], $0xffff  }
0x29e: {  	v7 =	vtrunc.f32 v7;
	v12 =	vtrunc.f32 v12;
	v1 =	vld.idx.msk [tilespmem:v1+s14+$0x0], $0xffff;
	vm0 =	vlt.s32 v6, $0x14  }
0x29f: {  	v7 =	vcvt.f32.s32 v7;
	vm1 =	vlt.s32 v9, $0x14;
	v13 =	vld [tilespmem:s30+$0x4070];
	v6 =	vnsel vm0, $0x14, v6;
	[tilespmem:s28+$0x4450] =	vst v10  }
0x2a0: {  	v9 =	vnsel vm1, $0x14, v9;
	[tilespmem:s30+$0x4040] =	vst v4;
	v4 =	vcvt.f32.s32 v12;
	v10 =	vmul.f32 v14, v0;
	v5 =	vld.idx.msk [tilespmem:v5+s14+$0x0], $0xffff  }
0x2a1: {  	vm0 =	vlt.s32 v7, $0x14;
	v12 =	vmul.f32 v15, v0;
	v8 =	vld.idx.msk [tilespmem:v8+s14+$0x0], $0xffff  }
0x2a2: {  	v7 =	vnsel vm0, $0x14, v7;
	vm1 =	vlt.s32 v4, $0x14;
	v10 =	vtrunc.f32 v10;
	v14 =	vld [tilespmem:s29+$0x4440]  }
0x2a3: {  	v12 =	vtrunc.f32 v12;
	v15 =	vld [tilespmem:s31+$0x4030];
	v4 =	vnsel vm1, $0x14, v4;
	[tilespmem:s29+$0x4410] =	vst v11;
	v10 =	vcvt.f32.s32 v10  }
0x2a4: {  	[tilespmem:s31+$0x4000] =	vst v1;
	v1 =	vcvt.f32.s32 v12;
	v11 =	vmul.f32 v13, v0;
	v12 =	vld.idx.msk [tilespmem:v6+s14+$0x0], $0xffff  }
0x2a5: {  	v13 =	vld.idx.msk [tilespmem:v9+s14+$0x0], $0xffff;
	vm0 =	vlt.s32 v10, $0x14  }
0x2a6: {  	vm1 =	vlt.s32 v1, $0x14;
	v6 =	vtrunc.f32 v11;
	v11 =	vld [tilespmem:s30+$0x4400];
	v16 =	vnsel vm0, $0x14, v10;
	[tilespmem:s28+$0x4460] =	vst v5  }
0x2a7: {  	v17 =	vnsel vm1, $0x14, v1;
	[tilespmem:s30+$0x4050] =	vst v8;
	v5 =	vcvt.f32.s32 v6;
	v8 =	vmul.f32 v14, v0;
	v1 =	vld.idx.msk [tilespmem:v7+s14+$0x0], $0xffff  }
.Ltmp2:
0x2a8: {  	v9 =	vmul.f32 v15, v0;
	v7 =	vld.idx.msk [tilespmem:v4+s14+$0x0], $0xffff;
	(pc) =	sbr.rel @p0 .LBB2_6-.Ltmp2, $4  }
0x2a9: {  	vm0 =	vlt.s32 v5, $0x14;
	v6 =	vld [tilespmem:s30+$0x4410];
	v4 =	vtrunc.f32 v8  }
0x2aa: {  	v10 =	vtrunc.f32 v9;
	v9 =	vld [tilespmem:s31+$0x4040];
	v8 =	vnsel vm0, $0x14, v5;
	[tilespmem:s29+$0x4420] =	vst v12;
	v5 =	vcvt.f32.s32 v4  }
0x2ab: {  	s1 =	sadd.s32 $0x80, s1;
	[tilespmem:s31+$0x4010] =	vst v13;
	v12 =	vcvt.f32.s32 v10;
	v10 =	vmul.f32 v11, v0;
	v4 =	vld.idx.msk [tilespmem:v16+s14+$0x0], $0xffff  }
0x2ac: {  	s2 =	sand.u32 $0x3800, s0;
	s15 =	sand.u32 $0x380, s1;
	s0 =	sadd.s32 $0x100, s0;
	v11 =	vld.idx.msk [tilespmem:v17+s14+$0x0], $0xffff;
	vm0 =	vlt.s32 v5, $0x14  }
0x2ad: {  	s1 =	sor.u32 s15, s2  }
0x2ae: {  	v13 =	vld [tilespmem:s1+$0x4000];
	_ =	sdelay $0x4  }
0x2af: {  	v13 =	vmul.f32 v13, v0  }
0x2b0: {  	v14 =	vld [tilespmem:s1+$0x4010]  }
0x2b1: {  	v13 =	vtrunc.f32 v13  }
0x2b2: {  	v13 =	vcvt.f32.s32 v13;
	_ =	sdelay $0x1  }
0x2b3: {  	vm1 =	vlt.s32 v13, $0x14  }
0x2b4: {  	v14 =	vmul.f32 v14, v0;
	v13 =	vnsel vm1, $0x14, v13  }
0x2b5: {  	v15 =	vld [tilespmem:s1+$0x4020]  }
0x2b6: {  	v14 =	vtrunc.f32 v14  }
0x2b7: {  	v14 =	vcvt.f32.s32 v14;
	_ =	sdelay $0x1  }
0x2b8: {  	vm1 =	vlt.s32 v14, $0x14;
	v13 =	vld.idx.msk [tilespmem:v13+s14+$0x0], $0xffff  }
0x2b9: {  	v15 =	vmul.f32 v15, v0;
	v14 =	vnsel vm1, $0x14, v14  }
0x2ba: {  	v16 =	vld [tilespmem:s1+$0x4030]  }
0x2bb: {  	v15 =	vtrunc.f32 v15  }
0x2bc: {  	v15 =	vcvt.f32.s32 v15  }
0x2bd: {  	[tilespmem:s1+$0x4000] =	vst v13  }
0x2be: {  	vm1 =	vlt.s32 v15, $0x14;
	v13 =	vld.idx.msk [tilespmem:v14+s14+$0x0], $0xffff  }
0x2bf: {  	v14 =	vnsel vm1, $0x14, v15;
	v15 =	vmul.f32 v16, v0  }
0x2c0: {  	v51 =	vld [tilespmem:s1+$0x4040]  }
0x2c1: {  	v15 =	vtrunc.f32 v15  }
0x2c2: {  	vm1 =	vlt.s32 v12, $0x14;
	v15 =	vcvt.f32.s32 v15  }
0x2c3: {  	v17 =	vld [tilespmem:s31+$0x4050];
	v9 =	vmul.f32 v9, v0;
	v12 =	vnsel vm1, $0x14, v12;
	[tilespmem:s1+$0x4010] =	vst v13  }
0x2c4: {  	vm1 =	vlt.s32 v15, $0x14;
	v13 =	vld.idx.msk [tilespmem:v14+s14+$0x0], $0xffff  }
0x2c5: {  	v9 =	vtrunc.f32 v9;
	v14 =	vnsel vm1, $0x14, v15;
	v15 =	vmul.f32 v51, v0  }
0x2c6: {  	v52 =	vld [tilespmem:s1+$0x4050];
	v9 =	vcvt.f32.s32 v9  }
0x2c7: {  	[tilespmem:s31+$0x4020] =	vst v11;
	v11 =	vtrunc.f32 v15  }
0x2c8: {  	v12 =	vld.idx.msk [tilespmem:v12+s14+$0x0], $0xffff;
	vm1 =	vlt.s32 v9, $0x14;
	v11 =	vcvt.f32.s32 v11  }
0x2c9: {  	v53 =	vld [tilespmem:s31+$0x4060];
	v9 =	vnsel vm1, $0x14, v9;
	v15 =	vmul.f32 v17, v0;
	[tilespmem:s1+$0x4020] =	vst v13  }
0x2ca: {  	vm1 =	vlt.s32 v11, $0x14;
	v13 =	vld.idx.msk [tilespmem:v14+s14+$0x0], $0xffff  }
0x2cb: {  	v14 =	vtrunc.f32 v15;
	v15 =	vmul.f32 v52, v0;
	v11 =	vnsel vm1, $0x14, v11  }
0x2cc: {  	v54 =	vld [tilespmem:s1+$0x4060];
	v14 =	vcvt.f32.s32 v14  }
0x2cd: {  	[tilespmem:s31+$0x4030] =	vst v12;
	v12 =	vtrunc.f32 v15  }
0x2ce: {  	v9 =	vld.idx.msk [tilespmem:v9+s14+$0x0], $0xffff;
	vm1 =	vlt.s32 v14, $0x14;
	v12 =	vcvt.f32.s32 v12  }
0x2cf: {  	v10 =	vtrunc.f32 v10;
	v55 =	vld [tilespmem:s31+$0x4070];
	v15 =	vmul.f32 v53, v0;
	v14 =	vnsel vm1, $0x14, v14;
	[tilespmem:s1+$0x4030] =	vst v13  }
0x2d0: {  	[tilespmem:s30+$0x4060] =	vst v7;
	v7 =	vcvt.f32.s32 v10;
	vm1 =	vlt.s32 v12, $0x14;
	v10 =	vld.idx.msk [tilespmem:v11+s14+$0x0], $0xffff  }
0x2d1: {  	v13 =	vmul.f32 v54, v0;
	v11 =	vtrunc.f32 v15;
	v12 =	vnsel vm1, $0x14, v12  }
0x2d2: {  	v15 =	vld [tilespmem:s1+$0x4070];
	v11 =	vcvt.f32.s32 v11  }
0x2d3: {  	v8 =	vld.idx.msk [tilespmem:v8+s14+$0x0], $0xffff;
	[tilespmem:s31+$0x4040] =	vst v9;
	vm1 =	vlt.s32 v7, $0x14;
	v9 =	vtrunc.f32 v13  }
0x2d4: {  	v7 =	vnsel vm1, $0x14, v7;
	v9 =	vcvt.f32.s32 v9;
	v13 =	vld.idx.msk [tilespmem:v14+s14+$0x0], $0xffff;
	vm1 =	vlt.s32 v11, $0x14  }
0x2d5: {  	v14 =	vmul.f32 v55, v0;
	v11 =	vnsel vm1, $0x14, v11;
	[tilespmem:s1+$0x4040] =	vst v10  }
0x2d6: {  	vm1 =	vlt.s32 v9, $0x14;
	v10 =	vld.idx.msk [tilespmem:v12+s14+$0x0], $0xffff  }
0x2d7: {  	v57 =	vld [tilespmem:s31+$0x4400];
	v14 =	vtrunc.f32 v14;
	v9 =	vnsel vm1, $0x14, v9;
	v15 =	vmul.f32 v15, v0  }
0x2d8: {  	[tilespmem:s30+$0x4070] =	vst v8;
	v8 =	vcvt.f32.s32 v14;
	v14 =	vld [tilespmem:s1+$0x4400]  }
0x2d9: {  	v56 =	vld [tilespmem:s29+$0x4470];
	[tilespmem:s31+$0x4050] =	vst v13;
	v13 =	vtrunc.f32 v15  }
0x2da: {  	v6 =	vmul.f32 v6, v0;
	vm1 =	vlt.s32 v8, $0x14;
	v11 =	vld.idx.msk [tilespmem:v11+s14+$0x0], $0xffff;
	v13 =	vcvt.f32.s32 v13  }
0x2db: {  	v19 =	vld [tilespmem:s30+$0x4450];
	v8 =	vnsel vm1, $0x14, v8;
	[tilespmem:s1+$0x4050] =	vst v10  }
0x2dc: {  	v17 =	vmul.f32 v57, v0;
	v15 =	vtrunc.f32 v6;
	vm1 =	vlt.s32 v13, $0x14;
	v9 =	vld.idx.msk [tilespmem:v9+s14+$0x0], $0xffff  }
0x2dd: {  	v10 =	vcvt.f32.s32 v15;
	v15 =	vld [tilespmem:s31+$0x4410];
	v14 =	vmul.f32 v14, v0;
	v13 =	vnsel vm1, $0x14, v13  }
0x2de: {  	v18 =	vld [tilespmem:s1+$0x4410];
	v17 =	vtrunc.f32 v17  }
0x2df: {  	v17 =	vcvt.f32.s32 v17;
	v7 =	vld.idx.msk [tilespmem:v7+s14+$0x0], $0xffff;
	[tilespmem:s31+$0x4060] =	vst v11;
	v11 =	vtrunc.f32 v14  }
0x2e0: {  	v3 =	vmul.f32 v3, v0;
	vm1 =	vlt.s32 v10, $0x14;
	v8 =	vld.idx.msk [tilespmem:v8+s14+$0x0], $0xffff;
	v11 =	vcvt.f32.s32 v11  }
0x2e1: {  	v2 =	vmul.f32 v2, v0;
	v12 =	vld [tilespmem:s30+$0x4420];
	v10 =	vnsel vm1, $0x14, v10;
	vm1 =	vlt.s32 v17, $0x14;
	[tilespmem:s1+$0x4060] =	vst v9  }
0x2e2: {  	v17 =	vnsel vm1, $0x14, v17;
	v9 =	vmul.f32 v15, v0;
	vm1 =	vlt.s32 v11, $0x14;
	v13 =	vld.idx.msk [tilespmem:v13+s14+$0x0], $0xffff  }
0x2e3: {  	v3 =	vtrunc.f32 v3;
	v18 =	vmul.f32 v18, v0;
	v15 =	vld [tilespmem:s31+$0x4420];
	v11 =	vnsel vm1, $0x14, v11  }
0x2e4: {  	v2 =	vtrunc.f32 v2;
	[tilespmem:s30+$0x4400] =	vst v7;
	v7 =	vtrunc.f32 v9;
	v9 =	vld [tilespmem:s1+$0x4420]  }
0x2e5: {  	v20 =	vld [tilespmem:s1+$0x4430];
	[tilespmem:s31+$0x4070] =	vst v8;
	v7 =	vcvt.f32.s32 v7;
	v8 =	vtrunc.f32 v18  }
0x2e6: {  	v3 =	vcvt.f32.s32 v3;
	v14 =	vld [tilespmem:s30+$0x4430];
	v8 =	vcvt.f32.s32 v8  }
0x2e7: {  	v2 =	vcvt.f32.s32 v2;
	v12 =	vmul.f32 v12, v0;
	v17 =	vld.idx.msk [tilespmem:v17+s14+$0x0], $0xffff;
	vm1 =	vlt.s32 v7, $0x14;
	[tilespmem:s1+$0x4070] =	vst v13  }
0x2e8: {  	v7 =	vnsel vm1, $0x14, v7;
	v13 =	vmul.f32 v15, v0;
	vm1 =	vlt.s32 v8, $0x14;
	v11 =	vld.idx.msk [tilespmem:v11+s14+$0x0], $0xffff  }
0x2e9: {  	v12 =	vtrunc.f32 v12;
	v15 =	vld [tilespmem:s31+$0x4430];
	v8 =	vnsel vm1, $0x14, v8;
	v9 =	vmul.f32 v9, v0  }
0x2ea: {  	v60 =	vld [tilespmem:s1+$0x4460];
	v12 =	vcvt.f32.s32 v12;
	v13 =	vtrunc.f32 v13  }
0x2eb: {  	v59 =	vld [tilespmem:s30+$0x4440];
	v13 =	vcvt.f32.s32 v13;
	v9 =	vtrunc.f32 v9  }
0x2ec: {  	v20 =	vmul.f32 v20, v0;
	v10 =	vld.idx.msk [tilespmem:v10+s14+$0x0], $0xffff;
	vm1 =	vlt.s32 v12, $0x14;
	[tilespmem:s31+$0x4400] =	vst v17;
	v9 =	vcvt.f32.s32 v9  }
0x2ed: {  	v14 =	vmul.f32 v14, v0;
	v12 =	vnsel vm1, $0x14, v12;
	v7 =	vld.idx.msk [tilespmem:v7+s14+$0x0], $0xffff;
	vm1 =	vlt.s32 v13, $0x14;
	[tilespmem:s1+$0x4400] =	vst v11  }
0x2ee: {  	v11 =	vnsel vm1, $0x14, v13;
	v13 =	vmul.f32 v15, v0;
	vm1 =	vlt.s32 v9, $0x14;
	v8 =	vld.idx.msk [tilespmem:v8+s14+$0x0], $0xffff  }
0x2ef: {  	v61 =	vmul.f32 v60, v0;
	v14 =	vtrunc.f32 v14;
	v15 =	vld [tilespmem:s31+$0x4440];
	v9 =	vnsel vm1, $0x14, v9  }
0x2f0: {  	v22 =	vld [tilespmem:s1+$0x4440];
	v14 =	vcvt.f32.s32 v14;
	v13 =	vtrunc.f32 v13  }
0x2f1: {  	v5 =	vnsel vm0, $0x14, v5;
	v6 =	vld [tilespmem:s30+$0x4460];
	[tilespmem:s30+$0x4410] =	vst v10;
	v10 =	vcvt.f32.s32 v13;
	v13 =	vtrunc.f32 v20  }
0x2f2: {  	v16 =	vmul.f32 v56, v0;
	vm0 =	vlt.s32 v14, $0x14;
	[tilespmem:s31+$0x4410] =	vst v7;
	v7 =	vld.idx.msk [tilespmem:v12+s14+$0x0], $0xffff;
	v12 =	vcvt.f32.s32 v13  }
0x2f3: {  	v13 =	vmul.f32 v59, v0;
	v11 =	vld.idx.msk [tilespmem:v11+s14+$0x0], $0xffff;
	[tilespmem:s1+$0x4410] =	vst v8;
	v8 =	vnsel vm0, $0x14, v14;
	vm0 =	vlt.s32 v10, $0x14  }
0x2f4: {  	v14 =	vmul.f32 v15, v0;
	v10 =	vnsel vm0, $0x14, v10;
	v9 =	vld.idx.msk [tilespmem:v9+s14+$0x0], $0xffff;
	vm0 =	vlt.s32 v12, $0x14  }
0x2f5: {  	v21 =	vld [tilespmem:s31+$0x4450];
	v13 =	vtrunc.f32 v13;
	v15 =	vmul.f32 v22, v0;
	v12 =	vnsel vm0, $0x14, v12  }
0x2f6: {  	[tilespmem:s29+$0x4430] =	vst v4;
	v4 =	vcvt.f32.s32 v13;
	v13 =	vtrunc.f32 v14;
	v14 =	vld [tilespmem:s1+$0x4450]  }
0x2f7: {  	[tilespmem:s30+$0x4420] =	vst v7;
	v7 =	vcvt.f32.s32 v13;
	v13 =	vtrunc.f32 v15  }
0x2f8: {  	v6 =	vmul.f32 v6, v0;
	vm0 =	vlt.s32 v4, $0x14;
	[tilespmem:s31+$0x4420] =	vst v11;
	v11 =	vcvt.f32.s32 v13;
	v8 =	vld.idx.msk [tilespmem:v8+s14+$0x0], $0xffff  }
0x2f9: {  	v4 =	vnsel vm0, $0x14, v4;
	v13 =	vmul.f32 v19, v0;
	vm0 =	vlt.s32 v7, $0x14;
	v10 =	vld.idx.msk [tilespmem:v10+s14+$0x0], $0xffff;
	[tilespmem:s1+$0x4420] =	vst v9  }
0x2fa: {  	v7 =	vnsel vm0, $0x14, v7;
	v9 =	vmul.f32 v21, v0;
	vm0 =	vlt.s32 v11, $0x14;
	v12 =	vld.idx.msk [tilespmem:v12+s14+$0x0], $0xffff  }
0x2fb: {  	v58 =	vld [tilespmem:s31+$0x4460];
	v13 =	vtrunc.f32 v13;
	v11 =	vnsel vm0, $0x14, v11;
	v14 =	vmul.f32 v14, v0  }
0x2fc: {  	v5 =	vld.idx.msk [tilespmem:v5+s14+$0x0], $0xffff;
	v13 =	vcvt.f32.s32 v13;
	v9 =	vtrunc.f32 v9  }
0x2fd: {  	v15 =	vld [tilespmem:s30+$0x4470];
	vm0 =	vlt.s32 v3, $0x14;
	v9 =	vcvt.f32.s32 v9;
	v14 =	vtrunc.f32 v14;
	[tilespmem:s30+$0x4430] =	vst v8  }
0x2fe: {  	v3 =	vnsel vm0, $0x14, v3;
	vm0 =	vlt.s32 v13, $0x14;
	v14 =	vcvt.f32.s32 v14;
	[tilespmem:s31+$0x4430] =	vst v10;
	v4 =	vld.idx.msk [tilespmem:v4+s14+$0x0], $0xffff  }
0x2ff: {  	v6 =	vtrunc.f32 v6;
	[tilespmem:s1+$0x4430] =	vst v12;
	v12 =	vnsel vm0, $0x14, v13;
	v7 =	vld.idx.msk [tilespmem:v7+s14+$0x0], $0xffff;
	vm0 =	vlt.s32 v9, $0x14  }
0x300: {  	v13 =	vmul.f32 v58, v0;
	v9 =	vnsel vm0, $0x14, v9;
	v11 =	vld.idx.msk [tilespmem:v11+s14+$0x0], $0xffff;
	vm0 =	vlt.s32 v14, $0x14  }
0x301: {  	[tilespmem:s29+$0x4440] =	vst v5;
	v5 =	vcvt.f32.s32 v6;
	v8 =	vld [tilespmem:s31+$0x4470];
	v10 =	vtrunc.f32 v16;
	v14 =	vnsel vm0, $0x14, v14  }
0x302: {  	v10 =	vcvt.f32.s32 v10;
	v6 =	vtrunc.f32 v13;
	v13 =	vld [tilespmem:s1+$0x4470]  }
0x303: {  	v3 =	vld.idx.msk [tilespmem:v3+s14+$0x0], $0xffff;
	vm0 =	vlt.s32 v2, $0x14;
	[tilespmem:s30+$0x4440] =	vst v4;
	v4 =	vcvt.f32.s32 v6;
	v6 =	vtrunc.f32 v61  }
0x304: {  	v2 =	vnsel vm0, $0x14, v2;
	vm0 =	vlt.s32 v5, $0x14;
	v12 =	vld.idx.msk [tilespmem:v12+s14+$0x0], $0xffff;
	[tilespmem:s31+$0x4440] =	vst v7;
	v6 =	vcvt.f32.s32 v6  }
0x305: {  	v5 =	vnsel vm0, $0x14, v5;
	v7 =	vmul.f32 v15, v0;
	v9 =	vld.idx.msk [tilespmem:v9+s14+$0x0], $0xffff;
	vm0 =	vlt.s32 v4, $0x14;
	[tilespmem:s1+$0x4440] =	vst v11  }
0x306: {  	v8 =	vmul.f32 v8, v0;
	v4 =	vnsel vm0, $0x14, v4;
	v11 =	vld.idx.msk [tilespmem:v14+s14+$0x0], $0xffff;
	vm0 =	vlt.s32 v6, $0x14  }
0x307: {  	v7 =	vtrunc.f32 v7;
	v13 =	vmul.f32 v13, v0;
	v6 =	vnsel vm0, $0x14, v6  }
0x308: {  	[tilespmem:s29+$0x4450] =	vst v3;
	v3 =	vcvt.f32.s32 v7;
	v7 =	vtrunc.f32 v8  }
0x309: {  	v2 =	vld.idx.msk [tilespmem:v2+s14+$0x0], $0xffff;
	vm0 =	vlt.s32 v10, $0x14;
	v7 =	vcvt.f32.s32 v7;
	v8 =	vtrunc.f32 v13;
	[tilespmem:s30+$0x4450] =	vst v12  }
0x30a: {  	v10 =	vnsel vm0, $0x14, v10;
	vm0 =	vlt.s32 v3, $0x14;
	v8 =	vcvt.f32.s32 v8;
	v5 =	vld.idx.msk [tilespmem:v5+s14+$0x0], $0xffff;
	[tilespmem:s31+$0x4450] =	vst v9  }
0x30b: {  	v3 =	vnsel vm0, $0x14, v3;
	vm0 =	vlt.s32 v7, $0x14;
	v4 =	vld.idx.msk [tilespmem:v4+s14+$0x0], $0xffff;
	[tilespmem:s1+$0x4450] =	vst v11  }
0x30c: {  	v7 =	vnsel vm0, $0x14, v7;
	vm0 =	vlt.s32 v8, $0x14;
	v6 =	vld.idx.msk [tilespmem:v6+s14+$0x0], $0xffff  }
0x30d: {  	v8 =	vnsel vm0, $0x14, v8  }
0x30e: {  	[tilespmem:s29+$0x4460] =	vst v2  }
0x30f: {  	v2 =	vld.idx.msk [tilespmem:v10+s14+$0x0], $0xffff;
	[tilespmem:s30+$0x4460] =	vst v5  }
0x310: {  	v3 =	vld.idx.msk [tilespmem:v3+s14+$0x0], $0xffff;
	[tilespmem:s31+$0x4460] =	vst v4  }
0x311: {  	v4 =	vld.idx.msk [tilespmem:v7+s14+$0x0], $0xffff;
	[tilespmem:s1+$0x4460] =	vst v6  }
0x312: {  	v5 =	vld.idx.msk [tilespmem:v8+s14+$0x0], $0xffff  }
0x313: {  	[tilespmem:s28+$0x4470] =	vst v1  }
0x314: {  	[tilespmem:s29+$0x4470] =	vst v2  }
0x315: {  	[tilespmem:s30+$0x4470] =	vst v3  }
0x316: {  	[tilespmem:s31+$0x4470] =	vst v4  }
0x317: {  	s0 =	simm.s32 $0x0;
	[tilespmem:s1+$0x4470] =	vst v5  }
0x318: {  	[hbm4b:s11+s0] =	stream.linear.scatter [tilespmem:s17], [sflag:$0x8], $0x3000, $0x38;
	[tilespmem:$0x8080] =	vst v63  }
0x319: {  	_ =	swait.ge [sflag:s21], $0x1000  }
0x31a: {  	s15 =	sand.u32 $0x800, s0;
	s0 =	sand.u32 $0x380, s0;
	[sflag:s21] =	ssyncset.done $0x0  }
0x31b: {  	s28 =	sor.u32 s0, s15;
	[sflag:s21] =	ssyncadd.s32 $0xFFFFF000  }
0x31c: {  	v1 =	vld [tilespmem:s28+$0x7000];
	_ =	sdelay $0x4  }
0x31d: {  	v1 =	vmul.f32 v1, v0  }
0x31e: {  	v2 =	vld [tilespmem:s28+$0x7010]  }
0x31f: {  	v1 =	vtrunc.f32 v1  }
0x320: {  	v1 =	vcvt.f32.s32 v1;
	_ =	sdelay $0x1  }
0x321: {  	vm0 =	vlt.s32 v1, $0x14  }
0x322: {  	v2 =	vmul.f32 v2, v0;
	v1 =	vnsel vm0, $0x14, v1  }
0x323: {  	v3 =	vld [tilespmem:s28+$0x7020]  }
0x324: {  	v2 =	vtrunc.f32 v2  }
0x325: {  	v2 =	vcvt.f32.s32 v2;
	_ =	sdelay $0x1  }
0x326: {  	vm0 =	vlt.s32 v2, $0x14;
	v1 =	vld.idx.msk [tilespmem:v1+s14+$0x0], $0xffff  }
0x327: {  	v3 =	vmul.f32 v3, v0;
	v2 =	vnsel vm0, $0x14, v2  }
0x328: {  	v4 =	vld [tilespmem:s28+$0x7030]  }
0x329: {  	v3 =	vtrunc.f32 v3  }
0x32a: {  	v3 =	vcvt.f32.s32 v3  }
0x32b: {  	[tilespmem:s28+$0x7000] =	vst v1  }
0x32c: {  	vm0 =	vlt.s32 v3, $0x14;
	v1 =	vld.idx.msk [tilespmem:v2+s14+$0x0], $0xffff  }
0x32d: {  	s2 =	simm.s32 $0x100;
	s15 =	simm.s32 $0x80;
	v2 =	vnsel vm0, $0x14, v3;
	v3 =	vmul.f32 v4, v0  }
0x32e: {  	s0 =	sand.u32 $0x800, s2;
	s1 =	sand.u32 $0x380, s15;
	v4 =	vld [tilespmem:s28+$0x7040]  }
0x32f: {  	s29 =	sor.u32 s1, s0;
	v3 =	vtrunc.f32 v3  }
0x330: {  	v5 =	vld [tilespmem:s29+$0x7000];
	v3 =	vcvt.f32.s32 v3  }
0x331: {  	[tilespmem:s28+$0x7010] =	vst v1  }
0x332: {  	vm0 =	vlt.s32 v3, $0x14;
	v1 =	vld.idx.msk [tilespmem:v2+s14+$0x0], $0xffff  }
0x333: {  	v2 =	vnsel vm0, $0x14, v3;
	v3 =	vmul.f32 v4, v0  }
0x334: {  	v4 =	vld [tilespmem:s28+$0x7050]  }
0x335: {  	v5 =	vmul.f32 v5, v0;
	v3 =	vtrunc.f32 v3  }
0x336: {  	v6 =	vld [tilespmem:s29+$0x7010];
	v3 =	vcvt.f32.s32 v3  }
0x337: {  	v5 =	vtrunc.f32 v5;
	[tilespmem:s28+$0x7020] =	vst v1  }
0x338: {  	v1 =	vcvt.f32.s32 v5;
	vm0 =	vlt.s32 v3, $0x14;
	v2 =	vld.idx.msk [tilespmem:v2+s14+$0x0], $0xffff  }
0x339: {  	v4 =	vmul.f32 v4, v0;
	v3 =	vnsel vm0, $0x14, v3  }
0x33a: {  	v5 =	vld [tilespmem:s28+$0x7060];
	vm0 =	vlt.s32 v1, $0x14  }
0x33b: {  	v6 =	vmul.f32 v6, v0;
	v4 =	vtrunc.f32 v4;
	v1 =	vnsel vm0, $0x14, v1  }
0x33c: {  	v7 =	vld [tilespmem:s29+$0x7020];
	v4 =	vcvt.f32.s32 v4  }
0x33d: {  	v6 =	vtrunc.f32 v6;
	[tilespmem:s28+$0x7030] =	vst v2  }
0x33e: {  	vm0 =	vlt.s32 v4, $0x14;
	v2 =	vcvt.f32.s32 v6;
	v3 =	vld.idx.msk [tilespmem:v3+s14+$0x0], $0xffff  }
0x33f: {  	v5 =	vmul.f32 v5, v0;
	v4 =	vnsel vm0, $0x14, v4;
	v6 =	vld [tilespmem:s28+$0x7070]  }
0x340: {  	v1 =	vld.idx.msk [tilespmem:v1+s14+$0x0], $0xffff;
	vm0 =	vlt.s32 v2, $0x14  }
0x341: {  	v7 =	vmul.f32 v7, v0;
	v5 =	vtrunc.f32 v5;
	v2 =	vnsel vm0, $0x14, v2  }
0x342: {  	v5 =	vcvt.f32.s32 v5  }
0x343: {  	[tilespmem:s28+$0x7040] =	vst v3;
	v3 =	vtrunc.f32 v7;
	v7 =	vld [tilespmem:s29+$0x7030]  }
0x344: {  	vm0 =	vlt.s32 v5, $0x14;
	v4 =	vld.idx.msk [tilespmem:v4+s14+$0x0], $0xffff  }
0x345: {  	[tilespmem:s29+$0x7000] =	vst v1;
	v1 =	vcvt.f32.s32 v3;
	v3 =	vnsel vm0, $0x14, v5;
	v5 =	vmul.f32 v6, v0;
	v6 =	vld [tilespmem:s28+$0x7400]  }
0x346: {  	v2 =	vld.idx.msk [tilespmem:v2+s14+$0x0], $0xffff  }
0x347: {  	vm0 =	vlt.s32 v1, $0x14;
	v5 =	vtrunc.f32 v5  }
0x348: {  	v1 =	vnsel vm0, $0x14, v1;
	v5 =	vcvt.f32.s32 v5;
	v7 =	vmul.f32 v7, v0  }
0x349: {  	s2 =	simm.s32 $0x200;
	s15 =	simm.s32 $0x100;
	[tilespmem:s28+$0x7050] =	vst v4;
	v4 =	vld [tilespmem:s29+$0x7040]  }
0x34a: {  	s0 =	sand.u32 $0x800, s2;
	s1 =	sand.u32 $0x380, s15;
	vm0 =	vlt.s32 v5, $0x14;
	v3 =	vld.idx.msk [tilespmem:v3+s14+$0x0], $0xffff;
	v7 =	vtrunc.f32 v7  }
0x34b: {  	v8 =	vld [tilespmem:s28+$0x7410];
	s30 =	sor.u32 s1, s0;
	v6 =	vmul.f32 v6, v0;
	v5 =	vnsel vm0, $0x14, v5;
	[tilespmem:s29+$0x7010] =	vst v2;
	v2 =	vcvt.f32.s32 v7  }
0x34c: {  	v7 =	vld [tilespmem:s30+$0x7000]  }
0x34d: {  	v6 =	vtrunc.f32 v6;
	v1 =	vld.idx.msk [tilespmem:v1+s14+$0x0], $0xffff;
	vm0 =	vlt.s32 v2, $0x14  }
0x34e: {  	v9 =	vld [tilespmem:s29+$0x7050];
	v6 =	vcvt.f32.s32 v6;
	v2 =	vnsel vm0, $0x14, v2;
	v4 =	vmul.f32 v4, v0  }
0x34f: {  	[tilespmem:s28+$0x7060] =	vst v3  }
0x350: {  	vm0 =	vlt.s32 v6, $0x14;
	v3 =	vld.idx.msk [tilespmem:v5+s14+$0x0], $0xffff;
	v4 =	vtrunc.f32 v4  }
0x351: {  	v5 =	vnsel vm0, $0x14, v6;
	v6 =	vmul.f32 v8, v0;
	v8 =	vld [tilespmem:s28+$0x7420];
	v4 =	vcvt.f32.s32 v4  }
0x352: {  	[tilespmem:s29+$0x7020] =	vst v1;
	v1 =	vmul.f32 v7, v0;
	v7 =	vld [tilespmem:s30+$0x7010]  }
0x353: {  	v9 =	vmul.f32 v9, v0;
	v6 =	vtrunc.f32 v6;
	v2 =	vld.idx.msk [tilespmem:v2+s14+$0x0], $0xffff;
	vm0 =	vlt.s32 v4, $0x14  }
0x354: {  	v1 =	vtrunc.f32 v1;
	v6 =	vcvt.f32.s32 v6;
	v4 =	vnsel vm0, $0x14, v4  }
0x355: {  	v10 =	vld [tilespmem:s29+$0x7060];
	v1 =	vcvt.f32.s32 v1;
	[tilespmem:s28+$0x7070] =	vst v3  }
0x356: {  	vm0 =	vlt.s32 v6, $0x14;
	v3 =	vld.idx.msk [tilespmem:v5+s14+$0x0], $0xffff;
	v5 =	vtrunc.f32 v9  }
0x357: {  	vm1 =	vlt.s32 v1, $0x14;
	v6 =	vnsel vm0, $0x14, v6;
	v7 =	vmul.f32 v7, v0  }
0x358: {  	v1 =	vnsel vm1, $0x14, v1;
	[tilespmem:s29+$0x7030] =	vst v2;
	v2 =	vcvt.f32.s32 v5;
	v5 =	vmul.f32 v8, v0;
	v8 =	vld [tilespmem:s28+$0x7430]  }
0x359: {  	v7 =	vtrunc.f32 v7;
	v4 =	vld.idx.msk [tilespmem:v4+s14+$0x0], $0xffff  }
0x35a: {  	v12 =	vld [tilespmem:s30+$0x7020];
	v7 =	vcvt.f32.s32 v7;
	vm0 =	vlt.s32 v2, $0x14;
	v5 =	vtrunc.f32 v5  }
0x35b: {  	v2 =	vnsel vm0, $0x14, v2;
	[tilespmem:s28+$0x7400] =	vst v3;
	v3 =	vcvt.f32.s32 v5;
	v5 =	vmul.f32 v10, v0;
	v10 =	vld [tilespmem:s29+$0x7070]  }
0x35c: {  	v6 =	vld.idx.msk [tilespmem:v6+s14+$0x0], $0xffff  }
0x35d: {  	vm1 =	vlt.s32 v7, $0x14;
	v1 =	vld.idx.msk [tilespmem:v1+s14+$0x0], $0xffff;
	vm0 =	vlt.s32 v3, $0x14;
	v5 =	vtrunc.f32 v5  }
0x35e: {  	v11 =	vld [tilespmem:s28+$0x7450];
	v3 =	vnsel vm0, $0x14, v3;
	[tilespmem:s29+$0x7040] =	vst v4;
	v4 =	vcvt.f32.s32 v5;
	v5 =	vmul.f32 v8, v0  }
0x35f: {  	v7 =	vnsel vm1, $0x14, v7;
	v8 =	vmul.f32 v12, v0;
	v12 =	vld [tilespmem:s28+$0x7440]  }
0x360: {  	v2 =	vld.idx.msk [tilespmem:v2+s14+$0x0], $0xffff;
	v5 =	vtrunc.f32 v5  }
0x361: {  	v13 =	vld [tilespmem:s30+$0x7030];
	vm0 =	vlt.s32 v4, $0x14;
	v8 =	vtrunc.f32 v8;
	[tilespmem:s28+$0x7410] =	vst v6;
	v5 =	vcvt.f32.s32 v5  }
0x362: {  	v4 =	vnsel vm0, $0x14, v4;
	[tilespmem:s30+$0x7000] =	vst v1;
	v1 =	vcvt.f32.s32 v8;
	v6 =	vmul.f32 v10, v0;
	v8 =	vld [tilespmem:s29+$0x7400]  }
0x363: {  	v3 =	vld.idx.msk [tilespmem:v3+s14+$0x0], $0xffff  }
0x364: {  	v7 =	vld.idx.msk [tilespmem:v7+s14+$0x0], $0xffff;
	vm0 =	vlt.s32 v5, $0x14;
	vm1 =	vlt.s32 v1, $0x14;
	v6 =	vtrunc.f32 v6  }
0x365: {  	v14 =	vld [tilespmem:s29+$0x7420];
	v5 =	vnsel vm0, $0x14, v5;
	[tilespmem:s29+$0x7050] =	vst v2;
	v2 =	vcvt.f32.s32 v6;
	v6 =	vmul.f32 v12, v0  }
0x366: {  	v9 =	vld [tilespmem:s28+$0x7460];
	v10 =	vmul.f32 v13, v0;
	v1 =	vnsel vm1, $0x14, v1  }
0x367: {  	v4 =	vld.idx.msk [tilespmem:v4+s14+$0x0], $0xffff;
	v6 =	vtrunc.f32 v6  }
0x368: {  	v13 =	vld [tilespmem:s30+$0x7040];
	v10 =	vtrunc.f32 v10;
	[tilespmem:s28+$0x7420] =	vst v3;
	v3 =	vcvt.f32.s32 v6  }
0x369: {  	v12 =	vld [tilespmem:s29+$0x7410];
	vm0 =	vlt.s32 v2, $0x14;
	[tilespmem:s30+$0x7010] =	vst v7;
	v7 =	vmul.f32 v8, v0;
	v6 =	vcvt.f32.s32 v10  }
0x36a: {  	s2 =	simm.s32 $0x180;
	s1 =	simm.s32 $0x300;
	v2 =	vnsel vm0, $0x14, v2;
	v5 =	vld.idx.msk [tilespmem:v5+s14+$0x0], $0xffff;
	vm0 =	vlt.s32 v3, $0x14  }
0x36b: {  	s0 =	sand.u32 $0x800, s1;
	s1 =	sand.u32 $0x380, s2;
	v1 =	vld.idx.msk [tilespmem:v1+s14+$0x0], $0xffff;
	v7 =	vtrunc.f32 v7;
	vm1 =	vlt.s32 v6, $0x14;
	v3 =	vnsel vm0, $0x14, v3  }
0x36c: {  	s31 =	sor.u32 s1, s0;
	v8 =	vld [tilespmem:s30+$0x7050];
	v6 =	vnsel vm1, $0x14, v6;
	[tilespmem:s29+$0x7060] =	vst v4;
	v4 =	vcvt.f32.s32 v7;
	v7 =	vmul.f32 v11, v0  }
0x36d: {  	v10 =	vld [tilespmem:s31+$0x7000];
	v11 =	vmul.f32 v13, v0  }
0x36e: {  	v9 =	vmul.f32 v9, v0;
	v13 =	vld [tilespmem:s28+$0x7470];
	v7 =	vtrunc.f32 v7  }
0x36f: {  	v2 =	vld.idx.msk [tilespmem:v2+s14+$0x0], $0xffff;
	vm0 =	vlt.s32 v4, $0x14;
	v11 =	vtrunc.f32 v11;
	[tilespmem:s28+$0x7430] =	vst v5;
	v5 =	vcvt.f32.s32 v7  }
0x370: {  	v9 =	vtrunc.f32 v9;
	v4 =	vnsel vm0, $0x14, v4;
	[tilespmem:s30+$0x7020] =	vst v1;
	v1 =	vcvt.f32.s32 v11;
	v11 =	vld.idx.msk [tilespmem:v3+s14+$0x0], $0xffff  }
0x371: {  	v9 =	vcvt.f32.s32 v9;
	v7 =	vmul.f32 v12, v0;
	v6 =	vld.idx.msk [tilespmem:v6+s14+$0x0], $0xffff;
	vm0 =	vlt.s32 v5, $0x14  }
0x372: {  	v12 =	vld [tilespmem:s31+$0x7010];
	v3 =	vmul.f32 v10, v0;
	vm1 =	vlt.s32 v1, $0x14;
	v5 =	vnsel vm0, $0x14, v5  }
0x373: {  	v8 =	vmul.f32 v8, v0;
	v10 =	vld [tilespmem:s30+$0x7060];
	v7 =	vtrunc.f32 v7;
	v1 =	vnsel vm1, $0x14, v1  }
0x374: {  	v7 =	vcvt.f32.s32 v7;
	v3 =	vtrunc.f32 v3;
	[tilespmem:s29+$0x7070] =	vst v2;
	v2 =	vld [tilespmem:s29+$0x7460]  }
0x375: {  	v8 =	vtrunc.f32 v8;
	v15 =	vcvt.f32.s32 v3;
	v4 =	vld.idx.msk [tilespmem:v4+s14+$0x0], $0xffff;
	[tilespmem:s28+$0x7440] =	vst v11  }
0x376: {  	vm0 =	vlt.s32 v7, $0x14;
	[tilespmem:s30+$0x7030] =	vst v6;
	v6 =	vcvt.f32.s32 v8;
	v8 =	vmul.f32 v14, v0;
	v14 =	vld [tilespmem:s29+$0x7430]  }
0x377: {  	v13 =	vmul.f32 v13, v0;
	v7 =	vnsel vm0, $0x14, v7;
	vm1 =	vlt.s32 v15, $0x14;
	v5 =	vld.idx.msk [tilespmem:v5+s14+$0x0], $0xffff  }
0x378: {  	v12 =	vmul.f32 v12, v0;
	vm0 =	vlt.s32 v9, $0x14;
	v11 =	vnsel vm1, $0x14, v15;
	v1 =	vld.idx.msk [tilespmem:v1+s14+$0x0], $0xffff  }
0x379: {  	v10 =	vmul.f32 v10, v0;
	v9 =	vnsel vm0, $0x14, v9;
	v15 =	vld [tilespmem:s31+$0x7020];
	v8 =	vtrunc.f32 v8  }
0x37a: {  	v3 =	vld [tilespmem:s29+$0x7450];
	v12 =	vtrunc.f32 v12;
	vm1 =	vlt.s32 v6, $0x14;
	[tilespmem:s29+$0x7400] =	vst v4;
	v4 =	vcvt.f32.s32 v8  }
0x37b: {  	v6 =	vnsel vm1, $0x14, v6;
	v8 =	vcvt.f32.s32 v12;
	v12 =	vtrunc.f32 v13;
	v13 =	vld [tilespmem:s30+$0x7070]  }
0x37c: {  	v10 =	vtrunc.f32 v10;
	v7 =	vld.idx.msk [tilespmem:v7+s14+$0x0], $0xffff;
	vm0 =	vlt.s32 v4, $0x14;
	[tilespmem:s28+$0x7450] =	vst v5  }
0x37d: {  	vm1 =	vlt.s32 v8, $0x14;
	v11 =	vld.idx.msk [tilespmem:v11+s14+$0x0], $0xffff;
	v5 =	vcvt.f32.s32 v12;
	[tilespmem:s30+$0x7040] =	vst v1;
	v1 =	vcvt.f32.s32 v10  }
0x37e: {  	v4 =	vnsel vm0, $0x14, v4;
	v10 =	vmul.f32 v14, v0;
	v12 =	vmul.f32 v15, v0;
	v14 =	vld [tilespmem:s29+$0x7440]  }
0x37f: {  	v8 =	vnsel vm1, $0x14, v8;
	v9 =	vld.idx.msk [tilespmem:v9+s14+$0x0], $0xffff;
	vm0 =	vlt.s32 v5, $0x14  }
0x380: {  	v6 =	vld.idx.msk [tilespmem:v6+s14+$0x0], $0xffff;
	vm1 =	vlt.s32 v1, $0x14;
	v10 =	vtrunc.f32 v10;
	v12 =	vtrunc.f32 v12  }
0x381: {  	v15 =	vld [tilespmem:s31+$0x7030];
	v5 =	vnsel vm0, $0x14, v5;
	v62 =	vnsel vm1, $0x14, v1;
	v1 =	vcvt.f32.s32 v10  }
0x382: {  	[tilespmem:s29+$0x7410] =	vst v7;
	v7 =	vcvt.f32.s32 v12;
	v10 =	vmul.f32 v13, v0;
	v13 =	vld [tilespmem:s30+$0x7400]  }
0x383: {  	[tilespmem:s31+$0x7000] =	vst v11;
	v4 =	vld.idx.msk [tilespmem:v4+s14+$0x0], $0xffff;
	vm0 =	vlt.s32 v1, $0x14  }
0x384: {  	vm1 =	vlt.s32 v7, $0x14;
	v11 =	vld.idx.msk [tilespmem:v8+s14+$0x0], $0xffff;
	v12 =	vnsel vm0, $0x14, v1;
	[tilespmem:s28+$0x7460] =	vst v9;
	v8 =	vtrunc.f32 v10  }
0x385: {  	v63 =	vnsel vm1, $0x14, v7;
	v9 =	vmul.f32 v14, v0;
	[tilespmem:s30+$0x7050] =	vst v6;
	v8 =	vcvt.f32.s32 v8;
	v6 =	vld [tilespmem:s30+$0x7410]  }
0x386: {  	v10 =	vmul.f32 v15, v0;
	v1 =	vld.idx.msk [tilespmem:v5+s14+$0x0], $0xffff  }
0x387: {  	v7 =	vld.idx.msk [tilespmem:v62+s14+$0x0], $0xffff;
	v5 =	vtrunc.f32 v9;
	vm0 =	vlt.s32 v8, $0x14  }
0x388: {  	v9 =	vld [tilespmem:s31+$0x7040];
	v10 =	vtrunc.f32 v10;
	v5 =	vcvt.f32.s32 v5;
	[tilespmem:s29+$0x7420] =	vst v4;
	v8 =	vnsel vm0, $0x14, v8  }
0x389: {  	s15 =	simm.s32 $0x400;
	s1 =	simm.s32 $0x200;
	[tilespmem:s31+$0x7010] =	vst v11;
	v4 =	vld.idx.msk [tilespmem:v12+s14+$0x0], $0xffff;
	v12 =	vcvt.f32.s32 v10;
	v10 =	vmul.f32 v13, v0  }
0x38a: {  	s2 =	sand.u32 $0x800, s15;
	s0 =	simm.s32 $0x500;
	s15 =	sand.u32 $0x380, s1;
	vm0 =	vlt.s32 v5, $0x14;
	v11 =	vld.idx.msk [tilespmem:v63+s14+$0x0], $0xffff  }
.LBB2_8:
0x38b: {  	p0 =	sne.s32 s0, $0xF00;
	s2 =	sor.u32 s15, s2;
	vm1 =	vlt.s32 v12, $0x14;
	v13 =	vld [tilespmem:s31+$0x7050];
	v10 =	vtrunc.f32 v10;
	v5 =	vnsel vm0, $0x14, v5;
	[tilespmem:s28+$0x7470] =	vst v1;
	s28 =	smov.u32 s29  }
0x38c: {  	v3 =	vmul.f32 v3, v0;
	s29 =	smov.u32 s30;
	v1 =	vld [tilespmem:s2+$0x7000];
	v12 =	vnsel vm1, $0x14, v12;
	[tilespmem:s30+$0x7060] =	vst v7;
	v7 =	vcvt.f32.s32 v10;
	s30 =	smov.u32 s31;
	s31 =	smov.u32 s2  }
0x38d: {  	v9 =	vmul.f32 v9, v0;
	v8 =	vld.idx.msk [tilespmem:v8+s14+$0x0], $0xffff  }
0x38e: {  	v10 =	vmul.f32 v2, v0;
	v3 =	vtrunc.f32 v3;
	vm0 =	vlt.s32 v7, $0x14;
	v2 =	vld [tilespmem:s28+$0x7470]  }
0x38f: {  	v3 =	vcvt.f32.s32 v3;
	v9 =	vtrunc.f32 v9;
	v7 =	vnsel vm0, $0x14, v7;
	v14 =	vld [tilespmem:s29+$0x7420];
	[tilespmem:s28+$0x7430] =	vst v4  }
0x390: {  	v6 =	vmul.f32 v6, v0;
	[tilespmem:s30+$0x7020] =	vst v11;
	v4 =	vcvt.f32.s32 v9;
	v5 =	vld.idx.msk [tilespmem:v5+s14+$0x0], $0xffff  }
0x391: {  	v11 =	vmul.f32 v13, v0;
	vm0 =	vlt.s32 v3, $0x14;
	v1 =	vmul.f32 v1, v0;
	v9 =	vld.idx.msk [tilespmem:v12+s14+$0x0], $0xffff  }
0x392: {  	v6 =	vtrunc.f32 v6;
	v13 =	vnsel vm0, $0x14, v3;
	vm1 =	vlt.s32 v4, $0x14;
	v12 =	vld [tilespmem:s30+$0x7060]  }
0x393: {  	v3 =	vcvt.f32.s32 v6;
	v1 =	vtrunc.f32 v1;
	v15 =	vld [tilespmem:s31+$0x7010];
	v4 =	vnsel vm1, $0x14, v4;
	[tilespmem:s29+$0x7070] =	vst v8  }
0x394: {  	v1 =	vcvt.f32.s32 v1;
	v6 =	vld.idx.msk [tilespmem:v7+s14+$0x0], $0xffff;
	v7 =	vmul.f32 v2, v0  }
0x395: {  	v10 =	vtrunc.f32 v10;
	v8 =	vtrunc.f32 v11;
	vm0 =	vlt.s32 v3, $0x14;
	v2 =	vld [tilespmem:s29+$0x7460]  }
0x396: {  	v11 =	vnsel vm0, $0x14, v3;
	vm1 =	vlt.s32 v1, $0x14;
	v3 =	vld [tilespmem:s29+$0x7450];
	[tilespmem:s28+$0x7440] =	vst v5;
	v5 =	vcvt.f32.s32 v10  }
0x397: {  	v8 =	vcvt.f32.s32 v8;
	v1 =	vnsel vm1, $0x14, v1;
	[tilespmem:s30+$0x7030] =	vst v9;
	v9 =	vmul.f32 v14, v0;
	v10 =	vld.idx.msk [tilespmem:v13+s14+$0x0], $0xffff  }
0x398: {  	v12 =	vmul.f32 v12, v0;
	v13 =	vmul.f32 v15, v0;
	v4 =	vld.idx.msk [tilespmem:v4+s14+$0x0], $0xffff;
	vm0 =	vlt.s32 v5, $0x14  }
0x399: {  	vm1 =	vlt.s32 v8, $0x14;
	v9 =	vtrunc.f32 v9;
	v14 =	vld [tilespmem:s29+$0x7430];
	v5 =	vnsel vm0, $0x14, v5  }
0x39a: {  	v8 =	vnsel vm1, $0x14, v8;
	v13 =	vtrunc.f32 v13;
	v15 =	vld [tilespmem:s31+$0x7020];
	[tilespmem:s29+$0x7400] =	vst v6;
	v6 =	vcvt.f32.s32 v9  }
0x39b: {  	v9 =	vcvt.f32.s32 v13;
	v11 =	vld.idx.msk [tilespmem:v11+s14+$0x0], $0xffff  }
0x39c: {  	v7 =	vtrunc.f32 v7;
	v12 =	vtrunc.f32 v12;
	v1 =	vld.idx.msk [tilespmem:v1+s14+$0x0], $0xffff;
	vm0 =	vlt.s32 v6, $0x14  }
0x39d: {  	v7 =	vcvt.f32.s32 v7;
	vm1 =	vlt.s32 v9, $0x14;
	v13 =	vld [tilespmem:s30+$0x7070];
	v6 =	vnsel vm0, $0x14, v6;
	[tilespmem:s28+$0x7450] =	vst v10  }
0x39e: {  	v9 =	vnsel vm1, $0x14, v9;
	[tilespmem:s30+$0x7040] =	vst v4;
	v4 =	vcvt.f32.s32 v12;
	v10 =	vmul.f32 v14, v0;
	v5 =	vld.idx.msk [tilespmem:v5+s14+$0x0], $0xffff  }
0x39f: {  	vm0 =	vlt.s32 v7, $0x14;
	v12 =	vmul.f32 v15, v0;
	v8 =	vld.idx.msk [tilespmem:v8+s14+$0x0], $0xffff  }
0x3a0: {  	v7 =	vnsel vm0, $0x14, v7;
	vm1 =	vlt.s32 v4, $0x14;
	v10 =	vtrunc.f32 v10;
	v14 =	vld [tilespmem:s29+$0x7440]  }
0x3a1: {  	v12 =	vtrunc.f32 v12;
	v15 =	vld [tilespmem:s31+$0x7030];
	v4 =	vnsel vm1, $0x14, v4;
	[tilespmem:s29+$0x7410] =	vst v11;
	v10 =	vcvt.f32.s32 v10  }
0x3a2: {  	[tilespmem:s31+$0x7000] =	vst v1;
	v1 =	vcvt.f32.s32 v12;
	v11 =	vmul.f32 v13, v0;
	v12 =	vld.idx.msk [tilespmem:v6+s14+$0x0], $0xffff  }
0x3a3: {  	v13 =	vld.idx.msk [tilespmem:v9+s14+$0x0], $0xffff;
	vm0 =	vlt.s32 v10, $0x14  }
0x3a4: {  	vm1 =	vlt.s32 v1, $0x14;
	v6 =	vtrunc.f32 v11;
	v11 =	vld [tilespmem:s30+$0x7400];
	v16 =	vnsel vm0, $0x14, v10;
	[tilespmem:s28+$0x7460] =	vst v5  }
0x3a5: {  	v17 =	vnsel vm1, $0x14, v1;
	[tilespmem:s30+$0x7050] =	vst v8;
	v5 =	vcvt.f32.s32 v6;
	v8 =	vmul.f32 v14, v0;
	v1 =	vld.idx.msk [tilespmem:v7+s14+$0x0], $0xffff  }
.Ltmp3:
0x3a6: {  	v9 =	vmul.f32 v15, v0;
	v7 =	vld.idx.msk [tilespmem:v4+s14+$0x0], $0xffff;
	(pc) =	sbr.rel @p0 .LBB2_8-.Ltmp3, $4  }
0x3a7: {  	vm0 =	vlt.s32 v5, $0x14;
	v6 =	vld [tilespmem:s30+$0x7410];
	v4 =	vtrunc.f32 v8  }
0x3a8: {  	v10 =	vtrunc.f32 v9;
	v9 =	vld [tilespmem:s31+$0x7040];
	v8 =	vnsel vm0, $0x14, v5;
	[tilespmem:s29+$0x7420] =	vst v12;
	v5 =	vcvt.f32.s32 v4  }
0x3a9: {  	s1 =	sadd.s32 $0x80, s1;
	[tilespmem:s31+$0x7010] =	vst v13;
	v12 =	vcvt.f32.s32 v10;
	v10 =	vmul.f32 v11, v0;
	v4 =	vld.idx.msk [tilespmem:v16+s14+$0x0], $0xffff  }
0x3aa: {  	s2 =	sand.u32 $0x800, s0;
	s15 =	sand.u32 $0x380, s1;
	s0 =	sadd.s32 $0x100, s0;
	v11 =	vld.idx.msk [tilespmem:v17+s14+$0x0], $0xffff;
	vm0 =	vlt.s32 v5, $0x14  }
0x3ab: {  	s1 =	sor.u32 s15, s2  }
0x3ac: {  	v13 =	vld [tilespmem:s1+$0x7000];
	_ =	sdelay $0x4  }
0x3ad: {  	v13 =	vmul.f32 v13, v0  }
0x3ae: {  	v14 =	vld [tilespmem:s1+$0x7010]  }
0x3af: {  	v13 =	vtrunc.f32 v13  }
0x3b0: {  	v13 =	vcvt.f32.s32 v13;
	_ =	sdelay $0x1  }
0x3b1: {  	vm1 =	vlt.s32 v13, $0x14  }
0x3b2: {  	v14 =	vmul.f32 v14, v0;
	v13 =	vnsel vm1, $0x14, v13  }
0x3b3: {  	v15 =	vld [tilespmem:s1+$0x7020]  }
0x3b4: {  	v14 =	vtrunc.f32 v14  }
0x3b5: {  	v14 =	vcvt.f32.s32 v14;
	_ =	sdelay $0x1  }
0x3b6: {  	vm13 =	vlt.s32 v14, $0x14;
	v13 =	vld.idx.msk [tilespmem:v13+s14+$0x0], $0xffff  }
0x3b7: {  	v15 =	vmul.f32 v15, v0;
	v14 =	vnsel vm13, $0x14, v14  }
0x3b8: {  	v16 =	vld [tilespmem:s1+$0x7030]  }
0x3b9: {  	v15 =	vtrunc.f32 v15  }
0x3ba: {  	v15 =	vcvt.f32.s32 v15  }
0x3bb: {  	[tilespmem:s1+$0x7000] =	vst v13  }
0x3bc: {  	vm14 =	vlt.s32 v15, $0x14;
	v13 =	vld.idx.msk [tilespmem:v14+s14+$0x0], $0xffff  }
0x3bd: {  	v29 =	vmul.f32 v16, v0;
	v28 =	vnsel vm14, $0x14, v15  }
0x3be: {  	v30 =	vld [tilespmem:s1+$0x7040]  }
0x3bf: {  	v15 =	vtrunc.f32 v29  }
0x3c0: {  	v15 =	vcvt.f32.s32 v15  }
0x3c1: {  	vm15 =	vlt.s32 v12, $0x14;
	[tilespmem:s1+$0x7010] =	vst v13  }
0x3c2: {  	v12 =	vnsel vm15, $0x14, v12;
	v9 =	vmul.f32 v9, v0;
	vm4 =	vlt.s32 v15, $0x14;
	v13 =	vld.idx.msk [tilespmem:v28+s14+$0x0], $0xffff  }
0x3c3: {  	v17 =	vld [tilespmem:s31+$0x7050];
	v32 =	vmul.f32 v30, v0;
	v31 =	vnsel vm4, $0x14, v15  }
0x3c4: {  	v33 =	vld [tilespmem:s1+$0x7050];
	v9 =	vtrunc.f32 v9  }
0x3c5: {  	v9 =	vcvt.f32.s32 v9;
	v34 =	vtrunc.f32 v32  }
0x3c6: {  	[tilespmem:s31+$0x7020] =	vst v11;
	v11 =	vcvt.f32.s32 v34  }
0x3c7: {  	v12 =	vld.idx.msk [tilespmem:v12+s14+$0x0], $0xffff;
	vm5 =	vlt.s32 v9, $0x14;
	[tilespmem:s1+$0x7020] =	vst v13  }
0x3c8: {  	v35 =	vmul.f32 v17, v0;
	v9 =	vnsel vm5, $0x14, v9;
	vm6 =	vlt.s32 v11, $0x14;
	v13 =	vld.idx.msk [tilespmem:v31+s14+$0x0], $0xffff  }
0x3c9: {  	v36 =	vld [tilespmem:s31+$0x7060];
	v38 =	vmul.f32 v33, v0;
	v11 =	vnsel vm6, $0x14, v11  }
0x3ca: {  	v39 =	vld [tilespmem:s1+$0x7060];
	v37 =	vtrunc.f32 v35  }
0x3cb: {  	v40 =	vtrunc.f32 v38;
	v14 =	vcvt.f32.s32 v37  }
0x3cc: {  	[tilespmem:s31+$0x7030] =	vst v12;
	v12 =	vcvt.f32.s32 v40  }
0x3cd: {  	v9 =	vld.idx.msk [tilespmem:v9+s14+$0x0], $0xffff;
	vm7 =	vlt.s32 v14, $0x14;
	[tilespmem:s1+$0x7030] =	vst v13  }
0x3ce: {  	v41 =	vmul.f32 v36, v0;
	vm8 =	vlt.s32 v12, $0x14;
	v14 =	vnsel vm7, $0x14, v14;
	v44 =	vld.idx.msk [tilespmem:v11+s14+$0x0], $0xffff  }
0x3cf: {  	v42 =	vld [tilespmem:s31+$0x7070];
	v46 =	vmul.f32 v39, v0;
	v12 =	vnsel vm8, $0x14, v12  }
0x3d0: {  	v47 =	vld [tilespmem:s1+$0x7070];
	v45 =	vtrunc.f32 v41  }
0x3d1: {  	v49 =	vtrunc.f32 v46;
	v11 =	vcvt.f32.s32 v45  }
0x3d2: {  	v10 =	vtrunc.f32 v10;
	v52 =	vld [tilespmem:s31+$0x7400];
	[tilespmem:s31+$0x7040] =	vst v9;
	v9 =	vcvt.f32.s32 v49  }
0x3d3: {  	v43 =	vcvt.f32.s32 v10;
	v50 =	vld.idx.msk [tilespmem:v14+s14+$0x0], $0xffff;
	vm10 =	vlt.s32 v11, $0x14;
	[tilespmem:s1+$0x7040] =	vst v44  }
0x3d4: {  	[tilespmem:s30+$0x7060] =	vst v7;
	v51 =	vmul.f32 v42, v0;
	vm11 =	vlt.s32 v9, $0x14;
	v11 =	vnsel vm10, $0x14, v11;
	v10 =	vld.idx.msk [tilespmem:v12+s14+$0x0], $0xffff  }
0x3d5: {  	v8 =	vld.idx.msk [tilespmem:v8+s14+$0x0], $0xffff;
	v15 =	vmul.f32 v47, v0;
	v9 =	vnsel vm11, $0x14, v9  }
0x3d6: {  	v55 =	vld [tilespmem:s1+$0x7400];
	v14 =	vtrunc.f32 v51  }
0x3d7: {  	v48 =	vld [tilespmem:s29+$0x7470];
	v56 =	vtrunc.f32 v15;
	v54 =	vcvt.f32.s32 v14  }
0x3d8: {  	v53 =	vld [tilespmem:s30+$0x7420];
	vm9 =	vlt.s32 v43, $0x14;
	[tilespmem:s31+$0x7050] =	vst v50;
	v13 =	vcvt.f32.s32 v56  }
0x3d9: {  	v3 =	vmul.f32 v3, v0;
	v7 =	vnsel vm9, $0x14, v43;
	vm12 =	vlt.s32 v54, $0x14;
	v11 =	vld.idx.msk [tilespmem:v11+s14+$0x0], $0xffff;
	[tilespmem:s1+$0x7050] =	vst v10  }
0x3da: {  	v17 =	vmul.f32 v52, v0;
	[tilespmem:s30+$0x7070] =	vst v8;
	v8 =	vnsel vm12, $0x14, v54;
	vm13 =	vlt.s32 v13, $0x14;
	v9 =	vld.idx.msk [tilespmem:v9+s14+$0x0], $0xffff  }
0x3db: {  	v60 =	vld [tilespmem:s31+$0x7410];
	v2 =	vmul.f32 v2, v0;
	v14 =	vmul.f32 v55, v0;
	v13 =	vnsel vm13, $0x14, v13  }
0x3dc: {  	v6 =	vmul.f32 v6, v0;
	v18 =	vld [tilespmem:s1+$0x7410];
	v17 =	vtrunc.f32 v17  }
0x3dd: {  	v58 =	vld [tilespmem:s30+$0x7460];
	v17 =	vcvt.f32.s32 v17;
	v61 =	vtrunc.f32 v14  }
0x3de: {  	v3 =	vtrunc.f32 v3;
	v7 =	vld.idx.msk [tilespmem:v7+s14+$0x0], $0xffff;
	[tilespmem:s31+$0x7060] =	vst v11;
	v11 =	vcvt.f32.s32 v61  }
0x3df: {  	v2 =	vtrunc.f32 v2;
	v57 =	vtrunc.f32 v6;
	vm15 =	vlt.s32 v17, $0x14;
	v8 =	vld.idx.msk [tilespmem:v8+s14+$0x0], $0xffff;
	[tilespmem:s1+$0x7060] =	vst v9  }
0x3e0: {  	v63 =	vmul.f32 v60, v0;
	v17 =	vnsel vm15, $0x14, v17;
	vm4 =	vlt.s32 v11, $0x14;
	v13 =	vld.idx.msk [tilespmem:v13+s14+$0x0], $0xffff  }
0x3e1: {  	v21 =	vld [tilespmem:s31+$0x7420];
	v3 =	vcvt.f32.s32 v3;
	v18 =	vmul.f32 v18, v0;
	v11 =	vnsel vm4, $0x14, v11  }
0x3e2: {  	v23 =	vld [tilespmem:s1+$0x7420];
	v59 =	vcvt.f32.s32 v57;
	v22 =	vtrunc.f32 v63  }
0x3e3: {  	v19 =	vld [tilespmem:s30+$0x7450];
	v24 =	vtrunc.f32 v18;
	[tilespmem:s30+$0x7400] =	vst v7;
	v7 =	vcvt.f32.s32 v22  }
0x3e4: {  	v62 =	vld [tilespmem:s30+$0x7430];
	v2 =	vcvt.f32.s32 v2;
	vm14 =	vlt.s32 v59, $0x14;
	[tilespmem:s31+$0x7070] =	vst v8;
	v8 =	vcvt.f32.s32 v24  }
0x3e5: {  	vm5 =	vlt.s32 v7, $0x14;
	v12 =	vmul.f32 v53, v0;
	v10 =	vnsel vm14, $0x14, v59;
	v17 =	vld.idx.msk [tilespmem:v17+s14+$0x0], $0xffff;
	[tilespmem:s1+$0x7070] =	vst v13  }
0x3e6: {  	v26 =	vmul.f32 v21, v0;
	v7 =	vnsel vm5, $0x14, v7;
	vm6 =	vlt.s32 v8, $0x14;
	v11 =	vld.idx.msk [tilespmem:v11+s14+$0x0], $0xffff  }
0x3e7: {  	v27 =	vld [tilespmem:s31+$0x7430];
	v12 =	vtrunc.f32 v12;
	v9 =	vmul.f32 v23, v0;
	v8 =	vnsel vm6, $0x14, v8  }
0x3e8: {  	v20 =	vld [tilespmem:s1+$0x7430];
	v12 =	vcvt.f32.s32 v12;
	v13 =	vtrunc.f32 v26  }
0x3e9: {  	v28 =	vld [tilespmem:s30+$0x7440];
	v9 =	vtrunc.f32 v9;
	v13 =	vcvt.f32.s32 v13  }
0x3ea: {  	v6 =	vmul.f32 v58, v0;
	vm7 =	vlt.s32 v12, $0x14;
	v10 =	vld.idx.msk [tilespmem:v10+s14+$0x0], $0xffff;
	v9 =	vcvt.f32.s32 v9;
	[tilespmem:s31+$0x7400] =	vst v17  }
0x3eb: {  	v14 =	vmul.f32 v62, v0;
	v12 =	vnsel vm7, $0x14, v12;
	v7 =	vld.idx.msk [tilespmem:v7+s14+$0x0], $0xffff;
	vm8 =	vlt.s32 v13, $0x14;
	[tilespmem:s1+$0x7400] =	vst v11  }
0x3ec: {  	v30 =	vmul.f32 v27, v0;
	vm9 =	vlt.s32 v9, $0x14;
	v29 =	vnsel vm8, $0x14, v13;
	v8 =	vld.idx.msk [tilespmem:v8+s14+$0x0], $0xffff  }
0x3ed: {  	v20 =	vmul.f32 v20, v0;
	v31 =	vld [tilespmem:s31+$0x7440];
	v14 =	vtrunc.f32 v14;
	v9 =	vnsel vm9, $0x14, v9  }
0x3ee: {  	v22 =	vld [tilespmem:s1+$0x7440];
	v14 =	vcvt.f32.s32 v14;
	v13 =	vtrunc.f32 v30  }
0x3ef: {  	v25 =	vld [tilespmem:s31+$0x7460];
	v33 =	vtrunc.f32 v20;
	[tilespmem:s30+$0x7410] =	vst v10;
	v32 =	vcvt.f32.s32 v13  }
0x3f0: {  	v16 =	vmul.f32 v48, v0;
	v35 =	vcvt.f32.s32 v33;
	vm10 =	vlt.s32 v14, $0x14;
	v34 =	vld.idx.msk [tilespmem:v12+s14+$0x0], $0xffff;
	[tilespmem:s31+$0x7410] =	vst v7  }
0x3f1: {  	v37 =	vmul.f32 v28, v0;
	v36 =	vnsel vm10, $0x14, v14;
	vm11 =	vlt.s32 v32, $0x14;
	v11 =	vld.idx.msk [tilespmem:v29+s14+$0x0], $0xffff;
	[tilespmem:s1+$0x7410] =	vst v8  }
0x3f2: {  	vm12 =	vlt.s32 v35, $0x14;
	v38 =	vmul.f32 v31, v0;
	v10 =	vnsel vm11, $0x14, v32;
	v9 =	vld.idx.msk [tilespmem:v9+s14+$0x0], $0xffff  }
0x3f3: {  	v21 =	vld [tilespmem:s31+$0x7450];
	v39 =	vmul.f32 v22, v0;
	v12 =	vnsel vm12, $0x14, v35;
	v13 =	vtrunc.f32 v37  }
0x3f4: {  	[tilespmem:s29+$0x7430] =	vst v4;
	v42 =	vld [tilespmem:s1+$0x7450];
	v41 =	vtrunc.f32 v38;
	v40 =	vcvt.f32.s32 v13  }
0x3f5: {  	v5 =	vnsel vm0, $0x14, v5;
	v49 =	vld [tilespmem:s1+$0x7460];
	v43 =	vcvt.f32.s32 v41;
	v44 =	vtrunc.f32 v39;
	[tilespmem:s30+$0x7420] =	vst v34  }
0x3f6: {  	v6 =	vtrunc.f32 v6;
	v45 =	vcvt.f32.s32 v44;
	vm13 =	vlt.s32 v40, $0x14;
	v8 =	vld.idx.msk [tilespmem:v36+s14+$0x0], $0xffff;
	[tilespmem:s31+$0x7420] =	vst v11  }
0x3f7: {  	v46 =	vmul.f32 v19, v0;
	vm14 =	vlt.s32 v43, $0x14;
	v4 =	vnsel vm13, $0x14, v40;
	v10 =	vld.idx.msk [tilespmem:v10+s14+$0x0], $0xffff;
	[tilespmem:s1+$0x7420] =	vst v9  }
0x3f8: {  	v47 =	vmul.f32 v21, v0;
	vm15 =	vlt.s32 v45, $0x14;
	v7 =	vnsel vm14, $0x14, v43;
	v12 =	vld.idx.msk [tilespmem:v12+s14+$0x0], $0xffff  }
0x3f9: {  	v57 =	vld [tilespmem:s1+$0x7470];
	v14 =	vmul.f32 v42, v0;
	v13 =	vtrunc.f32 v46;
	v11 =	vnsel vm15, $0x14, v45  }
0x3fa: {  	v48 =	vld [tilespmem:s30+$0x7470];
	v13 =	vcvt.f32.s32 v13;
	v9 =	vtrunc.f32 v47  }
0x3fb: {  	v5 =	vld.idx.msk [tilespmem:v5+s14+$0x0], $0xffff;
	v14 =	vtrunc.f32 v14;
	vm4 =	vlt.s32 v3, $0x14;
	[tilespmem:s30+$0x7430] =	vst v8;
	v9 =	vcvt.f32.s32 v9  }
0x3fc: {  	v14 =	vcvt.f32.s32 v14;
	v3 =	vnsel vm4, $0x14, v3;
	vm5 =	vlt.s32 v13, $0x14;
	v4 =	vld.idx.msk [tilespmem:v4+s14+$0x0], $0xffff;
	[tilespmem:s31+$0x7430] =	vst v10  }
0x3fd: {  	v54 =	vmul.f32 v49, v0;
	v52 =	vnsel vm5, $0x14, v13;
	v7 =	vld.idx.msk [tilespmem:v7+s14+$0x0], $0xffff;
	vm6 =	vlt.s32 v9, $0x14;
	[tilespmem:s1+$0x7430] =	vst v12  }
0x3fe: {  	v53 =	vmul.f32 v25, v0;
	vm7 =	vlt.s32 v14, $0x14;
	v9 =	vnsel vm6, $0x14, v9;
	v11 =	vld.idx.msk [tilespmem:v11+s14+$0x0], $0xffff  }
0x3ff: {  	v60 =	vmul.f32 v48, v0;
	v55 =	vcvt.f32.s32 v6;
	v50 =	vld [tilespmem:s31+$0x7470];
	v14 =	vnsel vm7, $0x14, v14  }
0x400: {  	[tilespmem:s29+$0x7440] =	vst v5;
	v56 =	vtrunc.f32 v53;
	v59 =	vtrunc.f32 v54  }
0x401: {  	v58 =	vcvt.f32.s32 v56;
	v6 =	vcvt.f32.s32 v59;
	v3 =	vld.idx.msk [tilespmem:v3+s14+$0x0], $0xffff;
	vm8 =	vlt.s32 v2, $0x14;
	[tilespmem:s30+$0x7440] =	vst v4  }
0x402: {  	v51 =	vtrunc.f32 v16;
	vm9 =	vlt.s32 v55, $0x14;
	v2 =	vnsel vm8, $0x14, v2;
	v12 =	vld.idx.msk [tilespmem:v52+s14+$0x0], $0xffff;
	[tilespmem:s31+$0x7440] =	vst v7  }
0x403: {  	vm10 =	vlt.s32 v58, $0x14;
	v5 =	vnsel vm9, $0x14, v55;
	vm11 =	vlt.s32 v6, $0x14;
	v9 =	vld.idx.msk [tilespmem:v9+s14+$0x0], $0xffff;
	[tilespmem:s1+$0x7440] =	vst v11  }
0x404: {  	v13 =	vmul.f32 v57, v0;
	v8 =	vmul.f32 v50, v0;
	v4 =	vnsel vm10, $0x14, v58;
	v11 =	vld.idx.msk [tilespmem:v14+s14+$0x0], $0xffff  }
0x405: {  	v6 =	vnsel vm11, $0x14, v6;
	v10 =	vcvt.f32.s32 v51;
	v7 =	vtrunc.f32 v60  }
0x406: {  	[tilespmem:s29+$0x7450] =	vst v3;
	v61 =	vtrunc.f32 v8;
	v3 =	vcvt.f32.s32 v7  }
0x407: {  	v2 =	vld.idx.msk [tilespmem:v2+s14+$0x0], $0xffff;
	v62 =	vtrunc.f32 v13;
	vm12 =	vlt.s32 v10, $0x14;
	v7 =	vcvt.f32.s32 v61;
	[tilespmem:s30+$0x7450] =	vst v12  }
0x408: {  	v8 =	vcvt.f32.s32 v62;
	v10 =	vnsel vm12, $0x14, v10;
	vm13 =	vlt.s32 v3, $0x14;
	v5 =	vld.idx.msk [tilespmem:v5+s14+$0x0], $0xffff;
	[tilespmem:s31+$0x7450] =	vst v9  }
0x409: {  	vm14 =	vlt.s32 v7, $0x14;
	v3 =	vnsel vm13, $0x14, v3;
	v4 =	vld.idx.msk [tilespmem:v4+s14+$0x0], $0xffff;
	[tilespmem:s1+$0x7450] =	vst v11  }
0x40a: {  	vm15 =	vlt.s32 v8, $0x14;
	v7 =	vnsel vm14, $0x14, v7;
	v6 =	vld.idx.msk [tilespmem:v6+s14+$0x0], $0xffff  }
0x40b: {  	v8 =	vnsel vm15, $0x14, v8  }
0x40c: {  	[tilespmem:s29+$0x7460] =	vst v2  }
0x40d: {  	v2 =	vld.idx.msk [tilespmem:v10+s14+$0x0], $0xffff;
	[tilespmem:s30+$0x7460] =	vst v5  }
0x40e: {  	v3 =	vld.idx.msk [tilespmem:v3+s14+$0x0], $0xffff;
	[tilespmem:s31+$0x7460] =	vst v4  }
0x40f: {  	v4 =	vld.idx.msk [tilespmem:v7+s14+$0x0], $0xffff;
	[tilespmem:s1+$0x7460] =	vst v6  }
0x410: {  	v63 =	vld.idx.msk [tilespmem:v8+s14+$0x0], $0xffff  }
0x411: {  	[tilespmem:s28+$0x7470] =	vst v1  }
0x412: {  	[tilespmem:s29+$0x7470] =	vst v2  }
0x413: {  	[tilespmem:s30+$0x7470] =	vst v3  }
0x414: {  	[tilespmem:s31+$0x7470] =	vst v4  }
0x415: {  	[tilespmem:s1+$0x7470] =	vst v63  }
0x416: {  	[hbm4b:s12+s3] =	stream.linear.scatter [tilespmem:s19], [sflag:$0x9], $0x1000, $0x38;
	[tilespmem:$0x8080] =	vst v63  }
0x417: {  	_ =	swait.ge [sflag:s22], $0x1000  }
0x418: {  	[sflag:s22] =	ssyncset.done $0x0  }
0x419: {  	[sflag:s22] =	ssyncadd.s32 $0xFFFFF000  }
0x41a: {  	_ =	swait.ge [sflag:s23], $0x3000  }
0x41b: {  	[sflag:s23] =	ssyncset.done $0x0  }
0x41c: {  	s26 =	sadd.s32 $0x1, s26;
	[sflag:s23] =	ssyncadd.s32 $0xFFFFD000  }
0x41d: {  	p0 =	sne.s32 s26, s13;
	_ =	swait.ge [sflag:s24], $0x3000  }
.Ltmp4:
0x41e: {  	[sflag:s24] =	ssyncset.done $0x0;
	(pc) =	sbr.rel @p0 .LBB2_1-.Ltmp4, $4  }
0x41f: {  	[sflag:s24] =	ssyncadd.s32 $0xFFFFD000  }
0x420: {  	_ =	swait.ge [sflag:s25], $0x1000  }
0x421: {  	[sflag:s25] =	ssyncset.done $0x0  }
0x422: {  	[sflag:s25] =	ssyncadd.s32 $0xFFFFF000  }
0x423: {  	_ =	sfence.sel $0x180000  }
0x424: {  	[bflag:$0x0] =	sbarrier.arrive $0xFFFF  }
0x425: {  	_ =	strace $0x90000047  }
0x426: {  	s0 =	stileid.u32;
	[bflag:$0x2] =	sbarrier.arrive $0xFFFF  }
0x427: {  	p0 =	sne.s32 s0, $0x0;
	s0 =	rddreg [dreg:$0x3]  }
0x428: {  	s0 =	sadd.s32 @!p0 $0x100000, s0  }
0x429: {  	[sflag:s0] =	ssyncadd.tile.s32 @!p0 $0x1;
	_ =	shalt  }
.Lfunc_end2:
_tile_overlayer_lowered:
.L_overlay_start_2:
0x42a: {  	(tag) =	ssettag $0x2  }
0x42b: {  	s0 =	rddreg [dreg:$0x0];
	s2 =	stileid.u32  }
0x42c: {  	s1 =	rddreg [dreg:$0x1];
	p0 =	sne.s32 s2, $0x0  }
0x42d: {  	s3 =	rddreg [dreg:$0x2];
	[bflag:$0x3] =	sbarrier.arrive $0xFFFF;
	s2 =	simm.s32 @!p0 $0x1C0A  }
0x42e: {  	[timem:s3], [sflag:s2] =	dma.local @!p0 [hbm:s0], s1  }
0x42f: {  	s0 =	simm.s32 @!p0 $0xA  }
0x430: {  	_ =	swait.ge @!p0 [sflag:s0], s1  }
0x431: {  	s1 =	ssub.s32 @!p0 $0x0, s1;
	[sflag:s0] =	ssyncset.done @!p0 $0x0  }
0x432: {  	[sflag:s0] =	ssyncadd.s32 @!p0 s1  }
0x433: {  	[bflag:$0x3] =	sbarrier.arrive $0xFFFF  }
0x434: {  	_ =	shalt  }

</sc_bundles>
